<compile_context>
chip_gen: v7x
topology: tpu7x:2x2x1
jax: 0.10.2.dev20260603
libtpu: 0.0.44.dev20260713+nightly
codegen_flags: <defaults>
</compile_context>

<pallas_src>
import functools
import math

import jax
import jax.numpy as jnp
from jax.experimental import pallas as pl
from jax.experimental.pallas import tpu as pltpu
from jax.experimental.pallas import tpu_sc as plsc

POOL = 64
LENGTH = 16
D = 768
TOPK = 8
B = 4
S = 2048
NM = 3 * POOL

NWORK = 32
WPB = NWORK // B
XTC = 1536
SCR = S - XTC
RPW = SCR // WPB
RCH = 64
NCH = RPW // RCH
NLG = D // 16

LCH = 8
NSTEP = LENGTH // LCH

_HALF_PI = math.pi / 2.0



def _sc_mean_body(x_hbm, out_hbm, buf, accv, sem0, sem1):
    c = jax.lax.axis_index("c")
    s = jax.lax.axis_index("s")
    wid = s * 2 + c
    base = (wid // WPB) * S + (wid % WPB) * RPW
    sems = [sem0, sem1]
    cps = []
    cp0 = pltpu.make_async_copy(x_hbm.at[pl.ds(base, RCH)], buf.at[0], sems[0])
    cp0.start()
    cps.append(cp0)
    accs = tuple(jnp.zeros((16,), jnp.float32) for _ in range(NLG))
    for ch in range(NCH):
        if ch + 1 < NCH:
            nb = (ch + 1) % 2
            cpn = pltpu.make_async_copy(
                x_hbm.at[pl.ds(base + (ch + 1) * RCH, RCH)], buf.at[nb], sems[nb])
            cpn.start()
            cps.append(cpn)
        cps[ch].wait()

        def row_body(r, a, _b=ch % 2):
            return tuple(a[j] + buf[_b, r, pl.ds(16 * j, 16)] for j in range(NLG))

        accs = plsc.parallel_loop(0, RCH, 1, unroll=4, carry=accs)(row_body)
    for j in range(NLG):
        accv[0, pl.ds(16 * j, 16)] = accs[j]
    pltpu.sync_copy(accv, out_hbm.at[pl.ds(wid, 1)])


@functools.partial(
    pl.kernel,
    out_type=jax.ShapeDtypeStruct((NWORK, D), jnp.float32),
    mesh=plsc.VectorSubcoreMesh(core_axis_name="c", subcore_axis_name="s"),
    scratch_types=[
        pltpu.VMEM((2, RCH, D), jnp.float32),
        pltpu.VMEM((1, D), jnp.float32),
        pltpu.SemaphoreType.DMA,
        pltpu.SemaphoreType.DMA,
    ],
)
def _sc_mean(x_hbm, out_hbm, buf, accv, sem0, sem1):
    _sc_mean_body(x_hbm, out_hbm, buf, accv, sem0, sem1)



def _asin_poly(x):
    z = x * x
    p = jnp.float32(4.2163199048e-2)
    p = p * z + jnp.float32(2.4181311049e-2)
    p = p * z + jnp.float32(4.5470025998e-2)
    p = p * z + jnp.float32(7.4953002686e-2)
    p = p * z + jnp.float32(1.6666752422e-1)
    return x + x * z * p


def _arcsin01(x):
    s = jnp.sqrt(jnp.maximum(0.5 * (1.0 - x), 0.0))
    r_big = jnp.float32(_HALF_PI) - 2.0 * _asin_poly(s)
    return jnp.where(x > 0.5, r_big, _asin_poly(jnp.minimum(x, 0.5)))


def _l2n(v):
    ss = jnp.sum(v * v, axis=1, keepdims=True)
    return v * jax.lax.rsqrt(jnp.maximum(ss, 1e-12))


def _topk_weights(sim):
    vi = sim[:, :, None]
    vj = sim[:, None, :]
    ii = jax.lax.broadcasted_iota(jnp.int32, (B, POOL, POOL), 1)
    jj = jax.lax.broadcasted_iota(jnp.int32, (B, POOL, POOL), 2)
    beats = jnp.where((vi > vj) | ((vi == vj) & (ii < jj)), 1.0, 0.0)
    rank = jnp.sum(beats, axis=1)
    return jnp.where(rank < TOPK, jnp.float32(1.0 / TOPK), 0.0)


def _pair_ddl(blk, nrow, ncol):
    cos = blk / (nrow * ncol)
    return jnp.sum(_arcsin01(jnp.clip(cos, 0.0, 1.0)), keepdims=True)


def _cube(x):
    c = jnp.maximum(x, 1e-6)
    return c * c * c



def _gram_body(p_ref, a_ref, o_ref, xt_ref, ddl_ref, ortho_ref, xp_ref,
               gacc, xpacc):
    i = pl.program_id(0)

    xp = jnp.sum(xt_ref[...], axis=1)

    @pl.when(i == 0)
    def _():
        xpacc[...] = xp

    @pl.when(i == NSTEP - 1)
    def _():
        xp_ref[...] = xpacc[...] + xp

    g = None
    for j in range(LCH):
        mk = jnp.concatenate([p_ref[:, j], a_ref[:, j], o_ref[:, j]], axis=0)
        gj = jax.lax.dot_general(mk, mk, (((1,), (1,)), ((), ())),
                                 preferred_element_type=jnp.float32)
        g = gj if g is None else g + gj

    @pl.when(i == 0)
    def _():
        gacc[...] = g

    @pl.when(i == NSTEP - 1)
    def _():
        g_all = gacc[...] + g
        r = jax.lax.broadcasted_iota(jnp.int32, (NM, NM), 0)
        c = jax.lax.broadcasted_iota(jnp.int32, (NM, NM), 1)
        eye = jnp.where(r == c, 1.0, 0.0)
        geye = g_all * eye
        nrow = jnp.maximum(jnp.sqrt(jnp.sum(geye, axis=1, keepdims=True)), 1e-8)
        ncol = jnp.maximum(jnp.sqrt(jnp.sum(geye, axis=0, keepdims=True)), 1e-8)

        pp = g_all[0:POOL, 0:POOL]
        aa = g_all[POOL:2 * POOL, POOL:2 * POOL]
        oo = g_all[2 * POOL:NM, 2 * POOL:NM]
        ap = g_all[POOL:2 * POOL, 0:POOL]
        op = g_all[2 * POOL:NM, 0:POOL]
        ao = g_all[POOL:2 * POOL, 2 * POOL:NM]

        ddl = (_pair_ddl(ap, nrow[POOL:2 * POOL], ncol[:, 0:POOL])
               + _pair_ddl(op, nrow[2 * POOL:NM], ncol[:, 0:POOL])
               + _pair_ddl(ao, nrow[POOL:2 * POOL], ncol[:, 2 * POOL:NM]))
        ddl_ref[...] = ddl * jnp.float32(2.0 / (POOL * POOL))

        eye64 = eye[0:POOL, 0:POOL]
        ortho = (jnp.sum((pp - eye64) ** 2, keepdims=True)
                 + jnp.sum((aa - eye64) ** 2, keepdims=True)
                 + jnp.sum((oo - eye64) ** 2, keepdims=True))
        ortho_ref[...] = ortho * jnp.float32(1.0 / (POOL * POOL))



def _fin_body(xs_ref, xp_ref, p_ref, o_ref, pk_ref, ok_ref,
              sim_ref, osim_ref, bp_ref, bo_ref,
              wp_s, wo_s):
    i = pl.program_id(0)

    @pl.when(i == 0)
    def _():
        pr = jax.lax.broadcasted_iota(jnp.int32, (B, NWORK), 0)
        pc = jax.lax.broadcasted_iota(jnp.int32, (B, NWORK), 1)
        pair = jnp.where(pc // (NWORK // B) == pr, 1.0, 0.0)
        xmean = jax.lax.dot_general(pair, xs_ref[...], (((1,), (0,)), ((), ())),
                                    preferred_element_type=jnp.float32)
        xmean = xmean + xp_ref[...]
        xn = _l2n(xmean * jnp.float32(1.0 / S))
        pkn = _l2n(pk_ref[...])
        okn = _l2n(ok_ref[...])
        sim = jax.lax.dot_general(xn, pkn, (((1,), (1,)), ((), ())),
                                  preferred_element_type=jnp.float32)
        osim = jax.lax.dot_general(xn, okn, (((1,), (1,)), ((), ())),
                                   preferred_element_type=jnp.float32)
        sim_ref[...] = sim
        osim_ref[...] = osim
        wp_s[...] = _topk_weights(sim)
        wo_s[...] = _topk_weights(osim)

    third = jnp.float32(1.0 / 3.0)
    for j in range(LCH):
        gm = jax.lax.dot_general(wp_s[...], _cube(p_ref[:, j, :]),
                                 (((1,), (0,)), ((), ())),
                                 preferred_element_type=jnp.float32)
        go = jax.lax.dot_general(wo_s[...], _cube(o_ref[:, j, :]),
                                 (((1,), (0,)), ((), ())),
                                 preferred_element_type=jnp.float32)
        bp_ref[:, pl.ds(j, 1), :] = jnp.exp(jnp.log(gm) * third)[:, None, :]
        bo_ref[:, pl.ds(j, 1), :] = jnp.exp(jnp.log(go) * third)[:, None, :]



@jax.jit
def kernel(x_embed, prompt, prompt_key, attr_prompt, obj_prompt, obj_prompt_key):
    x2 = x_embed.reshape(B * S, D)

    xsum32 = _sc_mean(x2)

    lchunk = pl.BlockSpec((POOL, LCH, D), lambda i: (0, i, 0))
    full = lambda shape: pl.BlockSpec(shape, lambda i: (0,) * len(shape))

    xch = XTC // NSTEP
    nxb = S // xch
    ddl, ortho, xpart = pl.pallas_call(
        _gram_body,
        grid=(NSTEP,),
        in_specs=[
            lchunk, lchunk, lchunk,
            pl.BlockSpec((B, xch, D), lambda i: (0, nxb - NSTEP + i, 0)),
        ],
        out_specs=[full((1, 1)), full((1, 1)), full((B, D))],
        out_shape=[
            jax.ShapeDtypeStruct((1, 1), jnp.float32),
            jax.ShapeDtypeStruct((1, 1), jnp.float32),
            jax.ShapeDtypeStruct((B, D), jnp.float32),
        ],
        scratch_shapes=[
            pltpu.VMEM((NM, NM), jnp.float32),
            pltpu.VMEM((B, D), jnp.float32),
        ],
        compiler_params=pltpu.CompilerParams(
            dimension_semantics=("arbitrary",)),
    )(prompt, attr_prompt, obj_prompt, x_embed)

    outs = pl.pallas_call(
        _fin_body,
        grid=(NSTEP,),
        in_specs=[
            full((NWORK, D)), full((B, D)),
            lchunk, lchunk,
            full((POOL, D)), full((POOL, D)),
        ],
        out_specs=[
            full((B, POOL)), full((B, POOL)),
            pl.BlockSpec((B, LCH, D), lambda i: (0, i, 0)),
            pl.BlockSpec((B, LCH, D), lambda i: (0, i, 0)),
        ],
        out_shape=[
            jax.ShapeDtypeStruct((B, POOL), jnp.float32),
            jax.ShapeDtypeStruct((B, POOL), jnp.float32),
            jax.ShapeDtypeStruct((B, LENGTH, D), jnp.float32),
            jax.ShapeDtypeStruct((B, LENGTH, D), jnp.float32),
        ],
        scratch_shapes=[
            pltpu.VMEM((B, POOL), jnp.float32),
            pltpu.VMEM((B, POOL), jnp.float32),
        ],
        compiler_params=pltpu.CompilerParams(
            dimension_semantics=("arbitrary",)),
    )(xsum32, xpart, prompt, obj_prompt, prompt_key, obj_prompt_key)

    sim, osim, bp, bo = outs
    return (ddl[0, 0], ortho[0, 0], sim, osim, bp, bo)

# --- scband reference (transcript-rebuilt; emitter-appended) ---
"""Pipeline reference for scband-prompt-90288802497193 (READ-ONLY COPY).

The authoritative reference and input builder live on the scoring server;
editing this copy changes nothing except your own understanding.
"""

import jax, jax.numpy as jnp
import numpy as np
import math

POOL = 64
LENGTH = 16
D = 768
TOPK = 8
B = 4
S = 2048


def gem(x, p=3.0, eps=1e-06):
    # generalized-mean pooling over the top_k dimension: [B, k, L, D] -> [B, L, D]
    return jnp.mean(jnp.clip(x, eps, None) ** p, axis=1) ** (1.0 / p)


def l2_normalize(x, axis=None, eps=1e-12):
    ss = jnp.sum(x ** 2, axis=axis, keepdims=True)
    return x * jax.lax.rsqrt(jnp.maximum(ss, eps))


def ddl_loss(pa, pb, threshold):
    npa = pa.reshape(pa.shape[0], -1)
    npb = pb.reshape(pb.shape[0], -1)
    na = jnp.maximum(jnp.linalg.norm(npa, axis=1), 1e-08)
    nb = jnp.maximum(jnp.linalg.norm(npb, axis=1), 1e-08)
    cos = (npa @ npb.T) / (na[:, None] * nb[None, :])
    theta = jnp.arccos(jnp.clip(cos, -1.0, 1.0))
    thr = jnp.full_like(theta, threshold)
    return jnp.sum(jax.nn.relu(thr - theta)) * 2.0 / (npa.shape[0] * npb.shape[0])


def ortho_penalty(t):
    return jnp.mean((t @ t.T - jnp.eye(t.shape[0], dtype=t.dtype)) ** 2)


def setup_inputs(seed: int = 0):
    key = jax.random.key(seed)
    ks = jax.random.split(key, 6)
    x_embed = jax.random.normal(ks[0], (B, S, D), dtype=jnp.float32)
    prompt = jax.random.uniform(ks[1], (POOL, LENGTH, D), minval=-1.0, maxval=1.0, dtype=jnp.float32)
    prompt_key = jax.random.uniform(ks[2], (POOL, D), minval=-1.0, maxval=1.0, dtype=jnp.float32)
    attr_prompt = jax.random.uniform(ks[3], (POOL, LENGTH, D), minval=-1.0, maxval=1.0, dtype=jnp.float32)
    obj_prompt = jax.random.uniform(ks[4], (POOL, LENGTH, D), minval=-1.0, maxval=1.0, dtype=jnp.float32)
    obj_prompt_key = jax.random.uniform(ks[5], (POOL, D), minval=-1.0, maxval=1.0, dtype=jnp.float32)
    return {"x_embed": x_embed, "prompt": prompt, "prompt_key": prompt_key, "attr_prompt": attr_prompt, "obj_prompt": obj_prompt, "obj_prompt_key": obj_prompt_key}


def reference(x_embed, prompt, prompt_key, attr_prompt, obj_prompt, obj_prompt_key):
    # embedding_key == 'mean'
    x_embed_mean = jnp.mean(x_embed, axis=1)
    threshold = math.radians(90.0)
    ddl = (ddl_loss(attr_prompt, prompt, threshold)
           + ddl_loss(obj_prompt, prompt, threshold)
           + ddl_loss(attr_prompt, obj_prompt, threshold))
    ortho = (ortho_penalty(prompt.reshape(POOL, -1))
             + ortho_penalty(attr_prompt.reshape(POOL, -1))
             + ortho_penalty(obj_prompt.reshape(POOL, -1)))
    prompt_norm = l2_normalize(prompt_key, axis=1)
    x_embed_norm = l2_normalize(x_embed_mean, axis=1)
    obj_prompt_norm = l2_normalize(obj_prompt_key, axis=1)
    similarity = x_embed_norm @ prompt_norm.T
    obj_similarity = x_embed_norm @ obj_prompt_norm.T
    _, idx = jax.lax.top_k(similarity, TOPK)
    _, obj_idx = jax.lax.top_k(obj_similarity, TOPK)
    batched_prompt_raw = prompt[idx]          # [B, k, L, D] gather
    batched_prompt = gem(batched_prompt_raw)  # com_gem
    obj_batched_prompt_raw = obj_prompt[obj_idx]
    obj_batched_prompt = gem(obj_batched_prompt_raw)  # obj_gem
    return (ddl, ortho, similarity, obj_similarity, batched_prompt, obj_batched_prompt)

if __name__ == "__main__":
    import jax
    _d = setup_inputs()
    print(jax.jit(kernel)(*tuple(_d.values())))

</pallas_src>

<mosaic_0001>
#map = affine_map<(d0, d1) -> (0, 0)>
module attributes {stable_mosaic.version = 14 : i64} {
  func.func @_sc_mean(%arg0: i32, %arg1: i32, %arg2: memref<8192x768xf32, #tpu.memory_space<hbm>>, %arg3: memref<32x768xf32, #tpu.memory_space<hbm>>, %arg4: memref<2x64x768xf32, #tpu.memory_space<vmem>>, %arg5: memref<1x768xf32, #tpu.memory_space<vmem>>, %arg6: memref<!tpu.dma_semaphore, #tpu.memory_space<semaphore_mem>>, %arg7: memref<!tpu.dma_semaphore, #tpu.memory_space<semaphore_mem>>) attributes {dimension_semantics = [#tpu.dimension_semantics<core_parallel>, #tpu.dimension_semantics<subcore_parallel>], iteration_bounds = array<i64: 2, 16>, scalar_prefetch = 0 : i64, scratch_operands = 4 : i64, tpu.core_type = #tpu.core_type<sc_vector_subcore>, window_params = [{transform_indices = #map}, {transform_indices = #map}]} {
    %mul3A = arith.constant 2 : i32
    %mul3A_0 = arith.muli %arg1, %mul3A : i32
    %add3A = arith.addi %mul3A_0, %arg0 : i32
    %jit3A = arith.constant 8 : i32
    %div3A = arith.divsi %add3A, %jit3A : i32
    %sign3A = arith.constant 0 : i32
    %sign3A_1 = arith.cmpi sgt, %add3A, %sign3A : i32
    %sign3A_2 = arith.extui %sign3A_1 : i1 to i32
    %sign3A_3 = arith.constant 0 : i32
    %sign3A_4 = arith.cmpi slt, %add3A, %sign3A_3 : i32
    %sign3A_5 = arith.extui %sign3A_4 : i1 to i32
    %sign3A_6 = arith.subi %sign3A_2, %sign3A_5 : i32
    %sign3A_7 = arith.constant 0 : i32
    %sign3A_8 = arith.cmpi sgt, %jit3A, %sign3A_7 : i32
    %sign3A_9 = arith.extui %sign3A_8 : i1 to i32
    %sign3A_10 = arith.constant 0 : i32
    %sign3A_11 = arith.cmpi slt, %jit3A, %sign3A_10 : i32
    %sign3A_12 = arith.extui %sign3A_11 : i1 to i32
    %sign3A_13 = arith.subi %sign3A_9, %sign3A_12 : i32
    %ne3A = arith.cmpi ne, %sign3A_6, %sign3A_13 : i32
    %rem3A = arith.remsi %add3A, %jit3A : i32
    %ne3A_14 = arith.constant 0 : i32
    %ne3A_15 = arith.cmpi ne, %rem3A, %ne3A_14 : i32
    %and3A = arith.andi %ne3A, %ne3A_15 : i1
    %sub3A = arith.constant 1 : i32
    %sub3A_16 = arith.subi %div3A, %sub3A : i32
    %select_n3A = arith.select %and3A, %sub3A_16, %div3A : i32
    %mul3A_17 = arith.constant 2048 : i32
    %mul3A_18 = arith.muli %select_n3A, %mul3A_17 : i32
    %jit3A_19 = arith.constant 8 : i32
    %eq3A = arith.constant 0 : i32
    %eq3A_20 = arith.cmpi eq, %jit3A_19, %eq3A : i32
    %jit3A_21 = arith.constant 1 : i32
    %select_n3A_22 = arith.select %eq3A_20, %jit3A_21, %jit3A_19 : i32
    %rem3A_23 = arith.remsi %add3A, %select_n3A_22 : i32
    %ne3A_24 = arith.constant 0 : i32
    %ne3A_25 = arith.cmpi ne, %rem3A_23, %ne3A_24 : i32
    %lt3A = arith.constant 0 : i32
    %lt3A_26 = arith.cmpi slt, %rem3A_23, %lt3A : i32
    %lt3A_27 = arith.constant 0 : i32
    %lt3A_28 = arith.cmpi slt, %select_n3A_22, %lt3A_27 : i32
    %ne3A_29 = arith.xori %lt3A_26, %lt3A_28 : i1
    %and3A_30 = arith.andi %ne3A_29, %ne3A_25 : i1
    %add3A_31 = arith.addi %rem3A_23, %select_n3A_22 : i32
    %select_n3A_32 = arith.select %and3A_30, %add3A_31, %rem3A_23 : i32
    %mul3A_33 = arith.constant 64 : i32
    %mul3A_34 = arith.muli %select_n3A_32, %mul3A_33 : i32
    %add3A_35 = arith.addi %mul3A_18, %mul3A_34 : i32
    %dma_start3A = arith.constant 0 : i32
    %dma_start3A_36 = arith.constant 0 : i32
    %dma_start3A_37 = arith.constant 0 : i32
    %dma_start3A_38 = tpu.memref_slice %arg4[%dma_start3A, %dma_start3A_36, %dma_start3A_37] : memref<2x64x768xf32, #tpu.memory_space<vmem>> -> memref<1x64x768xf32, #tpu.memory_space<vmem>>
    %dma_start3A_39 = tpu.memref_squeeze %dma_start3A_38 : memref<1x64x768xf32, #tpu.memory_space<vmem>> -> memref<64x768xf32, #tpu.memory_space<vmem>>
    %dma_start3A_40 = arith.constant 0 : i32
    %dma_start3A_41 = tpu.memref_slice %arg2[%add3A_35, %dma_start3A_40] : memref<8192x768xf32, #tpu.memory_space<hbm>> -> memref<64x768xf32, #tpu.memory_space<hbm>>
    %dma_start3A_42 = arith.constant 0 : i32
    %dma_start3A_43 = arith.constant 0 : i32
    %dma_start3A_44 = tpu.memref_slice %arg4[%dma_start3A, %dma_start3A_42, %dma_start3A_43] : memref<2x64x768xf32, #tpu.memory_space<vmem>> -> memref<1x64x768xf32, #tpu.memory_space<vmem>>
    %dma_start3A_45 = tpu.memref_squeeze %dma_start3A_44 : memref<1x64x768xf32, #tpu.memory_space<vmem>> -> memref<64x768xf32, #tpu.memory_space<vmem>>
    %dma_start3A_46 = arith.constant 0 : i32
    %dma_start3A_47 = tpu.memref_slice %arg2[%add3A_35, %dma_start3A_46] : memref<8192x768xf32, #tpu.memory_space<hbm>> -> memref<64x768xf32, #tpu.memory_space<hbm>>
    tpu.enqueue_dma source(%dma_start3A_47 : memref<64x768xf32, #tpu.memory_space<hbm>>) target(%dma_start3A_45 : memref<64x768xf32, #tpu.memory_space<vmem>>) target_semaphore(%arg6 : memref<!tpu.dma_semaphore, #tpu.memory_space<semaphore_mem>>)
    %broadcast_in_dim3A = arith.constant 0.000000e+00 : f32
    %broadcast_in_dim3A_48 = vector.broadcast %broadcast_in_dim3A : f32 to vector<16xf32>
    %broadcast_in_dim3A_49 = arith.constant 0.000000e+00 : f32
    %broadcast_in_dim3A_50 = vector.broadcast %broadcast_in_dim3A_49 : f32 to vector<16xf32>
    %broadcast_in_dim3A_51 = arith.constant 0.000000e+00 : f32
    %broadcast_in_dim3A_52 = vector.broadcast %broadcast_in_dim3A_51 : f32 to vector<16xf32>
    %broadcast_in_dim3A_53 = arith.constant 0.000000e+00 : f32
    %broadcast_in_dim3A_54 = vector.broadcast %broadcast_in_dim3A_53 : f32 to vector<16xf32>
    %broadcast_in_dim3A_55 = arith.constant 0.000000e+00 : f32
    %broadcast_in_dim3A_56 = vector.broadcast %broadcast_in_dim3A_55 : f32 to vector<16xf32>
    %broadcast_in_dim3A_57 = arith.constant 0.000000e+00 : f32
    %broadcast_in_dim3A_58 = vector.broadcast %broadcast_in_dim3A_57 : f32 to vector<16xf32>
    %broadcast_in_dim3A_59 = arith.constant 0.000000e+00 : f32
    %broadcast_in_dim3A_60 = vector.broadcast %broadcast_in_dim3A_59 : f32 to vector<16xf32>
    %broadcast_in_dim3A_61 = arith.constant 0.000000e+00 : f32
    %broadcast_in_dim3A_62 = vector.broadcast %broadcast_in_dim3A_61 : f32 to vector<16xf32>
    %broadcast_in_dim3A_63 = arith.constant 0.000000e+00 : f32
    %broadcast_in_dim3A_64 = vector.broadcast %broadcast_in_dim3A_63 : f32 to vector<16xf32>
    %broadcast_in_dim3A_65 = arith.constant 0.000000e+00 : f32
    %broadcast_in_dim3A_66 = vector.broadcast %broadcast_in_dim3A_65 : f32 to vector<16xf32>
    %broadcast_in_dim3A_67 = arith.constant 0.000000e+00 : f32
    %broadcast_in_dim3A_68 = vector.broadcast %broadcast_in_dim3A_67 : f32 to vector<16xf32>
    %broadcast_in_dim3A_69 = arith.constant 0.000000e+00 : f32
    %broadcast_in_dim3A_70 = vector.broadcast %broadcast_in_dim3A_69 : f32 to vector<16xf32>
    %broadcast_in_dim3A_71 = arith.constant 0.000000e+00 : f32
    %broadcast_in_dim3A_72 = vector.broadcast %broadcast_in_dim3A_71 : f32 to vector<16xf32>
    %broadcast_in_dim3A_73 = arith.constant 0.000000e+00 : f32
    %broadcast_in_dim3A_74 = vector.broadcast %broadcast_in_dim3A_73 : f32 to vector<16xf32>
    %broadcast_in_dim3A_75 = arith.constant 0.000000e+00 : f32
    %broadcast_in_dim3A_76 = vector.broadcast %broadcast_in_dim3A_75 : f32 to vector<16xf32>
    %broadcast_in_dim3A_77 = arith.constant 0.000000e+00 : f32
    %broadcast_in_dim3A_78 = vector.broadcast %broadcast_in_dim3A_77 : f32 to vector<16xf32>
    %broadcast_in_dim3A_79 = arith.constant 0.000000e+00 : f32
    %broadcast_in_dim3A_80 = vector.broadcast %broadcast_in_dim3A_79 : f32 to vector<16xf32>
    %broadcast_in_dim3A_81 = arith.constant 0.000000e+00 : f32
    %broadcast_in_dim3A_82 = vector.broadcast %broadcast_in_dim3A_81 : f32 to vector<16xf32>
    %broadcast_in_dim3A_83 = arith.constant 0.000000e+00 : f32
    %broadcast_in_dim3A_84 = vector.broadcast %broadcast_in_dim3A_83 : f32 to vector<16xf32>
    %broadcast_in_dim3A_85 = arith.constant 0.000000e+00 : f32
    %broadcast_in_dim3A_86 = vector.broadcast %broadcast_in_dim3A_85 : f32 to vector<16xf32>
    %broadcast_in_dim3A_87 = arith.constant 0.000000e+00 : f32
    %broadcast_in_dim3A_88 = vector.broadcast %broadcast_in_dim3A_87 : f32 to vector<16xf32>
    %broadcast_in_dim3A_89 = arith.constant 0.000000e+00 : f32
    %broadcast_in_dim3A_90 = vector.broadcast %broadcast_in_dim3A_89 : f32 to vector<16xf32>
    %broadcast_in_dim3A_91 = arith.constant 0.000000e+00 : f32
    %broadcast_in_dim3A_92 = vector.broadcast %broadcast_in_dim3A_91 : f32 to vector<16xf32>
    %broadcast_in_dim3A_93 = arith.constant 0.000000e+00 : f32
    %broadcast_in_dim3A_94 = vector.broadcast %broadcast_in_dim3A_93 : f32 to vector<16xf32>
    %broadcast_in_dim3A_95 = arith.constant 0.000000e+00 : f32
    %broadcast_in_dim3A_96 = vector.broadcast %broadcast_in_dim3A_95 : f32 to vector<16xf32>
    %broadcast_in_dim3A_97 = arith.constant 0.000000e+00 : f32
    %broadcast_in_dim3A_98 = vector.broadcast %broadcast_in_dim3A_97 : f32 to vector<16xf32>
    %broadcast_in_dim3A_99 = arith.constant 0.000000e+00 : f32
    %broadcast_in_dim3A_100 = vector.broadcast %broadcast_in_dim3A_99 : f32 to vector<16xf32>
    %broadcast_in_dim3A_101 = arith.constant 0.000000e+00 : f32
    %broadcast_in_dim3A_102 = vector.broadcast %broadcast_in_dim3A_101 : f32 to vector<16xf32>
    %broadcast_in_dim3A_103 = arith.constant 0.000000e+00 : f32
    %broadcast_in_dim3A_104 = vector.broadcast %broadcast_in_dim3A_103 : f32 to vector<16xf32>
    %broadcast_in_dim3A_105 = arith.constant 0.000000e+00 : f32
    %broadcast_in_dim3A_106 = vector.broadcast %broadcast_in_dim3A_105 : f32 to vector<16xf32>
    %broadcast_in_dim3A_107 = arith.constant 0.000000e+00 : f32
    %broadcast_in_dim3A_108 = vector.broadcast %broadcast_in_dim3A_107 : f32 to vector<16xf32>
    %broadcast_in_dim3A_109 = arith.constant 0.000000e+00 : f32
    %broadcast_in_dim3A_110 = vector.broadcast %broadcast_in_dim3A_109 : f32 to vector<16xf32>
    %broadcast_in_dim3A_111 = arith.constant 0.000000e+00 : f32
    %broadcast_in_dim3A_112 = vector.broadcast %broadcast_in_dim3A_111 : f32 to vector<16xf32>
    %broadcast_in_dim3A_113 = arith.constant 0.000000e+00 : f32
    %broadcast_in_dim3A_114 = vector.broadcast %broadcast_in_dim3A_113 : f32 to vector<16xf32>
    %broadcast_in_dim3A_115 = arith.constant 0.000000e+00 : f32
    %broadcast_in_dim3A_116 = vector.broadcast %broadcast_in_dim3A_115 : f32 to vector<16xf32>
    %broadcast_in_dim3A_117 = arith.constant 0.000000e+00 : f32
    %broadcast_in_dim3A_118 = vector.broadcast %broadcast_in_dim3A_117 : f32 to vector<16xf32>
    %broadcast_in_dim3A_119 = arith.constant 0.000000e+00 : f32
    %broadcast_in_dim3A_120 = vector.broadcast %broadcast_in_dim3A_119 : f32 to vector<16xf32>
    %broadcast_in_dim3A_121 = arith.constant 0.000000e+00 : f32
    %broadcast_in_dim3A_122 = vector.broadcast %broadcast_in_dim3A_121 : f32 to vector<16xf32>
    %broadcast_in_dim3A_123 = arith.constant 0.000000e+00 : f32
    %broadcast_in_dim3A_124 = vector.broadcast %broadcast_in_dim3A_123 : f32 to vector<16xf32>
    %broadcast_in_dim3A_125 = arith.constant 0.000000e+00 : f32
    %broadcast_in_dim3A_126 = vector.broadcast %broadcast_in_dim3A_125 : f32 to vector<16xf32>
    %broadcast_in_dim3A_127 = arith.constant 0.000000e+00 : f32
    %broadcast_in_dim3A_128 = vector.broadcast %broadcast_in_dim3A_127 : f32 to vector<16xf32>
    %broadcast_in_dim3A_129 = arith.constant 0.000000e+00 : f32
    %broadcast_in_dim3A_130 = vector.broadcast %broadcast_in_dim3A_129 : f32 to vector<16xf32>
    %broadcast_in_dim3A_131 = arith.constant 0.000000e+00 : f32
    %broadcast_in_dim3A_132 = vector.broadcast %broadcast_in_dim3A_131 : f32 to vector<16xf32>
    %broadcast_in_dim3A_133 = arith.constant 0.000000e+00 : f32
    %broadcast_in_dim3A_134 = vector.broadcast %broadcast_in_dim3A_133 : f32 to vector<16xf32>
    %broadcast_in_dim3A_135 = arith.constant 0.000000e+00 : f32
    %broadcast_in_dim3A_136 = vector.broadcast %broadcast_in_dim3A_135 : f32 to vector<16xf32>
    %broadcast_in_dim3A_137 = arith.constant 0.000000e+00 : f32
    %broadcast_in_dim3A_138 = vector.broadcast %broadcast_in_dim3A_137 : f32 to vector<16xf32>
    %broadcast_in_dim3A_139 = arith.constant 0.000000e+00 : f32
    %broadcast_in_dim3A_140 = vector.broadcast %broadcast_in_dim3A_139 : f32 to vector<16xf32>
    %broadcast_in_dim3A_141 = arith.constant 0.000000e+00 : f32
    %broadcast_in_dim3A_142 = vector.broadcast %broadcast_in_dim3A_141 : f32 to vector<16xf32>
    %dma_wait3A = arith.constant 0 : i32
    %dma_wait3A_143 = arith.constant 0 : i32
    %dma_wait3A_144 = arith.constant 0 : i32
    %dma_wait3A_145 = tpu.memref_slice %arg4[%dma_wait3A, %dma_wait3A_143, %dma_wait3A_144] : memref<2x64x768xf32, #tpu.memory_space<vmem>> -> memref<1x64x768xf32, #tpu.memory_space<vmem>>
    %dma_wait3A_146 = tpu.memref_squeeze %dma_wait3A_145 : memref<1x64x768xf32, #tpu.memory_space<vmem>> -> memref<64x768xf32, #tpu.memory_space<vmem>>
    %dma_wait3A_147 = arith.constant 0 : i32
    %dma_wait3A_148 = tpu.memref_slice %arg2[%add3A_35, %dma_wait3A_147] : memref<8192x768xf32, #tpu.memory_space<hbm>> -> memref<64x768xf32, #tpu.memory_space<hbm>>
    %dma_wait3A_149 = arith.constant 0 : i32
    %dma_wait3A_150 = arith.constant 0 : i32
    %dma_wait3A_151 = tpu.memref_slice %arg4[%dma_wait3A, %dma_wait3A_149, %dma_wait3A_150] : memref<2x64x768xf32, #tpu.memory_space<vmem>> -> memref<1x64x768xf32, #tpu.memory_space<vmem>>
    %dma_wait3A_152 = tpu.memref_squeeze %dma_wait3A_151 : memref<1x64x768xf32, #tpu.memory_space<vmem>> -> memref<64x768xf32, #tpu.memory_space<vmem>>
    %dma_wait3A_153 = arith.constant 0 : i32
    %dma_wait3A_154 = tpu.memref_slice %arg2[%add3A_35, %dma_wait3A_153] : memref<8192x768xf32, #tpu.memory_space<hbm>> -> memref<64x768xf32, #tpu.memory_space<hbm>>
    tpu.wait_dma2 semaphore(%arg6 : memref<!tpu.dma_semaphore, #tpu.memory_space<semaphore_mem>>) src(%dma_wait3A_154 : memref<64x768xf32, #tpu.memory_space<hbm>>) dst(%dma_wait3A_152 : memref<64x768xf32, #tpu.memory_space<vmem>>)
    %parallel_loop3A = arith.constant 0 : i32
    %parallel_loop3A_155 = arith.constant 64 : i32
    %parallel_loop3A_156 = arith.constant 1 : i32
    %parallel_loop3A_157:48 = scf.for %parallel_loop3A_445 = %parallel_loop3A to %parallel_loop3A_155 step %parallel_loop3A_156 iter_args(%parallel_loop3A_446 = %broadcast_in_dim3A_48, %parallel_loop3A_447 = %broadcast_in_dim3A_50, %parallel_loop3A_448 = %broadcast_in_dim3A_52, %parallel_loop3A_449 = %broadcast_in_dim3A_54, %parallel_loop3A_450 = %broadcast_in_dim3A_56, %parallel_loop3A_451 = %broadcast_in_dim3A_58, %parallel_loop3A_452 = %broadcast_in_dim3A_60, %parallel_loop3A_453 = %broadcast_in_dim3A_62, %parallel_loop3A_454 = %broadcast_in_dim3A_64, %parallel_loop3A_455 = %broadcast_in_dim3A_66, %parallel_loop3A_456 = %broadcast_in_dim3A_68, %parallel_loop3A_457 = %broadcast_in_dim3A_70, %parallel_loop3A_458 = %broadcast_in_dim3A_72, %parallel_loop3A_459 = %broadcast_in_dim3A_74, %parallel_loop3A_460 = %broadcast_in_dim3A_76, %parallel_loop3A_461 = %broadcast_in_dim3A_78, %parallel_loop3A_462 = %broadcast_in_dim3A_80, %parallel_loop3A_463 = %broadcast_in_dim3A_82, %parallel_loop3A_464 = %broadcast_in_dim3A_84, %parallel_loop3A_465 = %broadcast_in_dim3A_86, %parallel_loop3A_466 = %broadcast_in_dim3A_88, %parallel_loop3A_467 = %broadcast_in_dim3A_90, %parallel_loop3A_468 = %broadcast_in_dim3A_92, %parallel_loop3A_469 = %broadcast_in_dim3A_94, %parallel_loop3A_470 = %broadcast_in_dim3A_96, %parallel_loop3A_471 = %broadcast_in_dim3A_98, %parallel_loop3A_472 = %broadcast_in_dim3A_100, %parallel_loop3A_473 = %broadcast_in_dim3A_102, %parallel_loop3A_474 = %broadcast_in_dim3A_104, %parallel_loop3A_475 = %broadcast_in_dim3A_106, %parallel_loop3A_476 = %broadcast_in_dim3A_108, %parallel_loop3A_477 = %broadcast_in_dim3A_110, %parallel_loop3A_478 = %broadcast_in_dim3A_112, %parallel_loop3A_479 = %broadcast_in_dim3A_114, %parallel_loop3A_480 = %broadcast_in_dim3A_116, %parallel_loop3A_481 = %broadcast_in_dim3A_118, %parallel_loop3A_482 = %broadcast_in_dim3A_120, %parallel_loop3A_483 = %broadcast_in_dim3A_122, %parallel_loop3A_484 = %broadcast_in_dim3A_124, %parallel_loop3A_485 = %broadcast_in_dim3A_126, %parallel_loop3A_486 = %broadcast_in_dim3A_128, %parallel_loop3A_487 = %broadcast_in_dim3A_130, %parallel_loop3A_488 = %broadcast_in_dim3A_132, %parallel_loop3A_489 = %broadcast_in_dim3A_134, %parallel_loop3A_490 = %broadcast_in_dim3A_136, %parallel_loop3A_491 = %broadcast_in_dim3A_138, %parallel_loop3A_492 = %broadcast_in_dim3A_140, %parallel_loop3A_493 = %broadcast_in_dim3A_142) -> (vector<16xf32>, vector<16xf32>, vector<16xf32>, vector<16xf32>, vector<16xf32>, vector<16xf32>, vector<16xf32>, vector<16xf32>, vector<16xf32>, vector<16xf32>, vector<16xf32>, vector<16xf32>, vector<16xf32>, vector<16xf32>, vector<16xf32>, vector<16xf32>, vector<16xf32>, vector<16xf32>, vector<16xf32>, vector<16xf32>, vector<16xf32>, vector<16xf32>, vector<16xf32>, vector<16xf32>, vector<16xf32>, vector<16xf32>, vector<16xf32>, vector<16xf32>, vector<16xf32>, vector<16xf32>, vector<16xf32>, vector<16xf32>, vector<16xf32>, vector<16xf32>, vector<16xf32>, vector<16xf32>, vector<16xf32>, vector<16xf32>, vector<16xf32>, vector<16xf32>, vector<16xf32>, vector<16xf32>, vector<16xf32>, vector<16xf32>, vector<16xf32>, vector<16xf32>, vector<16xf32>, vector<16xf32>)  : i32 {
      %parallel_loop3A_494 = arith.constant 0 : i32
      %parallel_loop3A_495 = arith.index_cast %parallel_loop3A_494 : i32 to index
      %parallel_loop3A_496 = arith.index_cast %parallel_loop3A_445 : i32 to index
      %parallel_loop3A_497 = arith.constant 0 : index
      %parallel_loop3A_498 = tpu.vector_load %arg4[%parallel_loop3A_495, %parallel_loop3A_496, %parallel_loop3A_497] {strides = array<i32>} : memref<2x64x768xf32, #tpu.memory_space<vmem>>, vector<1x1x16xf32>,
      %parallel_loop3A_499 = vector.shape_cast %parallel_loop3A_498 : vector<1x1x16xf32> to vector<16xf32>
      %parallel_loop3A_500 = arith.addf %parallel_loop3A_446, %parallel_loop3A_499 : vector<16xf32>
      %parallel_loop3A_501 = arith.constant 0 : i32
      %parallel_loop3A_502 = arith.index_cast %parallel_loop3A_501 : i32 to index
      %parallel_loop3A_503 = arith.index_cast %parallel_loop3A_445 : i32 to index
      %parallel_loop3A_504 = arith.constant 16 : index
      %parallel_loop3A_505 = tpu.vector_load %arg4[%parallel_loop3A_502, %parallel_loop3A_503, %parallel_loop3A_504] {strides = array<i32>} : memref<2x64x768xf32, #tpu.memory_space<vmem>>, vector<1x1x16xf32>,
      %parallel_loop3A_506 = vector.shape_cast %parallel_loop3A_505 : vector<1x1x16xf32> to vector<16xf32>
      %parallel_loop3A_507 = arith.addf %parallel_loop3A_447, %parallel_loop3A_506 : vector<16xf32>
      %parallel_loop3A_508 = arith.constant 0 : i32
      %parallel_loop3A_509 = arith.index_cast %parallel_loop3A_508 : i32 to index
      %parallel_loop3A_510 = arith.index_cast %parallel_loop3A_445 : i32 to index
      %parallel_loop3A_511 = arith.constant 32 : index
      %parallel_loop3A_512 = tpu.vector_load %arg4[%parallel_loop3A_509, %parallel_loop3A_510, %parallel_loop3A_511] {strides = array<i32>} : memref<2x64x768xf32, #tpu.memory_space<vmem>>, vector<1x1x16xf32>,
      %parallel_loop3A_513 = vector.shape_cast %parallel_loop3A_512 : vector<1x1x16xf32> to vector<16xf32>
      %parallel_loop3A_514 = arith.addf %parallel_loop3A_448, %parallel_loop3A_513 : vector<16xf32>
      %parallel_loop3A_515 = arith.constant 0 : i32
      %parallel_loop3A_516 = arith.index_cast %parallel_loop3A_515 : i32 to index
      %parallel_loop3A_517 = arith.index_cast %parallel_loop3A_445 : i32 to index
      %parallel_loop3A_518 = arith.constant 48 : index
      %parallel_loop3A_519 = tpu.vector_load %arg4[%parallel_loop3A_516, %parallel_loop3A_517, %parallel_loop3A_518] {strides = array<i32>} : memref<2x64x768xf32, #tpu.memory_space<vmem>>, vector<1x1x16xf32>,
      %parallel_loop3A_520 = vector.shape_cast %parallel_loop3A_519 : vector<1x1x16xf32> to vector<16xf32>
      %parallel_loop3A_521 = arith.addf %parallel_loop3A_449, %parallel_loop3A_520 : vector<16xf32>
      %parallel_loop3A_522 = arith.constant 0 : i32
      %parallel_loop3A_523 = arith.index_cast %parallel_loop3A_522 : i32 to index
      %parallel_loop3A_524 = arith.index_cast %parallel_loop3A_445 : i32 to index
      %parallel_loop3A_525 = arith.constant 64 : index
      %parallel_loop3A_526 = tpu.vector_load %arg4[%parallel_loop3A_523, %parallel_loop3A_524, %parallel_loop3A_525] {strides = array<i32>} : memref<2x64x768xf32, #tpu.memory_space<vmem>>, vector<1x1x16xf32>,
      %parallel_loop3A_527 = vector.shape_cast %parallel_loop3A_526 : vector<1x1x16xf32> to vector<16xf32>
      %parallel_loop3A_528 = arith.addf %parallel_loop3A_450, %parallel_loop3A_527 : vector<16xf32>
      %parallel_loop3A_529 = arith.constant 0 : i32
      %parallel_loop3A_530 = arith.index_cast %parallel_loop3A_529 : i32 to index
      %parallel_loop3A_531 = arith.index_cast %parallel_loop3A_445 : i32 to index
      %parallel_loop3A_532 = arith.constant 80 : index
      %parallel_loop3A_533 = tpu.vector_load %arg4[%parallel_loop3A_530, %parallel_loop3A_531, %parallel_loop3A_532] {strides = array<i32>} : memref<2x64x768xf32, #tpu.memory_space<vmem>>, vector<1x1x16xf32>,
      %parallel_loop3A_534 = vector.shape_cast %parallel_loop3A_533 : vector<1x1x16xf32> to vector<16xf32>
      %parallel_loop3A_535 = arith.addf %parallel_loop3A_451, %parallel_loop3A_534 : vector<16xf32>
      %parallel_loop3A_536 = arith.constant 0 : i32
      %parallel_loop3A_537 = arith.index_cast %parallel_loop3A_536 : i32 to index
      %parallel_loop3A_538 = arith.index_cast %parallel_loop3A_445 : i32 to index
      %parallel_loop3A_539 = arith.constant 96 : index
      %parallel_loop3A_540 = tpu.vector_load %arg4[%parallel_loop3A_537, %parallel_loop3A_538, %parallel_loop3A_539] {strides = array<i32>} : memref<2x64x768xf32, #tpu.memory_space<vmem>>, vector<1x1x16xf32>,
      %parallel_loop3A_541 = vector.shape_cast %parallel_loop3A_540 : vector<1x1x16xf32> to vector<16xf32>
      %parallel_loop3A_542 = arith.addf %parallel_loop3A_452, %parallel_loop3A_541 : vector<16xf32>
      %parallel_loop3A_543 = arith.constant 0 : i32
      %parallel_loop3A_544 = arith.index_cast %parallel_loop3A_543 : i32 to index
      %parallel_loop3A_545 = arith.index_cast %parallel_loop3A_445 : i32 to index
      %parallel_loop3A_546 = arith.constant 112 : index
      %parallel_loop3A_547 = tpu.vector_load %arg4[%parallel_loop3A_544, %parallel_loop3A_545, %parallel_loop3A_546] {strides = array<i32>} : memref<2x64x768xf32, #tpu.memory_space<vmem>>, vector<1x1x16xf32>,
      %parallel_loop3A_548 = vector.shape_cast %parallel_loop3A_547 : vector<1x1x16xf32> to vector<16xf32>
      %parallel_loop3A_549 = arith.addf %parallel_loop3A_453, %parallel_loop3A_548 : vector<16xf32>
      %parallel_loop3A_550 = arith.constant 0 : i32
      %parallel_loop3A_551 = arith.index_cast %parallel_loop3A_550 : i32 to index
      %parallel_loop3A_552 = arith.index_cast %parallel_loop3A_445 : i32 to index
      %parallel_loop3A_553 = arith.constant 128 : index
      %parallel_loop3A_554 = tpu.vector_load %arg4[%parallel_loop3A_551, %parallel_loop3A_552, %parallel_loop3A_553] {strides = array<i32>} : memref<2x64x768xf32, #tpu.memory_space<vmem>>, vector<1x1x16xf32>,
      %parallel_loop3A_555 = vector.shape_cast %parallel_loop3A_554 : vector<1x1x16xf32> to vector<16xf32>
      %parallel_loop3A_556 = arith.addf %parallel_loop3A_454, %parallel_loop3A_555 : vector<16xf32>
      %parallel_loop3A_557 = arith.constant 0 : i32
      %parallel_loop3A_558 = arith.index_cast %parallel_loop3A_557 : i32 to index
      %parallel_loop3A_559 = arith.index_cast %parallel_loop3A_445 : i32 to index
      %parallel_loop3A_560 = arith.constant 144 : index
      %parallel_loop3A_561 = tpu.vector_load %arg4[%parallel_loop3A_558, %parallel_loop3A_559, %parallel_loop3A_560] {strides = array<i32>} : memref<2x64x768xf32, #tpu.memory_space<vmem>>, vector<1x1x16xf32>,
      %parallel_loop3A_562 = vector.shape_cast %parallel_loop3A_561 : vector<1x1x16xf32> to vector<16xf32>
      %parallel_loop3A_563 = arith.addf %parallel_loop3A_455, %parallel_loop3A_562 : vector<16xf32>
      %parallel_loop3A_564 = arith.constant 0 : i32
      %parallel_loop3A_565 = arith.index_cast %parallel_loop3A_564 : i32 to index
      %parallel_loop3A_566 = arith.index_cast %parallel_loop3A_445 : i32 to index
      %parallel_loop3A_567 = arith.constant 160 : index
      %parallel_loop3A_568 = tpu.vector_load %arg4[%parallel_loop3A_565, %parallel_loop3A_566, %parallel_loop3A_567] {strides = array<i32>} : memref<2x64x768xf32, #tpu.memory_space<vmem>>, vector<1x1x16xf32>,
      %parallel_loop3A_569 = vector.shape_cast %parallel_loop3A_568 : vector<1x1x16xf32> to vector<16xf32>
      %parallel_loop3A_570 = arith.addf %parallel_loop3A_456, %parallel_loop3A_569 : vector<16xf32>
      %parallel_loop3A_571 = arith.constant 0 : i32
      %parallel_loop3A_572 = arith.index_cast %parallel_loop3A_571 : i32 to index
      %parallel_loop3A_573 = arith.index_cast %parallel_loop3A_445 : i32 to index
      %parallel_loop3A_574 = arith.constant 176 : index
      %parallel_loop3A_575 = tpu.vector_load %arg4[%parallel_loop3A_572, %parallel_loop3A_573, %parallel_loop3A_574] {strides = array<i32>} : memref<2x64x768xf32, #tpu.memory_space<vmem>>, vector<1x1x16xf32>,
      %parallel_loop3A_576 = vector.shape_cast %parallel_loop3A_575 : vector<1x1x16xf32> to vector<16xf32>
      %parallel_loop3A_577 = arith.addf %parallel_loop3A_457, %parallel_loop3A_576 : vector<16xf32>
      %parallel_loop3A_578 = arith.constant 0 : i32
      %parallel_loop3A_579 = arith.index_cast %parallel_loop3A_578 : i32 to index
      %parallel_loop3A_580 = arith.index_cast %parallel_loop3A_445 : i32 to index
      %parallel_loop3A_581 = arith.constant 192 : index
      %parallel_loop3A_582 = tpu.vector_load %arg4[%parallel_loop3A_579, %parallel_loop3A_580, %parallel_loop3A_581] {strides = array<i32>} : memref<2x64x768xf32, #tpu.memory_space<vmem>>, vector<1x1x16xf32>,
      %parallel_loop3A_583 = vector.shape_cast %parallel_loop3A_582 : vector<1x1x16xf32> to vector<16xf32>
      %parallel_loop3A_584 = arith.addf %parallel_loop3A_458, %parallel_loop3A_583 : vector<16xf32>
      %parallel_loop3A_585 = arith.constant 0 : i32
      %parallel_loop3A_586 = arith.index_cast %parallel_loop3A_585 : i32 to index
      %parallel_loop3A_587 = arith.index_cast %parallel_loop3A_445 : i32 to index
      %parallel_loop3A_588 = arith.constant 208 : index
      %parallel_loop3A_589 = tpu.vector_load %arg4[%parallel_loop3A_586, %parallel_loop3A_587, %parallel_loop3A_588] {strides = array<i32>} : memref<2x64x768xf32, #tpu.memory_space<vmem>>, vector<1x1x16xf32>,
      %parallel_loop3A_590 = vector.shape_cast %parallel_loop3A_589 : vector<1x1x16xf32> to vector<16xf32>
      %parallel_loop3A_591 = arith.addf %parallel_loop3A_459, %parallel_loop3A_590 : vector<16xf32>
      %parallel_loop3A_592 = arith.constant 0 : i32
      %parallel_loop3A_593 = arith.index_cast %parallel_loop3A_592 : i32 to index
      %parallel_loop3A_594 = arith.index_cast %parallel_loop3A_445 : i32 to index
      %parallel_loop3A_595 = arith.constant 224 : index
      %parallel_loop3A_596 = tpu.vector_load %arg4[%parallel_loop3A_593, %parallel_loop3A_594, %parallel_loop3A_595] {strides = array<i32>} : memref<2x64x768xf32, #tpu.memory_space<vmem>>, vector<1x1x16xf32>,
      %parallel_loop3A_597 = vector.shape_cast %parallel_loop3A_596 : vector<1x1x16xf32> to vector<16xf32>
      %parallel_loop3A_598 = arith.addf %parallel_loop3A_460, %parallel_loop3A_597 : vector<16xf32>
      %parallel_loop3A_599 = arith.constant 0 : i32
      %parallel_loop3A_600 = arith.index_cast %parallel_loop3A_599 : i32 to index
      %parallel_loop3A_601 = arith.index_cast %parallel_loop3A_445 : i32 to index
      %parallel_loop3A_602 = arith.constant 240 : index
      %parallel_loop3A_603 = tpu.vector_load %arg4[%parallel_loop3A_600, %parallel_loop3A_601, %parallel_loop3A_602] {strides = array<i32>} : memref<2x64x768xf32, #tpu.memory_space<vmem>>, vector<1x1x16xf32>,
      %parallel_loop3A_604 = vector.shape_cast %parallel_loop3A_603 : vector<1x1x16xf32> to vector<16xf32>
      %parallel_loop3A_605 = arith.addf %parallel_loop3A_461, %parallel_loop3A_604 : vector<16xf32>
      %parallel_loop3A_606 = arith.constant 0 : i32
      %parallel_loop3A_607 = arith.index_cast %parallel_loop3A_606 : i32 to index
      %parallel_loop3A_608 = arith.index_cast %parallel_loop3A_445 : i32 to index
      %parallel_loop3A_609 = arith.constant 256 : index
      %parallel_loop3A_610 = tpu.vector_load %arg4[%parallel_loop3A_607, %parallel_loop3A_608, %parallel_loop3A_609] {strides = array<i32>} : memref<2x64x768xf32, #tpu.memory_space<vmem>>, vector<1x1x16xf32>,
      %parallel_loop3A_611 = vector.shape_cast %parallel_loop3A_610 : vector<1x1x16xf32> to vector<16xf32>
      %parallel_loop3A_612 = arith.addf %parallel_loop3A_462, %parallel_loop3A_611 : vector<16xf32>
      %parallel_loop3A_613 = arith.constant 0 : i32
      %parallel_loop3A_614 = arith.index_cast %parallel_loop3A_613 : i32 to index
      %parallel_loop3A_615 = arith.index_cast %parallel_loop3A_445 : i32 to index
      %parallel_loop3A_616 = arith.constant 272 : index
      %parallel_loop3A_617 = tpu.vector_load %arg4[%parallel_loop3A_614, %parallel_loop3A_615, %parallel_loop3A_616] {strides = array<i32>} : memref<2x64x768xf32, #tpu.memory_space<vmem>>, vector<1x1x16xf32>,
      %parallel_loop3A_618 = vector.shape_cast %parallel_loop3A_617 : vector<1x1x16xf32> to vector<16xf32>
      %parallel_loop3A_619 = arith.addf %parallel_loop3A_463, %parallel_loop3A_618 : vector<16xf32>
      %parallel_loop3A_620 = arith.constant 0 : i32
      %parallel_loop3A_621 = arith.index_cast %parallel_loop3A_620 : i32 to index
      %parallel_loop3A_622 = arith.index_cast %parallel_loop3A_445 : i32 to index
      %parallel_loop3A_623 = arith.constant 288 : index
      %parallel_loop3A_624 = tpu.vector_load %arg4[%parallel_loop3A_621, %parallel_loop3A_622, %parallel_loop3A_623] {strides = array<i32>} : memref<2x64x768xf32, #tpu.memory_space<vmem>>, vector<1x1x16xf32>,
      %parallel_loop3A_625 = vector.shape_cast %parallel_loop3A_624 : vector<1x1x16xf32> to vector<16xf32>
      %parallel_loop3A_626 = arith.addf %parallel_loop3A_464, %parallel_loop3A_625 : vector<16xf32>
      %parallel_loop3A_627 = arith.constant 0 : i32
      %parallel_loop3A_628 = arith.index_cast %parallel_loop3A_627 : i32 to index
      %parallel_loop3A_629 = arith.index_cast %parallel_loop3A_445 : i32 to index
      %parallel_loop3A_630 = arith.constant 304 : index
      %parallel_loop3A_631 = tpu.vector_load %arg4[%parallel_loop3A_628, %parallel_loop3A_629, %parallel_loop3A_630] {strides = array<i32>} : memref<2x64x768xf32, #tpu.memory_space<vmem>>, vector<1x1x16xf32>,
      %parallel_loop3A_632 = vector.shape_cast %parallel_loop3A_631 : vector<1x1x16xf32> to vector<16xf32>
      %parallel_loop3A_633 = arith.addf %parallel_loop3A_465, %parallel_loop3A_632 : vector<16xf32>
      %parallel_loop3A_634 = arith.constant 0 : i32
      %parallel_loop3A_635 = arith.index_cast %parallel_loop3A_634 : i32 to index
      %parallel_loop3A_636 = arith.index_cast %parallel_loop3A_445 : i32 to index
      %parallel_loop3A_637 = arith.constant 320 : index
      %parallel_loop3A_638 = tpu.vector_load %arg4[%parallel_loop3A_635, %parallel_loop3A_636, %parallel_loop3A_637] {strides = array<i32>} : memref<2x64x768xf32, #tpu.memory_space<vmem>>, vector<1x1x16xf32>,
      %parallel_loop3A_639 = vector.shape_cast %parallel_loop3A_638 : vector<1x1x16xf32> to vector<16xf32>
      %parallel_loop3A_640 = arith.addf %parallel_loop3A_466, %parallel_loop3A_639 : vector<16xf32>
      %parallel_loop3A_641 = arith.constant 0 : i32
      %parallel_loop3A_642 = arith.index_cast %parallel_loop3A_641 : i32 to index
      %parallel_loop3A_643 = arith.index_cast %parallel_loop3A_445 : i32 to index
      %parallel_loop3A_644 = arith.constant 336 : index
      %parallel_loop3A_645 = tpu.vector_load %arg4[%parallel_loop3A_642, %parallel_loop3A_643, %parallel_loop3A_644] {strides = array<i32>} : memref<2x64x768xf32, #tpu.memory_space<vmem>>, vector<1x1x16xf32>,
      %parallel_loop3A_646 = vector.shape_cast %parallel_loop3A_645 : vector<1x1x16xf32> to vector<16xf32>
      %parallel_loop3A_647 = arith.addf %parallel_loop3A_467, %parallel_loop3A_646 : vector<16xf32>
      %parallel_loop3A_648 = arith.constant 0 : i32
      %parallel_loop3A_649 = arith.index_cast %parallel_loop3A_648 : i32 to index
      %parallel_loop3A_650 = arith.index_cast %parallel_loop3A_445 : i32 to index
      %parallel_loop3A_651 = arith.constant 352 : index
      %parallel_loop3A_652 = tpu.vector_load %arg4[%parallel_loop3A_649, %parallel_loop3A_650, %parallel_loop3A_651] {strides = array<i32>} : memref<2x64x768xf32, #tpu.memory_space<vmem>>, vector<1x1x16xf32>,
      %parallel_loop3A_653 = vector.shape_cast %parallel_loop3A_652 : vector<1x1x16xf32> to vector<16xf32>
      %parallel_loop3A_654 = arith.addf %parallel_loop3A_468, %parallel_loop3A_653 : vector<16xf32>
      %parallel_loop3A_655 = arith.constant 0 : i32
      %parallel_loop3A_656 = arith.index_cast %parallel_loop3A_655 : i32 to index
      %parallel_loop3A_657 = arith.index_cast %parallel_loop3A_445 : i32 to index
      %parallel_loop3A_658 = arith.constant 368 : index
      %parallel_loop3A_659 = tpu.vector_load %arg4[%parallel_loop3A_656, %parallel_loop3A_657, %parallel_loop3A_658] {strides = array<i32>} : memref<2x64x768xf32, #tpu.memory_space<vmem>>, vector<1x1x16xf32>,
      %parallel_loop3A_660 = vector.shape_cast %parallel_loop3A_659 : vector<1x1x16xf32> to vector<16xf32>
      %parallel_loop3A_661 = arith.addf %parallel_loop3A_469, %parallel_loop3A_660 : vector<16xf32>
      %parallel_loop3A_662 = arith.constant 0 : i32
      %parallel_loop3A_663 = arith.index_cast %parallel_loop3A_662 : i32 to index
      %parallel_loop3A_664 = arith.index_cast %parallel_loop3A_445 : i32 to index
      %parallel_loop3A_665 = arith.constant 384 : index
      %parallel_loop3A_666 = tpu.vector_load %arg4[%parallel_loop3A_663, %parallel_loop3A_664, %parallel_loop3A_665] {strides = array<i32>} : memref<2x64x768xf32, #tpu.memory_space<vmem>>, vector<1x1x16xf32>,
      %parallel_loop3A_667 = vector.shape_cast %parallel_loop3A_666 : vector<1x1x16xf32> to vector<16xf32>
      %parallel_loop3A_668 = arith.addf %parallel_loop3A_470, %parallel_loop3A_667 : vector<16xf32>
      %parallel_loop3A_669 = arith.constant 0 : i32
      %parallel_loop3A_670 = arith.index_cast %parallel_loop3A_669 : i32 to index
      %parallel_loop3A_671 = arith.index_cast %parallel_loop3A_445 : i32 to index
      %parallel_loop3A_672 = arith.constant 400 : index
      %parallel_loop3A_673 = tpu.vector_load %arg4[%parallel_loop3A_670, %parallel_loop3A_671, %parallel_loop3A_672] {strides = array<i32>} : memref<2x64x768xf32, #tpu.memory_space<vmem>>, vector<1x1x16xf32>,
      %parallel_loop3A_674 = vector.shape_cast %parallel_loop3A_673 : vector<1x1x16xf32> to vector<16xf32>
      %parallel_loop3A_675 = arith.addf %parallel_loop3A_471, %parallel_loop3A_674 : vector<16xf32>
      %parallel_loop3A_676 = arith.constant 0 : i32
      %parallel_loop3A_677 = arith.index_cast %parallel_loop3A_676 : i32 to index
      %parallel_loop3A_678 = arith.index_cast %parallel_loop3A_445 : i32 to index
      %parallel_loop3A_679 = arith.constant 416 : index
      %parallel_loop3A_680 = tpu.vector_load %arg4[%parallel_loop3A_677, %parallel_loop3A_678, %parallel_loop3A_679] {strides = array<i32>} : memref<2x64x768xf32, #tpu.memory_space<vmem>>, vector<1x1x16xf32>,
      %parallel_loop3A_681 = vector.shape_cast %parallel_loop3A_680 : vector<1x1x16xf32> to vector<16xf32>
      %parallel_loop3A_682 = arith.addf %parallel_loop3A_472, %parallel_loop3A_681 : vector<16xf32>
      %parallel_loop3A_683 = arith.constant 0 : i32
      %parallel_loop3A_684 = arith.index_cast %parallel_loop3A_683 : i32 to index
      %parallel_loop3A_685 = arith.index_cast %parallel_loop3A_445 : i32 to index
      %parallel_loop3A_686 = arith.constant 432 : index
      %parallel_loop3A_687 = tpu.vector_load %arg4[%parallel_loop3A_684, %parallel_loop3A_685, %parallel_loop3A_686] {strides = array<i32>} : memref<2x64x768xf32, #tpu.memory_space<vmem>>, vector<1x1x16xf32>,
      %parallel_loop3A_688 = vector.shape_cast %parallel_loop3A_687 : vector<1x1x16xf32> to vector<16xf32>
      %parallel_loop3A_689 = arith.addf %parallel_loop3A_473, %parallel_loop3A_688 : vector<16xf32>
      %parallel_loop3A_690 = arith.constant 0 : i32
      %parallel_loop3A_691 = arith.index_cast %parallel_loop3A_690 : i32 to index
      %parallel_loop3A_692 = arith.index_cast %parallel_loop3A_445 : i32 to index
      %parallel_loop3A_693 = arith.constant 448 : index
      %parallel_loop3A_694 = tpu.vector_load %arg4[%parallel_loop3A_691, %parallel_loop3A_692, %parallel_loop3A_693] {strides = array<i32>} : memref<2x64x768xf32, #tpu.memory_space<vmem>>, vector<1x1x16xf32>,
      %parallel_loop3A_695 = vector.shape_cast %parallel_loop3A_694 : vector<1x1x16xf32> to vector<16xf32>
      %parallel_loop3A_696 = arith.addf %parallel_loop3A_474, %parallel_loop3A_695 : vector<16xf32>
      %parallel_loop3A_697 = arith.constant 0 : i32
      %parallel_loop3A_698 = arith.index_cast %parallel_loop3A_697 : i32 to index
      %parallel_loop3A_699 = arith.index_cast %parallel_loop3A_445 : i32 to index
      %parallel_loop3A_700 = arith.constant 464 : index
      %parallel_loop3A_701 = tpu.vector_load %arg4[%parallel_loop3A_698, %parallel_loop3A_699, %parallel_loop3A_700] {strides = array<i32>} : memref<2x64x768xf32, #tpu.memory_space<vmem>>, vector<1x1x16xf32>,
      %parallel_loop3A_702 = vector.shape_cast %parallel_loop3A_701 : vector<1x1x16xf32> to vector<16xf32>
      %parallel_loop3A_703 = arith.addf %parallel_loop3A_475, %parallel_loop3A_702 : vector<16xf32>
      %parallel_loop3A_704 = arith.constant 0 : i32
      %parallel_loop3A_705 = arith.index_cast %parallel_loop3A_704 : i32 to index
      %parallel_loop3A_706 = arith.index_cast %parallel_loop3A_445 : i32 to index
      %parallel_loop3A_707 = arith.constant 480 : index
      %parallel_loop3A_708 = tpu.vector_load %arg4[%parallel_loop3A_705, %parallel_loop3A_706, %parallel_loop3A_707] {strides = array<i32>} : memref<2x64x768xf32, #tpu.memory_space<vmem>>, vector<1x1x16xf32>,
      %parallel_loop3A_709 = vector.shape_cast %parallel_loop3A_708 : vector<1x1x16xf32> to vector<16xf32>
      %parallel_loop3A_710 = arith.addf %parallel_loop3A_476, %parallel_loop3A_709 : vector<16xf32>
      %parallel_loop3A_711 = arith.constant 0 : i32
      %parallel_loop3A_712 = arith.index_cast %parallel_loop3A_711 : i32 to index
      %parallel_loop3A_713 = arith.index_cast %parallel_loop3A_445 : i32 to index
      %parallel_loop3A_714 = arith.constant 496 : index
      %parallel_loop3A_715 = tpu.vector_load %arg4[%parallel_loop3A_712, %parallel_loop3A_713, %parallel_loop3A_714] {strides = array<i32>} : memref<2x64x768xf32, #tpu.memory_space<vmem>>, vector<1x1x16xf32>,
      %parallel_loop3A_716 = vector.shape_cast %parallel_loop3A_715 : vector<1x1x16xf32> to vector<16xf32>
      %parallel_loop3A_717 = arith.addf %parallel_loop3A_477, %parallel_loop3A_716 : vector<16xf32>
      %parallel_loop3A_718 = arith.constant 0 : i32
      %parallel_loop3A_719 = arith.index_cast %parallel_loop3A_718 : i32 to index
      %parallel_loop3A_720 = arith.index_cast %parallel_loop3A_445 : i32 to index
      %parallel_loop3A_721 = arith.constant 512 : index
      %parallel_loop3A_722 = tpu.vector_load %arg4[%parallel_loop3A_719, %parallel_loop3A_720, %parallel_loop3A_721] {strides = array<i32>} : memref<2x64x768xf32, #tpu.memory_space<vmem>>, vector<1x1x16xf32>,
      %parallel_loop3A_723 = vector.shape_cast %parallel_loop3A_722 : vector<1x1x16xf32> to vector<16xf32>
      %parallel_loop3A_724 = arith.addf %parallel_loop3A_478, %parallel_loop3A_723 : vector<16xf32>
      %parallel_loop3A_725 = arith.constant 0 : i32
      %parallel_loop3A_726 = arith.index_cast %parallel_loop3A_725 : i32 to index
      %parallel_loop3A_727 = arith.index_cast %parallel_loop3A_445 : i32 to index
      %parallel_loop3A_728 = arith.constant 528 : index
      %parallel_loop3A_729 = tpu.vector_load %arg4[%parallel_loop3A_726, %parallel_loop3A_727, %parallel_loop3A_728] {strides = array<i32>} : memref<2x64x768xf32, #tpu.memory_space<vmem>>, vector<1x1x16xf32>,
      %parallel_loop3A_730 = vector.shape_cast %parallel_loop3A_729 : vector<1x1x16xf32> to vector<16xf32>
      %parallel_loop3A_731 = arith.addf %parallel_loop3A_479, %parallel_loop3A_730 : vector<16xf32>
      %parallel_loop3A_732 = arith.constant 0 : i32
      %parallel_loop3A_733 = arith.index_cast %parallel_loop3A_732 : i32 to index
      %parallel_loop3A_734 = arith.index_cast %parallel_loop3A_445 : i32 to index
      %parallel_loop3A_735 = arith.constant 544 : index
      %parallel_loop3A_736 = tpu.vector_load %arg4[%parallel_loop3A_733, %parallel_loop3A_734, %parallel_loop3A_735] {strides = array<i32>} : memref<2x64x768xf32, #tpu.memory_space<vmem>>, vector<1x1x16xf32>,
      %parallel_loop3A_737 = vector.shape_cast %parallel_loop3A_736 : vector<1x1x16xf32> to vector<16xf32>
      %parallel_loop3A_738 = arith.addf %parallel_loop3A_480, %parallel_loop3A_737 : vector<16xf32>
      %parallel_loop3A_739 = arith.constant 0 : i32
      %parallel_loop3A_740 = arith.index_cast %parallel_loop3A_739 : i32 to index
      %parallel_loop3A_741 = arith.index_cast %parallel_loop3A_445 : i32 to index
      %parallel_loop3A_742 = arith.constant 560 : index
      %parallel_loop3A_743 = tpu.vector_load %arg4[%parallel_loop3A_740, %parallel_loop3A_741, %parallel_loop3A_742] {strides = array<i32>} : memref<2x64x768xf32, #tpu.memory_space<vmem>>, vector<1x1x16xf32>,
      %parallel_loop3A_744 = vector.shape_cast %parallel_loop3A_743 : vector<1x1x16xf32> to vector<16xf32>
      %parallel_loop3A_745 = arith.addf %parallel_loop3A_481, %parallel_loop3A_744 : vector<16xf32>
      %parallel_loop3A_746 = arith.constant 0 : i32
      %parallel_loop3A_747 = arith.index_cast %parallel_loop3A_746 : i32 to index
      %parallel_loop3A_748 = arith.index_cast %parallel_loop3A_445 : i32 to index
      %parallel_loop3A_749 = arith.constant 576 : index
      %parallel_loop3A_750 = tpu.vector_load %arg4[%parallel_loop3A_747, %parallel_loop3A_748, %parallel_loop3A_749] {strides = array<i32>} : memref<2x64x768xf32, #tpu.memory_space<vmem>>, vector<1x1x16xf32>,
      %parallel_loop3A_751 = vector.shape_cast %parallel_loop3A_750 : vector<1x1x16xf32> to vector<16xf32>
      %parallel_loop3A_752 = arith.addf %parallel_loop3A_482, %parallel_loop3A_751 : vector<16xf32>
      %parallel_loop3A_753 = arith.constant 0 : i32
      %parallel_loop3A_754 = arith.index_cast %parallel_loop3A_753 : i32 to index
      %parallel_loop3A_755 = arith.index_cast %parallel_loop3A_445 : i32 to index
      %parallel_loop3A_756 = arith.constant 592 : index
      %parallel_loop3A_757 = tpu.vector_load %arg4[%parallel_loop3A_754, %parallel_loop3A_755, %parallel_loop3A_756] {strides = array<i32>} : memref<2x64x768xf32, #tpu.memory_space<vmem>>, vector<1x1x16xf32>,
      %parallel_loop3A_758 = vector.shape_cast %parallel_loop3A_757 : vector<1x1x16xf32> to vector<16xf32>
      %parallel_loop3A_759 = arith.addf %parallel_loop3A_483, %parallel_loop3A_758 : vector<16xf32>
      %parallel_loop3A_760 = arith.constant 0 : i32
      %parallel_loop3A_761 = arith.index_cast %parallel_loop3A_760 : i32 to index
      %parallel_loop3A_762 = arith.index_cast %parallel_loop3A_445 : i32 to index
      %parallel_loop3A_763 = arith.constant 608 : index
      %parallel_loop3A_764 = tpu.vector_load %arg4[%parallel_loop3A_761, %parallel_loop3A_762, %parallel_loop3A_763] {strides = array<i32>} : memref<2x64x768xf32, #tpu.memory_space<vmem>>, vector<1x1x16xf32>,
      %parallel_loop3A_765 = vector.shape_cast %parallel_loop3A_764 : vector<1x1x16xf32> to vector<16xf32>
      %parallel_loop3A_766 = arith.addf %parallel_loop3A_484, %parallel_loop3A_765 : vector<16xf32>
      %parallel_loop3A_767 = arith.constant 0 : i32
      %parallel_loop3A_768 = arith.index_cast %parallel_loop3A_767 : i32 to index
      %parallel_loop3A_769 = arith.index_cast %parallel_loop3A_445 : i32 to index
      %parallel_loop3A_770 = arith.constant 624 : index
      %parallel_loop3A_771 = tpu.vector_load %arg4[%parallel_loop3A_768, %parallel_loop3A_769, %parallel_loop3A_770] {strides = array<i32>} : memref<2x64x768xf32, #tpu.memory_space<vmem>>, vector<1x1x16xf32>,
      %parallel_loop3A_772 = vector.shape_cast %parallel_loop3A_771 : vector<1x1x16xf32> to vector<16xf32>
      %parallel_loop3A_773 = arith.addf %parallel_loop3A_485, %parallel_loop3A_772 : vector<16xf32>
      %parallel_loop3A_774 = arith.constant 0 : i32
      %parallel_loop3A_775 = arith.index_cast %parallel_loop3A_774 : i32 to index
      %parallel_loop3A_776 = arith.index_cast %parallel_loop3A_445 : i32 to index
      %parallel_loop3A_777 = arith.constant 640 : index
      %parallel_loop3A_778 = tpu.vector_load %arg4[%parallel_loop3A_775, %parallel_loop3A_776, %parallel_loop3A_777] {strides = array<i32>} : memref<2x64x768xf32, #tpu.memory_space<vmem>>, vector<1x1x16xf32>,
      %parallel_loop3A_779 = vector.shape_cast %parallel_loop3A_778 : vector<1x1x16xf32> to vector<16xf32>
      %parallel_loop3A_780 = arith.addf %parallel_loop3A_486, %parallel_loop3A_779 : vector<16xf32>
      %parallel_loop3A_781 = arith.constant 0 : i32
      %parallel_loop3A_782 = arith.index_cast %parallel_loop3A_781 : i32 to index
      %parallel_loop3A_783 = arith.index_cast %parallel_loop3A_445 : i32 to index
      %parallel_loop3A_784 = arith.constant 656 : index
      %parallel_loop3A_785 = tpu.vector_load %arg4[%parallel_loop3A_782, %parallel_loop3A_783, %parallel_loop3A_784] {strides = array<i32>} : memref<2x64x768xf32, #tpu.memory_space<vmem>>, vector<1x1x16xf32>,
      %parallel_loop3A_786 = vector.shape_cast %parallel_loop3A_785 : vector<1x1x16xf32> to vector<16xf32>
      %parallel_loop3A_787 = arith.addf %parallel_loop3A_487, %parallel_loop3A_786 : vector<16xf32>
      %parallel_loop3A_788 = arith.constant 0 : i32
      %parallel_loop3A_789 = arith.index_cast %parallel_loop3A_788 : i32 to index
      %parallel_loop3A_790 = arith.index_cast %parallel_loop3A_445 : i32 to index
      %parallel_loop3A_791 = arith.constant 672 : index
      %parallel_loop3A_792 = tpu.vector_load %arg4[%parallel_loop3A_789, %parallel_loop3A_790, %parallel_loop3A_791] {strides = array<i32>} : memref<2x64x768xf32, #tpu.memory_space<vmem>>, vector<1x1x16xf32>,
      %parallel_loop3A_793 = vector.shape_cast %parallel_loop3A_792 : vector<1x1x16xf32> to vector<16xf32>
      %parallel_loop3A_794 = arith.addf %parallel_loop3A_488, %parallel_loop3A_793 : vector<16xf32>
      %parallel_loop3A_795 = arith.constant 0 : i32
      %parallel_loop3A_796 = arith.index_cast %parallel_loop3A_795 : i32 to index
      %parallel_loop3A_797 = arith.index_cast %parallel_loop3A_445 : i32 to index
      %parallel_loop3A_798 = arith.constant 688 : index
      %parallel_loop3A_799 = tpu.vector_load %arg4[%parallel_loop3A_796, %parallel_loop3A_797, %parallel_loop3A_798] {strides = array<i32>} : memref<2x64x768xf32, #tpu.memory_space<vmem>>, vector<1x1x16xf32>,
      %parallel_loop3A_800 = vector.shape_cast %parallel_loop3A_799 : vector<1x1x16xf32> to vector<16xf32>
      %parallel_loop3A_801 = arith.addf %parallel_loop3A_489, %parallel_loop3A_800 : vector<16xf32>
      %parallel_loop3A_802 = arith.constant 0 : i32
      %parallel_loop3A_803 = arith.index_cast %parallel_loop3A_802 : i32 to index
      %parallel_loop3A_804 = arith.index_cast %parallel_loop3A_445 : i32 to index
      %parallel_loop3A_805 = arith.constant 704 : index
      %parallel_loop3A_806 = tpu.vector_load %arg4[%parallel_loop3A_803, %parallel_loop3A_804, %parallel_loop3A_805] {strides = array<i32>} : memref<2x64x768xf32, #tpu.memory_space<vmem>>, vector<1x1x16xf32>,
      %parallel_loop3A_807 = vector.shape_cast %parallel_loop3A_806 : vector<1x1x16xf32> to vector<16xf32>
      %parallel_loop3A_808 = arith.addf %parallel_loop3A_490, %parallel_loop3A_807 : vector<16xf32>
      %parallel_loop3A_809 = arith.constant 0 : i32
      %parallel_loop3A_810 = arith.index_cast %parallel_loop3A_809 : i32 to index
      %parallel_loop3A_811 = arith.index_cast %parallel_loop3A_445 : i32 to index
      %parallel_loop3A_812 = arith.constant 720 : index
      %parallel_loop3A_813 = tpu.vector_load %arg4[%parallel_loop3A_810, %parallel_loop3A_811, %parallel_loop3A_812] {strides = array<i32>} : memref<2x64x768xf32, #tpu.memory_space<vmem>>, vector<1x1x16xf32>,
      %parallel_loop3A_814 = vector.shape_cast %parallel_loop3A_813 : vector<1x1x16xf32> to vector<16xf32>
      %parallel_loop3A_815 = arith.addf %parallel_loop3A_491, %parallel_loop3A_814 : vector<16xf32>
      %parallel_loop3A_816 = arith.constant 0 : i32
      %parallel_loop3A_817 = arith.index_cast %parallel_loop3A_816 : i32 to index
      %parallel_loop3A_818 = arith.index_cast %parallel_loop3A_445 : i32 to index
      %parallel_loop3A_819 = arith.constant 736 : index
      %parallel_loop3A_820 = tpu.vector_load %arg4[%parallel_loop3A_817, %parallel_loop3A_818, %parallel_loop3A_819] {strides = array<i32>} : memref<2x64x768xf32, #tpu.memory_space<vmem>>, vector<1x1x16xf32>,
      %parallel_loop3A_821 = vector.shape_cast %parallel_loop3A_820 : vector<1x1x16xf32> to vector<16xf32>
      %parallel_loop3A_822 = arith.addf %parallel_loop3A_492, %parallel_loop3A_821 : vector<16xf32>
      %parallel_loop3A_823 = arith.constant 0 : i32
      %parallel_loop3A_824 = arith.index_cast %parallel_loop3A_823 : i32 to index
      %parallel_loop3A_825 = arith.index_cast %parallel_loop3A_445 : i32 to index
      %parallel_loop3A_826 = arith.constant 752 : index
      %parallel_loop3A_827 = tpu.vector_load %arg4[%parallel_loop3A_824, %parallel_loop3A_825, %parallel_loop3A_826] {strides = array<i32>} : memref<2x64x768xf32, #tpu.memory_space<vmem>>, vector<1x1x16xf32>,
      %parallel_loop3A_828 = vector.shape_cast %parallel_loop3A_827 : vector<1x1x16xf32> to vector<16xf32>
      %parallel_loop3A_829 = arith.addf %parallel_loop3A_493, %parallel_loop3A_828 : vector<16xf32>
      scf.yield %parallel_loop3A_500, %parallel_loop3A_507, %parallel_loop3A_514, %parallel_loop3A_521, %parallel_loop3A_528, %parallel_loop3A_535, %parallel_loop3A_542, %parallel_loop3A_549, %parallel_loop3A_556, %parallel_loop3A_563, %parallel_loop3A_570, %parallel_loop3A_577, %parallel_loop3A_584, %parallel_loop3A_591, %parallel_loop3A_598, %parallel_loop3A_605, %parallel_loop3A_612, %parallel_loop3A_619, %parallel_loop3A_626, %parallel_loop3A_633, %parallel_loop3A_640, %parallel_loop3A_647, %parallel_loop3A_654, %parallel_loop3A_661, %parallel_loop3A_668, %parallel_loop3A_675, %parallel_loop3A_682, %parallel_loop3A_689, %parallel_loop3A_696, %parallel_loop3A_703, %parallel_loop3A_710, %parallel_loop3A_717, %parallel_loop3A_724, %parallel_loop3A_731, %parallel_loop3A_738, %parallel_loop3A_745, %parallel_loop3A_752, %parallel_loop3A_759, %parallel_loop3A_766, %parallel_loop3A_773, %parallel_loop3A_780, %parallel_loop3A_787, %parallel_loop3A_794, %parallel_loop3A_801, %parallel_loop3A_808, %parallel_loop3A_815, %parallel_loop3A_822, %parallel_loop3A_829 : vector<16xf32>, vector<16xf32>, vector<16xf32>, vector<16xf32>, vector<16xf32>, vector<16xf32>, vector<16xf32>, vector<16xf32>, vector<16xf32>, vector<16xf32>, vector<16xf32>, vector<16xf32>, vector<16xf32>, vector<16xf32>, vector<16xf32>, vector<16xf32>, vector<16xf32>, vector<16xf32>, vector<16xf32>, vector<16xf32>, vector<16xf32>, vector<16xf32>, vector<16xf32>, vector<16xf32>, vector<16xf32>, vector<16xf32>, vector<16xf32>, vector<16xf32>, vector<16xf32>, vector<16xf32>, vector<16xf32>, vector<16xf32>, vector<16xf32>, vector<16xf32>, vector<16xf32>, vector<16xf32>, vector<16xf32>, vector<16xf32>, vector<16xf32>, vector<16xf32>, vector<16xf32>, vector<16xf32>, vector<16xf32>, vector<16xf32>, vector<16xf32>, vector<16xf32>, vector<16xf32>, vector<16xf32>
    } {sc.loop_unroll_factor = 4 : i64, sc.parallel_access}
    %swap3A = arith.constant 0 : i32
    %swap3A_158 = arith.index_cast %swap3A : i32 to index
    %swap3A_159 = arith.constant 0 : index
    %swap3A_160 = tpu.vector_load %arg5[%swap3A_158, %swap3A_159] {strides = array<i32>} : memref<1x768xf32, #tpu.memory_space<vmem>>, vector<1x16xf32>,
    %swap3A_161 = vector.shape_cast %swap3A_160 : vector<1x16xf32> to vector<16xf32>
    %swap3A_162 = vector.shape_cast %parallel_loop3A_157#0 : vector<16xf32> to vector<1x16xf32>
    tpu.vector_store %arg5[%swap3A_158, %swap3A_159], %swap3A_162 {strides = array<i32>} : memref<1x768xf32, #tpu.memory_space<vmem>>, vector<1x16xf32>,
    %swap3A_163 = arith.constant 0 : i32
    %swap3A_164 = arith.index_cast %swap3A_163 : i32 to index
    %swap3A_165 = arith.constant 16 : index
    %swap3A_166 = tpu.vector_load %arg5[%swap3A_164, %swap3A_165] {strides = array<i32>} : memref<1x768xf32, #tpu.memory_space<vmem>>, vector<1x16xf32>,
    %swap3A_167 = vector.shape_cast %swap3A_166 : vector<1x16xf32> to vector<16xf32>
    %swap3A_168 = vector.shape_cast %parallel_loop3A_157#1 : vector<16xf32> to vector<1x16xf32>
    tpu.vector_store %arg5[%swap3A_164, %swap3A_165], %swap3A_168 {strides = array<i32>} : memref<1x768xf32, #tpu.memory_space<vmem>>, vector<1x16xf32>,
    %swap3A_169 = arith.constant 0 : i32
    %swap3A_170 = arith.index_cast %swap3A_169 : i32 to index
    %swap3A_171 = arith.constant 32 : index
    %swap3A_172 = tpu.vector_load %arg5[%swap3A_170, %swap3A_171] {strides = array<i32>} : memref<1x768xf32, #tpu.memory_space<vmem>>, vector<1x16xf32>,
    %swap3A_173 = vector.shape_cast %swap3A_172 : vector<1x16xf32> to vector<16xf32>
    %swap3A_174 = vector.shape_cast %parallel_loop3A_157#2 : vector<16xf32> to vector<1x16xf32>
    tpu.vector_store %arg5[%swap3A_170, %swap3A_171], %swap3A_174 {strides = array<i32>} : memref<1x768xf32, #tpu.memory_space<vmem>>, vector<1x16xf32>,
    %swap3A_175 = arith.constant 0 : i32
    %swap3A_176 = arith.index_cast %swap3A_175 : i32 to index
    %swap3A_177 = arith.constant 48 : index
    %swap3A_178 = tpu.vector_load %arg5[%swap3A_176, %swap3A_177] {strides = array<i32>} : memref<1x768xf32, #tpu.memory_space<vmem>>, vector<1x16xf32>,
    %swap3A_179 = vector.shape_cast %swap3A_178 : vector<1x16xf32> to vector<16xf32>
    %swap3A_180 = vector.shape_cast %parallel_loop3A_157#3 : vector<16xf32> to vector<1x16xf32>
    tpu.vector_store %arg5[%swap3A_176, %swap3A_177], %swap3A_180 {strides = array<i32>} : memref<1x768xf32, #tpu.memory_space<vmem>>, vector<1x16xf32>,
    %swap3A_181 = arith.constant 0 : i32
    %swap3A_182 = arith.index_cast %swap3A_181 : i32 to index
    %swap3A_183 = arith.constant 64 : index
    %swap3A_184 = tpu.vector_load %arg5[%swap3A_182, %swap3A_183] {strides = array<i32>} : memref<1x768xf32, #tpu.memory_space<vmem>>, vector<1x16xf32>,
    %swap3A_185 = vector.shape_cast %swap3A_184 : vector<1x16xf32> to vector<16xf32>
    %swap3A_186 = vector.shape_cast %parallel_loop3A_157#4 : vector<16xf32> to vector<1x16xf32>
    tpu.vector_store %arg5[%swap3A_182, %swap3A_183], %swap3A_186 {strides = array<i32>} : memref<1x768xf32, #tpu.memory_space<vmem>>, vector<1x16xf32>,
    %swap3A_187 = arith.constant 0 : i32
    %swap3A_188 = arith.index_cast %swap3A_187 : i32 to index
    %swap3A_189 = arith.constant 80 : index
    %swap3A_190 = tpu.vector_load %arg5[%swap3A_188, %swap3A_189] {strides = array<i32>} : memref<1x768xf32, #tpu.memory_space<vmem>>, vector<1x16xf32>,
    %swap3A_191 = vector.shape_cast %swap3A_190 : vector<1x16xf32> to vector<16xf32>
    %swap3A_192 = vector.shape_cast %parallel_loop3A_157#5 : vector<16xf32> to vector<1x16xf32>
    tpu.vector_store %arg5[%swap3A_188, %swap3A_189], %swap3A_192 {strides = array<i32>} : memref<1x768xf32, #tpu.memory_space<vmem>>, vector<1x16xf32>,
    %swap3A_193 = arith.constant 0 : i32
    %swap3A_194 = arith.index_cast %swap3A_193 : i32 to index
    %swap3A_195 = arith.constant 96 : index
    %swap3A_196 = tpu.vector_load %arg5[%swap3A_194, %swap3A_195] {strides = array<i32>} : memref<1x768xf32, #tpu.memory_space<vmem>>, vector<1x16xf32>,
    %swap3A_197 = vector.shape_cast %swap3A_196 : vector<1x16xf32> to vector<16xf32>
    %swap3A_198 = vector.shape_cast %parallel_loop3A_157#6 : vector<16xf32> to vector<1x16xf32>
    tpu.vector_store %arg5[%swap3A_194, %swap3A_195], %swap3A_198 {strides = array<i32>} : memref<1x768xf32, #tpu.memory_space<vmem>>, vector<1x16xf32>,
    %swap3A_199 = arith.constant 0 : i32
    %swap3A_200 = arith.index_cast %swap3A_199 : i32 to index
    %swap3A_201 = arith.constant 112 : index
    %swap3A_202 = tpu.vector_load %arg5[%swap3A_200, %swap3A_201] {strides = array<i32>} : memref<1x768xf32, #tpu.memory_space<vmem>>, vector<1x16xf32>,
    %swap3A_203 = vector.shape_cast %swap3A_202 : vector<1x16xf32> to vector<16xf32>
    %swap3A_204 = vector.shape_cast %parallel_loop3A_157#7 : vector<16xf32> to vector<1x16xf32>
    tpu.vector_store %arg5[%swap3A_200, %swap3A_201], %swap3A_204 {strides = array<i32>} : memref<1x768xf32, #tpu.memory_space<vmem>>, vector<1x16xf32>,
    %swap3A_205 = arith.constant 0 : i32
    %swap3A_206 = arith.index_cast %swap3A_205 : i32 to index
    %swap3A_207 = arith.constant 128 : index
    %swap3A_208 = tpu.vector_load %arg5[%swap3A_206, %swap3A_207] {strides = array<i32>} : memref<1x768xf32, #tpu.memory_space<vmem>>, vector<1x16xf32>,
    %swap3A_209 = vector.shape_cast %swap3A_208 : vector<1x16xf32> to vector<16xf32>
    %swap3A_210 = vector.shape_cast %parallel_loop3A_157#8 : vector<16xf32> to vector<1x16xf32>
    tpu.vector_store %arg5[%swap3A_206, %swap3A_207], %swap3A_210 {strides = array<i32>} : memref<1x768xf32, #tpu.memory_space<vmem>>, vector<1x16xf32>,
    %swap3A_211 = arith.constant 0 : i32
    %swap3A_212 = arith.index_cast %swap3A_211 : i32 to index
    %swap3A_213 = arith.constant 144 : index
    %swap3A_214 = tpu.vector_load %arg5[%swap3A_212, %swap3A_213] {strides = array<i32>} : memref<1x768xf32, #tpu.memory_space<vmem>>, vector<1x16xf32>,
    %swap3A_215 = vector.shape_cast %swap3A_214 : vector<1x16xf32> to vector<16xf32>
    %swap3A_216 = vector.shape_cast %parallel_loop3A_157#9 : vector<16xf32> to vector<1x16xf32>
    tpu.vector_store %arg5[%swap3A_212, %swap3A_213], %swap3A_216 {strides = array<i32>} : memref<1x768xf32, #tpu.memory_space<vmem>>, vector<1x16xf32>,
    %swap3A_217 = arith.constant 0 : i32
    %swap3A_218 = arith.index_cast %swap3A_217 : i32 to index
    %swap3A_219 = arith.constant 160 : index
    %swap3A_220 = tpu.vector_load %arg5[%swap3A_218, %swap3A_219] {strides = array<i32>} : memref<1x768xf32, #tpu.memory_space<vmem>>, vector<1x16xf32>,
    %swap3A_221 = vector.shape_cast %swap3A_220 : vector<1x16xf32> to vector<16xf32>
    %swap3A_222 = vector.shape_cast %parallel_loop3A_157#10 : vector<16xf32> to vector<1x16xf32>
    tpu.vector_store %arg5[%swap3A_218, %swap3A_219], %swap3A_222 {strides = array<i32>} : memref<1x768xf32, #tpu.memory_space<vmem>>, vector<1x16xf32>,
    %swap3A_223 = arith.constant 0 : i32
    %swap3A_224 = arith.index_cast %swap3A_223 : i32 to index
    %swap3A_225 = arith.constant 176 : index
    %swap3A_226 = tpu.vector_load %arg5[%swap3A_224, %swap3A_225] {strides = array<i32>} : memref<1x768xf32, #tpu.memory_space<vmem>>, vector<1x16xf32>,
    %swap3A_227 = vector.shape_cast %swap3A_226 : vector<1x16xf32> to vector<16xf32>
    %swap3A_228 = vector.shape_cast %parallel_loop3A_157#11 : vector<16xf32> to vector<1x16xf32>
    tpu.vector_store %arg5[%swap3A_224, %swap3A_225], %swap3A_228 {strides = array<i32>} : memref<1x768xf32, #tpu.memory_space<vmem>>, vector<1x16xf32>,
    %swap3A_229 = arith.constant 0 : i32
    %swap3A_230 = arith.index_cast %swap3A_229 : i32 to index
    %swap3A_231 = arith.constant 192 : index
    %swap3A_232 = tpu.vector_load %arg5[%swap3A_230, %swap3A_231] {strides = array<i32>} : memref<1x768xf32, #tpu.memory_space<vmem>>, vector<1x16xf32>,
    %swap3A_233 = vector.shape_cast %swap3A_232 : vector<1x16xf32> to vector<16xf32>
    %swap3A_234 = vector.shape_cast %parallel_loop3A_157#12 : vector<16xf32> to vector<1x16xf32>
    tpu.vector_store %arg5[%swap3A_230, %swap3A_231], %swap3A_234 {strides = array<i32>} : memref<1x768xf32, #tpu.memory_space<vmem>>, vector<1x16xf32>,
    %swap3A_235 = arith.constant 0 : i32
    %swap3A_236 = arith.index_cast %swap3A_235 : i32 to index
    %swap3A_237 = arith.constant 208 : index
    %swap3A_238 = tpu.vector_load %arg5[%swap3A_236, %swap3A_237] {strides = array<i32>} : memref<1x768xf32, #tpu.memory_space<vmem>>, vector<1x16xf32>,
    %swap3A_239 = vector.shape_cast %swap3A_238 : vector<1x16xf32> to vector<16xf32>
    %swap3A_240 = vector.shape_cast %parallel_loop3A_157#13 : vector<16xf32> to vector<1x16xf32>
    tpu.vector_store %arg5[%swap3A_236, %swap3A_237], %swap3A_240 {strides = array<i32>} : memref<1x768xf32, #tpu.memory_space<vmem>>, vector<1x16xf32>,
    %swap3A_241 = arith.constant 0 : i32
    %swap3A_242 = arith.index_cast %swap3A_241 : i32 to index
    %swap3A_243 = arith.constant 224 : index
    %swap3A_244 = tpu.vector_load %arg5[%swap3A_242, %swap3A_243] {strides = array<i32>} : memref<1x768xf32, #tpu.memory_space<vmem>>, vector<1x16xf32>,
    %swap3A_245 = vector.shape_cast %swap3A_244 : vector<1x16xf32> to vector<16xf32>
    %swap3A_246 = vector.shape_cast %parallel_loop3A_157#14 : vector<16xf32> to vector<1x16xf32>
    tpu.vector_store %arg5[%swap3A_242, %swap3A_243], %swap3A_246 {strides = array<i32>} : memref<1x768xf32, #tpu.memory_space<vmem>>, vector<1x16xf32>,
    %swap3A_247 = arith.constant 0 : i32
    %swap3A_248 = arith.index_cast %swap3A_247 : i32 to index
    %swap3A_249 = arith.constant 240 : index
    %swap3A_250 = tpu.vector_load %arg5[%swap3A_248, %swap3A_249] {strides = array<i32>} : memref<1x768xf32, #tpu.memory_space<vmem>>, vector<1x16xf32>,
    %swap3A_251 = vector.shape_cast %swap3A_250 : vector<1x16xf32> to vector<16xf32>
    %swap3A_252 = vector.shape_cast %parallel_loop3A_157#15 : vector<16xf32> to vector<1x16xf32>
    tpu.vector_store %arg5[%swap3A_248, %swap3A_249], %swap3A_252 {strides = array<i32>} : memref<1x768xf32, #tpu.memory_space<vmem>>, vector<1x16xf32>,
    %swap3A_253 = arith.constant 0 : i32
    %swap3A_254 = arith.index_cast %swap3A_253 : i32 to index
    %swap3A_255 = arith.constant 256 : index
    %swap3A_256 = tpu.vector_load %arg5[%swap3A_254, %swap3A_255] {strides = array<i32>} : memref<1x768xf32, #tpu.memory_space<vmem>>, vector<1x16xf32>,
    %swap3A_257 = vector.shape_cast %swap3A_256 : vector<1x16xf32> to vector<16xf32>
    %swap3A_258 = vector.shape_cast %parallel_loop3A_157#16 : vector<16xf32> to vector<1x16xf32>
    tpu.vector_store %arg5[%swap3A_254, %swap3A_255], %swap3A_258 {strides = array<i32>} : memref<1x768xf32, #tpu.memory_space<vmem>>, vector<1x16xf32>,
    %swap3A_259 = arith.constant 0 : i32
    %swap3A_260 = arith.index_cast %swap3A_259 : i32 to index
    %swap3A_261 = arith.constant 272 : index
    %swap3A_262 = tpu.vector_load %arg5[%swap3A_260, %swap3A_261] {strides = array<i32>} : memref<1x768xf32, #tpu.memory_space<vmem>>, vector<1x16xf32>,
    %swap3A_263 = vector.shape_cast %swap3A_262 : vector<1x16xf32> to vector<16xf32>
    %swap3A_264 = vector.shape_cast %parallel_loop3A_157#17 : vector<16xf32> to vector<1x16xf32>
    tpu.vector_store %arg5[%swap3A_260, %swap3A_261], %swap3A_264 {strides = array<i32>} : memref<1x768xf32, #tpu.memory_space<vmem>>, vector<1x16xf32>,
    %swap3A_265 = arith.constant 0 : i32
    %swap3A_266 = arith.index_cast %swap3A_265 : i32 to index
    %swap3A_267 = arith.constant 288 : index
    %swap3A_268 = tpu.vector_load %arg5[%swap3A_266, %swap3A_267] {strides = array<i32>} : memref<1x768xf32, #tpu.memory_space<vmem>>, vector<1x16xf32>,
    %swap3A_269 = vector.shape_cast %swap3A_268 : vector<1x16xf32> to vector<16xf32>
    %swap3A_270 = vector.shape_cast %parallel_loop3A_157#18 : vector<16xf32> to vector<1x16xf32>
    tpu.vector_store %arg5[%swap3A_266, %swap3A_267], %swap3A_270 {strides = array<i32>} : memref<1x768xf32, #tpu.memory_space<vmem>>, vector<1x16xf32>,
    %swap3A_271 = arith.constant 0 : i32
    %swap3A_272 = arith.index_cast %swap3A_271 : i32 to index
    %swap3A_273 = arith.constant 304 : index
    %swap3A_274 = tpu.vector_load %arg5[%swap3A_272, %swap3A_273] {strides = array<i32>} : memref<1x768xf32, #tpu.memory_space<vmem>>, vector<1x16xf32>,
    %swap3A_275 = vector.shape_cast %swap3A_274 : vector<1x16xf32> to vector<16xf32>
    %swap3A_276 = vector.shape_cast %parallel_loop3A_157#19 : vector<16xf32> to vector<1x16xf32>
    tpu.vector_store %arg5[%swap3A_272, %swap3A_273], %swap3A_276 {strides = array<i32>} : memref<1x768xf32, #tpu.memory_space<vmem>>, vector<1x16xf32>,
    %swap3A_277 = arith.constant 0 : i32
    %swap3A_278 = arith.index_cast %swap3A_277 : i32 to index
    %swap3A_279 = arith.constant 320 : index
    %swap3A_280 = tpu.vector_load %arg5[%swap3A_278, %swap3A_279] {strides = array<i32>} : memref<1x768xf32, #tpu.memory_space<vmem>>, vector<1x16xf32>,
    %swap3A_281 = vector.shape_cast %swap3A_280 : vector<1x16xf32> to vector<16xf32>
    %swap3A_282 = vector.shape_cast %parallel_loop3A_157#20 : vector<16xf32> to vector<1x16xf32>
    tpu.vector_store %arg5[%swap3A_278, %swap3A_279], %swap3A_282 {strides = array<i32>} : memref<1x768xf32, #tpu.memory_space<vmem>>, vector<1x16xf32>,
    %swap3A_283 = arith.constant 0 : i32
    %swap3A_284 = arith.index_cast %swap3A_283 : i32 to index
    %swap3A_285 = arith.constant 336 : index
    %swap3A_286 = tpu.vector_load %arg5[%swap3A_284, %swap3A_285] {strides = array<i32>} : memref<1x768xf32, #tpu.memory_space<vmem>>, vector<1x16xf32>,
    %swap3A_287 = vector.shape_cast %swap3A_286 : vector<1x16xf32> to vector<16xf32>
    %swap3A_288 = vector.shape_cast %parallel_loop3A_157#21 : vector<16xf32> to vector<1x16xf32>
    tpu.vector_store %arg5[%swap3A_284, %swap3A_285], %swap3A_288 {strides = array<i32>} : memref<1x768xf32, #tpu.memory_space<vmem>>, vector<1x16xf32>,
    %swap3A_289 = arith.constant 0 : i32
    %swap3A_290 = arith.index_cast %swap3A_289 : i32 to index
    %swap3A_291 = arith.constant 352 : index
    %swap3A_292 = tpu.vector_load %arg5[%swap3A_290, %swap3A_291] {strides = array<i32>} : memref<1x768xf32, #tpu.memory_space<vmem>>, vector<1x16xf32>,
    %swap3A_293 = vector.shape_cast %swap3A_292 : vector<1x16xf32> to vector<16xf32>
    %swap3A_294 = vector.shape_cast %parallel_loop3A_157#22 : vector<16xf32> to vector<1x16xf32>
    tpu.vector_store %arg5[%swap3A_290, %swap3A_291], %swap3A_294 {strides = array<i32>} : memref<1x768xf32, #tpu.memory_space<vmem>>, vector<1x16xf32>,
    %swap3A_295 = arith.constant 0 : i32
    %swap3A_296 = arith.index_cast %swap3A_295 : i32 to index
    %swap3A_297 = arith.constant 368 : index
    %swap3A_298 = tpu.vector_load %arg5[%swap3A_296, %swap3A_297] {strides = array<i32>} : memref<1x768xf32, #tpu.memory_space<vmem>>, vector<1x16xf32>,
    %swap3A_299 = vector.shape_cast %swap3A_298 : vector<1x16xf32> to vector<16xf32>
    %swap3A_300 = vector.shape_cast %parallel_loop3A_157#23 : vector<16xf32> to vector<1x16xf32>
    tpu.vector_store %arg5[%swap3A_296, %swap3A_297], %swap3A_300 {strides = array<i32>} : memref<1x768xf32, #tpu.memory_space<vmem>>, vector<1x16xf32>,
    %swap3A_301 = arith.constant 0 : i32
    %swap3A_302 = arith.index_cast %swap3A_301 : i32 to index
    %swap3A_303 = arith.constant 384 : index
    %swap3A_304 = tpu.vector_load %arg5[%swap3A_302, %swap3A_303] {strides = array<i32>} : memref<1x768xf32, #tpu.memory_space<vmem>>, vector<1x16xf32>,
    %swap3A_305 = vector.shape_cast %swap3A_304 : vector<1x16xf32> to vector<16xf32>
    %swap3A_306 = vector.shape_cast %parallel_loop3A_157#24 : vector<16xf32> to vector<1x16xf32>
    tpu.vector_store %arg5[%swap3A_302, %swap3A_303], %swap3A_306 {strides = array<i32>} : memref<1x768xf32, #tpu.memory_space<vmem>>, vector<1x16xf32>,
    %swap3A_307 = arith.constant 0 : i32
    %swap3A_308 = arith.index_cast %swap3A_307 : i32 to index
    %swap3A_309 = arith.constant 400 : index
    %swap3A_310 = tpu.vector_load %arg5[%swap3A_308, %swap3A_309] {strides = array<i32>} : memref<1x768xf32, #tpu.memory_space<vmem>>, vector<1x16xf32>,
    %swap3A_311 = vector.shape_cast %swap3A_310 : vector<1x16xf32> to vector<16xf32>
    %swap3A_312 = vector.shape_cast %parallel_loop3A_157#25 : vector<16xf32> to vector<1x16xf32>
    tpu.vector_store %arg5[%swap3A_308, %swap3A_309], %swap3A_312 {strides = array<i32>} : memref<1x768xf32, #tpu.memory_space<vmem>>, vector<1x16xf32>,
    %swap3A_313 = arith.constant 0 : i32
    %swap3A_314 = arith.index_cast %swap3A_313 : i32 to index
    %swap3A_315 = arith.constant 416 : index
    %swap3A_316 = tpu.vector_load %arg5[%swap3A_314, %swap3A_315] {strides = array<i32>} : memref<1x768xf32, #tpu.memory_space<vmem>>, vector<1x16xf32>,
    %swap3A_317 = vector.shape_cast %swap3A_316 : vector<1x16xf32> to vector<16xf32>
    %swap3A_318 = vector.shape_cast %parallel_loop3A_157#26 : vector<16xf32> to vector<1x16xf32>
    tpu.vector_store %arg5[%swap3A_314, %swap3A_315], %swap3A_318 {strides = array<i32>} : memref<1x768xf32, #tpu.memory_space<vmem>>, vector<1x16xf32>,
    %swap3A_319 = arith.constant 0 : i32
    %swap3A_320 = arith.index_cast %swap3A_319 : i32 to index
    %swap3A_321 = arith.constant 432 : index
    %swap3A_322 = tpu.vector_load %arg5[%swap3A_320, %swap3A_321] {strides = array<i32>} : memref<1x768xf32, #tpu.memory_space<vmem>>, vector<1x16xf32>,
    %swap3A_323 = vector.shape_cast %swap3A_322 : vector<1x16xf32> to vector<16xf32>
    %swap3A_324 = vector.shape_cast %parallel_loop3A_157#27 : vector<16xf32> to vector<1x16xf32>
    tpu.vector_store %arg5[%swap3A_320, %swap3A_321], %swap3A_324 {strides = array<i32>} : memref<1x768xf32, #tpu.memory_space<vmem>>, vector<1x16xf32>,
    %swap3A_325 = arith.constant 0 : i32
    %swap3A_326 = arith.index_cast %swap3A_325 : i32 to index
    %swap3A_327 = arith.constant 448 : index
    %swap3A_328 = tpu.vector_load %arg5[%swap3A_326, %swap3A_327] {strides = array<i32>} : memref<1x768xf32, #tpu.memory_space<vmem>>, vector<1x16xf32>,
    %swap3A_329 = vector.shape_cast %swap3A_328 : vector<1x16xf32> to vector<16xf32>
    %swap3A_330 = vector.shape_cast %parallel_loop3A_157#28 : vector<16xf32> to vector<1x16xf32>
    tpu.vector_store %arg5[%swap3A_326, %swap3A_327], %swap3A_330 {strides = array<i32>} : memref<1x768xf32, #tpu.memory_space<vmem>>, vector<1x16xf32>,
    %swap3A_331 = arith.constant 0 : i32
    %swap3A_332 = arith.index_cast %swap3A_331 : i32 to index
    %swap3A_333 = arith.constant 464 : index
    %swap3A_334 = tpu.vector_load %arg5[%swap3A_332, %swap3A_333] {strides = array<i32>} : memref<1x768xf32, #tpu.memory_space<vmem>>, vector<1x16xf32>,
    %swap3A_335 = vector.shape_cast %swap3A_334 : vector<1x16xf32> to vector<16xf32>
    %swap3A_336 = vector.shape_cast %parallel_loop3A_157#29 : vector<16xf32> to vector<1x16xf32>
    tpu.vector_store %arg5[%swap3A_332, %swap3A_333], %swap3A_336 {strides = array<i32>} : memref<1x768xf32, #tpu.memory_space<vmem>>, vector<1x16xf32>,
    %swap3A_337 = arith.constant 0 : i32
    %swap3A_338 = arith.index_cast %swap3A_337 : i32 to index
    %swap3A_339 = arith.constant 480 : index
    %swap3A_340 = tpu.vector_load %arg5[%swap3A_338, %swap3A_339] {strides = array<i32>} : memref<1x768xf32, #tpu.memory_space<vmem>>, vector<1x16xf32>,
    %swap3A_341 = vector.shape_cast %swap3A_340 : vector<1x16xf32> to vector<16xf32>
    %swap3A_342 = vector.shape_cast %parallel_loop3A_157#30 : vector<16xf32> to vector<1x16xf32>
    tpu.vector_store %arg5[%swap3A_338, %swap3A_339], %swap3A_342 {strides = array<i32>} : memref<1x768xf32, #tpu.memory_space<vmem>>, vector<1x16xf32>,
    %swap3A_343 = arith.constant 0 : i32
    %swap3A_344 = arith.index_cast %swap3A_343 : i32 to index
    %swap3A_345 = arith.constant 496 : index
    %swap3A_346 = tpu.vector_load %arg5[%swap3A_344, %swap3A_345] {strides = array<i32>} : memref<1x768xf32, #tpu.memory_space<vmem>>, vector<1x16xf32>,
    %swap3A_347 = vector.shape_cast %swap3A_346 : vector<1x16xf32> to vector<16xf32>
    %swap3A_348 = vector.shape_cast %parallel_loop3A_157#31 : vector<16xf32> to vector<1x16xf32>
    tpu.vector_store %arg5[%swap3A_344, %swap3A_345], %swap3A_348 {strides = array<i32>} : memref<1x768xf32, #tpu.memory_space<vmem>>, vector<1x16xf32>,
    %swap3A_349 = arith.constant 0 : i32
    %swap3A_350 = arith.index_cast %swap3A_349 : i32 to index
    %swap3A_351 = arith.constant 512 : index
    %swap3A_352 = tpu.vector_load %arg5[%swap3A_350, %swap3A_351] {strides = array<i32>} : memref<1x768xf32, #tpu.memory_space<vmem>>, vector<1x16xf32>,
    %swap3A_353 = vector.shape_cast %swap3A_352 : vector<1x16xf32> to vector<16xf32>
    %swap3A_354 = vector.shape_cast %parallel_loop3A_157#32 : vector<16xf32> to vector<1x16xf32>
    tpu.vector_store %arg5[%swap3A_350, %swap3A_351], %swap3A_354 {strides = array<i32>} : memref<1x768xf32, #tpu.memory_space<vmem>>, vector<1x16xf32>,
    %swap3A_355 = arith.constant 0 : i32
    %swap3A_356 = arith.index_cast %swap3A_355 : i32 to index
    %swap3A_357 = arith.constant 528 : index
    %swap3A_358 = tpu.vector_load %arg5[%swap3A_356, %swap3A_357] {strides = array<i32>} : memref<1x768xf32, #tpu.memory_space<vmem>>, vector<1x16xf32>,
    %swap3A_359 = vector.shape_cast %swap3A_358 : vector<1x16xf32> to vector<16xf32>
    %swap3A_360 = vector.shape_cast %parallel_loop3A_157#33 : vector<16xf32> to vector<1x16xf32>
    tpu.vector_store %arg5[%swap3A_356, %swap3A_357], %swap3A_360 {strides = array<i32>} : memref<1x768xf32, #tpu.memory_space<vmem>>, vector<1x16xf32>,
    %swap3A_361 = arith.constant 0 : i32
    %swap3A_362 = arith.index_cast %swap3A_361 : i32 to index
    %swap3A_363 = arith.constant 544 : index
    %swap3A_364 = tpu.vector_load %arg5[%swap3A_362, %swap3A_363] {strides = array<i32>} : memref<1x768xf32, #tpu.memory_space<vmem>>, vector<1x16xf32>,
    %swap3A_365 = vector.shape_cast %swap3A_364 : vector<1x16xf32> to vector<16xf32>
    %swap3A_366 = vector.shape_cast %parallel_loop3A_157#34 : vector<16xf32> to vector<1x16xf32>
    tpu.vector_store %arg5[%swap3A_362, %swap3A_363], %swap3A_366 {strides = array<i32>} : memref<1x768xf32, #tpu.memory_space<vmem>>, vector<1x16xf32>,
    %swap3A_367 = arith.constant 0 : i32
    %swap3A_368 = arith.index_cast %swap3A_367 : i32 to index
    %swap3A_369 = arith.constant 560 : index
    %swap3A_370 = tpu.vector_load %arg5[%swap3A_368, %swap3A_369] {strides = array<i32>} : memref<1x768xf32, #tpu.memory_space<vmem>>, vector<1x16xf32>,
    %swap3A_371 = vector.shape_cast %swap3A_370 : vector<1x16xf32> to vector<16xf32>
    %swap3A_372 = vector.shape_cast %parallel_loop3A_157#35 : vector<16xf32> to vector<1x16xf32>
    tpu.vector_store %arg5[%swap3A_368, %swap3A_369], %swap3A_372 {strides = array<i32>} : memref<1x768xf32, #tpu.memory_space<vmem>>, vector<1x16xf32>,
    %swap3A_373 = arith.constant 0 : i32
    %swap3A_374 = arith.index_cast %swap3A_373 : i32 to index
    %swap3A_375 = arith.constant 576 : index
    %swap3A_376 = tpu.vector_load %arg5[%swap3A_374, %swap3A_375] {strides = array<i32>} : memref<1x768xf32, #tpu.memory_space<vmem>>, vector<1x16xf32>,
    %swap3A_377 = vector.shape_cast %swap3A_376 : vector<1x16xf32> to vector<16xf32>
    %swap3A_378 = vector.shape_cast %parallel_loop3A_157#36 : vector<16xf32> to vector<1x16xf32>
    tpu.vector_store %arg5[%swap3A_374, %swap3A_375], %swap3A_378 {strides = array<i32>} : memref<1x768xf32, #tpu.memory_space<vmem>>, vector<1x16xf32>,
    %swap3A_379 = arith.constant 0 : i32
    %swap3A_380 = arith.index_cast %swap3A_379 : i32 to index
    %swap3A_381 = arith.constant 592 : index
    %swap3A_382 = tpu.vector_load %arg5[%swap3A_380, %swap3A_381] {strides = array<i32>} : memref<1x768xf32, #tpu.memory_space<vmem>>, vector<1x16xf32>,
    %swap3A_383 = vector.shape_cast %swap3A_382 : vector<1x16xf32> to vector<16xf32>
    %swap3A_384 = vector.shape_cast %parallel_loop3A_157#37 : vector<16xf32> to vector<1x16xf32>
    tpu.vector_store %arg5[%swap3A_380, %swap3A_381], %swap3A_384 {strides = array<i32>} : memref<1x768xf32, #tpu.memory_space<vmem>>, vector<1x16xf32>,
    %swap3A_385 = arith.constant 0 : i32
    %swap3A_386 = arith.index_cast %swap3A_385 : i32 to index
    %swap3A_387 = arith.constant 608 : index
    %swap3A_388 = tpu.vector_load %arg5[%swap3A_386, %swap3A_387] {strides = array<i32>} : memref<1x768xf32, #tpu.memory_space<vmem>>, vector<1x16xf32>,
    %swap3A_389 = vector.shape_cast %swap3A_388 : vector<1x16xf32> to vector<16xf32>
    %swap3A_390 = vector.shape_cast %parallel_loop3A_157#38 : vector<16xf32> to vector<1x16xf32>
    tpu.vector_store %arg5[%swap3A_386, %swap3A_387], %swap3A_390 {strides = array<i32>} : memref<1x768xf32, #tpu.memory_space<vmem>>, vector<1x16xf32>,
    %swap3A_391 = arith.constant 0 : i32
    %swap3A_392 = arith.index_cast %swap3A_391 : i32 to index
    %swap3A_393 = arith.constant 624 : index
    %swap3A_394 = tpu.vector_load %arg5[%swap3A_392, %swap3A_393] {strides = array<i32>} : memref<1x768xf32, #tpu.memory_space<vmem>>, vector<1x16xf32>,
    %swap3A_395 = vector.shape_cast %swap3A_394 : vector<1x16xf32> to vector<16xf32>
    %swap3A_396 = vector.shape_cast %parallel_loop3A_157#39 : vector<16xf32> to vector<1x16xf32>
    tpu.vector_store %arg5[%swap3A_392, %swap3A_393], %swap3A_396 {strides = array<i32>} : memref<1x768xf32, #tpu.memory_space<vmem>>, vector<1x16xf32>,
    %swap3A_397 = arith.constant 0 : i32
    %swap3A_398 = arith.index_cast %swap3A_397 : i32 to index
    %swap3A_399 = arith.constant 640 : index
    %swap3A_400 = tpu.vector_load %arg5[%swap3A_398, %swap3A_399] {strides = array<i32>} : memref<1x768xf32, #tpu.memory_space<vmem>>, vector<1x16xf32>,
    %swap3A_401 = vector.shape_cast %swap3A_400 : vector<1x16xf32> to vector<16xf32>
    %swap3A_402 = vector.shape_cast %parallel_loop3A_157#40 : vector<16xf32> to vector<1x16xf32>
    tpu.vector_store %arg5[%swap3A_398, %swap3A_399], %swap3A_402 {strides = array<i32>} : memref<1x768xf32, #tpu.memory_space<vmem>>, vector<1x16xf32>,
    %swap3A_403 = arith.constant 0 : i32
    %swap3A_404 = arith.index_cast %swap3A_403 : i32 to index
    %swap3A_405 = arith.constant 656 : index
    %swap3A_406 = tpu.vector_load %arg5[%swap3A_404, %swap3A_405] {strides = array<i32>} : memref<1x768xf32, #tpu.memory_space<vmem>>, vector<1x16xf32>,
    %swap3A_407 = vector.shape_cast %swap3A_406 : vector<1x16xf32> to vector<16xf32>
    %swap3A_408 = vector.shape_cast %parallel_loop3A_157#41 : vector<16xf32> to vector<1x16xf32>
    tpu.vector_store %arg5[%swap3A_404, %swap3A_405], %swap3A_408 {strides = array<i32>} : memref<1x768xf32, #tpu.memory_space<vmem>>, vector<1x16xf32>,
    %swap3A_409 = arith.constant 0 : i32
    %swap3A_410 = arith.index_cast %swap3A_409 : i32 to index
    %swap3A_411 = arith.constant 672 : index
    %swap3A_412 = tpu.vector_load %arg5[%swap3A_410, %swap3A_411] {strides = array<i32>} : memref<1x768xf32, #tpu.memory_space<vmem>>, vector<1x16xf32>,
    %swap3A_413 = vector.shape_cast %swap3A_412 : vector<1x16xf32> to vector<16xf32>
    %swap3A_414 = vector.shape_cast %parallel_loop3A_157#42 : vector<16xf32> to vector<1x16xf32>
    tpu.vector_store %arg5[%swap3A_410, %swap3A_411], %swap3A_414 {strides = array<i32>} : memref<1x768xf32, #tpu.memory_space<vmem>>, vector<1x16xf32>,
    %swap3A_415 = arith.constant 0 : i32
    %swap3A_416 = arith.index_cast %swap3A_415 : i32 to index
    %swap3A_417 = arith.constant 688 : index
    %swap3A_418 = tpu.vector_load %arg5[%swap3A_416, %swap3A_417] {strides = array<i32>} : memref<1x768xf32, #tpu.memory_space<vmem>>, vector<1x16xf32>,
    %swap3A_419 = vector.shape_cast %swap3A_418 : vector<1x16xf32> to vector<16xf32>
    %swap3A_420 = vector.shape_cast %parallel_loop3A_157#43 : vector<16xf32> to vector<1x16xf32>
    tpu.vector_store %arg5[%swap3A_416, %swap3A_417], %swap3A_420 {strides = array<i32>} : memref<1x768xf32, #tpu.memory_space<vmem>>, vector<1x16xf32>,
    %swap3A_421 = arith.constant 0 : i32
    %swap3A_422 = arith.index_cast %swap3A_421 : i32 to index
    %swap3A_423 = arith.constant 704 : index
    %swap3A_424 = tpu.vector_load %arg5[%swap3A_422, %swap3A_423] {strides = array<i32>} : memref<1x768xf32, #tpu.memory_space<vmem>>, vector<1x16xf32>,
    %swap3A_425 = vector.shape_cast %swap3A_424 : vector<1x16xf32> to vector<16xf32>
    %swap3A_426 = vector.shape_cast %parallel_loop3A_157#44 : vector<16xf32> to vector<1x16xf32>
    tpu.vector_store %arg5[%swap3A_422, %swap3A_423], %swap3A_426 {strides = array<i32>} : memref<1x768xf32, #tpu.memory_space<vmem>>, vector<1x16xf32>,
    %swap3A_427 = arith.constant 0 : i32
    %swap3A_428 = arith.index_cast %swap3A_427 : i32 to index
    %swap3A_429 = arith.constant 720 : index
    %swap3A_430 = tpu.vector_load %arg5[%swap3A_428, %swap3A_429] {strides = array<i32>} : memref<1x768xf32, #tpu.memory_space<vmem>>, vector<1x16xf32>,
    %swap3A_431 = vector.shape_cast %swap3A_430 : vector<1x16xf32> to vector<16xf32>
    %swap3A_432 = vector.shape_cast %parallel_loop3A_157#45 : vector<16xf32> to vector<1x16xf32>
    tpu.vector_store %arg5[%swap3A_428, %swap3A_429], %swap3A_432 {strides = array<i32>} : memref<1x768xf32, #tpu.memory_space<vmem>>, vector<1x16xf32>,
    %swap3A_433 = arith.constant 0 : i32
    %swap3A_434 = arith.index_cast %swap3A_433 : i32 to index
    %swap3A_435 = arith.constant 736 : index
    %swap3A_436 = tpu.vector_load %arg5[%swap3A_434, %swap3A_435] {strides = array<i32>} : memref<1x768xf32, #tpu.memory_space<vmem>>, vector<1x16xf32>,
    %swap3A_437 = vector.shape_cast %swap3A_436 : vector<1x16xf32> to vector<16xf32>
    %swap3A_438 = vector.shape_cast %parallel_loop3A_157#46 : vector<16xf32> to vector<1x16xf32>
    tpu.vector_store %arg5[%swap3A_434, %swap3A_435], %swap3A_438 {strides = array<i32>} : memref<1x768xf32, #tpu.memory_space<vmem>>, vector<1x16xf32>,
    %swap3A_439 = arith.constant 0 : i32
    %swap3A_440 = arith.index_cast %swap3A_439 : i32 to index
    %swap3A_441 = arith.constant 752 : index
    %swap3A_442 = tpu.vector_load %arg5[%swap3A_440, %swap3A_441] {strides = array<i32>} : memref<1x768xf32, #tpu.memory_space<vmem>>, vector<1x16xf32>,
    %swap3A_443 = vector.shape_cast %swap3A_442 : vector<1x16xf32> to vector<16xf32>
    %swap3A_444 = vector.shape_cast %parallel_loop3A_157#47 : vector<16xf32> to vector<1x16xf32>
    tpu.vector_store %arg5[%swap3A_440, %swap3A_441], %swap3A_444 {strides = array<i32>} : memref<1x768xf32, #tpu.memory_space<vmem>>, vector<1x16xf32>,
    "tpu.region"() ({
      %run_scoped3A = tpu.sem_alloc : memref<!tpu.dma_semaphore, #tpu.memory_space<semaphore_mem>>
      %dma_start3A_445 = arith.constant 0 : i32
      %dma_start3A_446 = tpu.memref_slice %arg3[%add3A, %dma_start3A_445] : memref<32x768xf32, #tpu.memory_space<hbm>> -> memref<1x768xf32, #tpu.memory_space<hbm>>
      %dma_start3A_447 = arith.constant 0 : i32
      %dma_start3A_448 = tpu.memref_slice %arg3[%add3A, %dma_start3A_447] : memref<32x768xf32, #tpu.memory_space<hbm>> -> memref<1x768xf32, #tpu.memory_space<hbm>>
      tpu.enqueue_dma source(%arg5 : memref<1x768xf32, #tpu.memory_space<vmem>>) target(%dma_start3A_448 : memref<1x768xf32, #tpu.memory_space<hbm>>) target_semaphore(%run_scoped3A : memref<!tpu.dma_semaphore, #tpu.memory_space<semaphore_mem>>)
      %dma_wait3A_449 = arith.constant 0 : i32
      %dma_wait3A_450 = tpu.memref_slice %arg3[%add3A, %dma_wait3A_449] : memref<32x768xf32, #tpu.memory_space<hbm>> -> memref<1x768xf32, #tpu.memory_space<hbm>>
      %dma_wait3A_451 = arith.constant 0 : i32
      %dma_wait3A_452 = tpu.memref_slice %arg3[%add3A, %dma_wait3A_451] : memref<32x768xf32, #tpu.memory_space<hbm>> -> memref<1x768xf32, #tpu.memory_space<hbm>>
      tpu.wait_dma2 semaphore(%run_scoped3A : memref<!tpu.dma_semaphore, #tpu.memory_space<semaphore_mem>>) src(%arg5 : memref<1x768xf32, #tpu.memory_space<vmem>>) dst(%dma_wait3A_452 : memref<1x768xf32, #tpu.memory_space<hbm>>)
      tpu.yield
    }) : () -> ()
    return
  }
}

module attributes {stable_mosaic.version = 14 : i64} {
  func.func @_gram_body(%arg0: i32, %arg1: memref<64x8x768xf32, #tpu.memory_space<vmem>>, %arg2: memref<64x8x768xf32, #tpu.memory_space<vmem>>, %arg3: memref<64x8x768xf32, #tpu.memory_space<vmem>>, %arg4: memref<4x768x768xf32, #tpu.memory_space<vmem>>, %arg5: memref<1x1xf32, #tpu.memory_space<vmem>>, %arg6: memref<1x1xf32, #tpu.memory_space<vmem>>, %arg7: memref<4x768xf32, #tpu.memory_space<vmem>>, %arg8: memref<192x192xf32, #tpu.memory_space<vmem>>, %arg9: memref<4x768xf32, #tpu.memory_space<vmem>>) attributes {dimension_semantics = [#tpu.dimension_semantics<arbitrary>], iteration_bounds = array<i64: 2>, scalar_prefetch = 0 : i64, scratch_operands = 2 : i64, tpu.core_type = #tpu.core_type<tc>, window_params = [{transform_indices = @transform_0, window_bounds = array<i64: 64, 8, 768>}, {transform_indices = @transform_1, window_bounds = array<i64: 64, 8, 768>}, {transform_indices = @transform_2, window_bounds = array<i64: 64, 8, 768>}, {transform_indices = @transform_3, window_bounds = array<i64: 4, 768, 768>}, {pipeline_mode = #tpu.pipeline_mode<synchronous>, transform_indices = @transform_4, window_bounds = array<i64: 1, 1>}, {pipeline_mode = #tpu.pipeline_mode<synchronous>, transform_indices = @transform_5, window_bounds = array<i64: 1, 1>}, {pipeline_mode = #tpu.pipeline_mode<synchronous>, transform_indices = @transform_6, window_bounds = array<i64: 4, 768>}]} {
    %get3A = arith.constant 0 : index
    %get3A_0 = arith.constant 0 : index
    %get3A_1 = arith.constant 0 : index
    %get3A_2 = vector.load %arg4[%get3A, %get3A_0, %get3A_1] : memref<4x768x768xf32, #tpu.memory_space<vmem>>, vector<4x768x768xf32>
    %reduce_sum3A = arith.constant dense<0.000000e+00> : vector<4x768xf32>
    %reduce_sum3A_3 = vector.multi_reduction <add>, %get3A_2, %reduce_sum3A [1] : vector<4x768x768xf32> to vector<4x768xf32>
    %eq3A = arith.constant 0 : i32
    %eq3A_4 = arith.cmpi eq, %arg0, %eq3A : i32
    %convert_element_type3A = arith.extui %eq3A_4 : i1 to i32
    %cond3A = arith.constant 0 : i32
    %cond3A_5 = arith.cmpi ne, %convert_element_type3A, %cond3A : i32
    scf.if %cond3A_5 {
      %swap3A = arith.constant 0 : index
      %swap3A_169 = arith.constant 0 : index
      %swap3A_170 = vector.load %arg9[%swap3A, %swap3A_169] : memref<4x768xf32, #tpu.memory_space<vmem>>, vector<4x768xf32>
      tpu.vector_store %arg9[%swap3A, %swap3A_169], %reduce_sum3A_3 {strides = array<i32>} : memref<4x768xf32, #tpu.memory_space<vmem>>, vector<4x768xf32>,
    } else {
    }
    %eq3A_6 = arith.constant 1 : i32
    %eq3A_7 = arith.cmpi eq, %arg0, %eq3A_6 : i32
    %convert_element_type3A_8 = arith.extui %eq3A_7 : i1 to i32
    %cond3A_9 = arith.constant 0 : i32
    %cond3A_10 = arith.cmpi ne, %convert_element_type3A_8, %cond3A_9 : i32
    scf.if %cond3A_10 {
      %get3A_169 = arith.constant 0 : index
      %get3A_170 = arith.constant 0 : index
      %get3A_171 = vector.load %arg9[%get3A_169, %get3A_170] : memref<4x768xf32, #tpu.memory_space<vmem>>, vector<4x768xf32>
      %add3A_172 = arith.addf %get3A_171, %reduce_sum3A_3 : vector<4x768xf32>
      %swap3A = arith.constant 0 : index
      %swap3A_173 = arith.constant 0 : index
      %swap3A_174 = vector.load %arg7[%swap3A, %swap3A_173] : memref<4x768xf32, #tpu.memory_space<vmem>>, vector<4x768xf32>
      tpu.vector_store %arg7[%swap3A, %swap3A_173], %add3A_172 {strides = array<i32>} : memref<4x768xf32, #tpu.memory_space<vmem>>, vector<4x768xf32>,
    } else {
    }
    %get3A_11 = arith.constant 0 : index
    %get3A_12 = arith.constant 0 : index
    %get3A_13 = arith.constant 0 : index
    %get3A_14 = vector.load %arg1[%get3A_11, %get3A_12, %get3A_13] : memref<64x8x768xf32, #tpu.memory_space<vmem>>, vector<64x1x768xf32>
    %get3A_15 = vector.shape_cast %get3A_14 : vector<64x1x768xf32> to vector<64x768xf32>
    %get3A_16 = arith.constant 0 : index
    %get3A_17 = arith.constant 0 : index
    %get3A_18 = arith.constant 0 : index
    %get3A_19 = vector.load %arg2[%get3A_16, %get3A_17, %get3A_18] : memref<64x8x768xf32, #tpu.memory_space<vmem>>, vector<64x1x768xf32>
    %get3A_20 = vector.shape_cast %get3A_19 : vector<64x1x768xf32> to vector<64x768xf32>
    %get3A_21 = arith.constant 0 : index
    %get3A_22 = arith.constant 0 : index
    %get3A_23 = arith.constant 0 : index
    %get3A_24 = vector.load %arg3[%get3A_21, %get3A_22, %get3A_23] : memref<64x8x768xf32, #tpu.memory_space<vmem>>, vector<64x1x768xf32>
    %get3A_25 = vector.shape_cast %get3A_24 : vector<64x1x768xf32> to vector<64x768xf32>
    %concatenate3A = tpu.concatenate %get3A_15, %get3A_20, %get3A_25 in 0 : vector<64x768xf32>, vector<64x768xf32>, vector<64x768xf32> -> vector<192x768xf32>
    %dot_general3A = arith.constant dense<0.000000e+00> : vector<192x192xf32>
    %dot_general3A_26 = tpu.matmul %concatenate3A, %concatenate3A, %dot_general3A {dimension_numbers = #tpu.dot_dimension_numbers<[1], [1], [0], [0], [0, 0, 1, 0], [], []>, transpose_lhs_hint = false} : vector<192x768xf32>, vector<192x768xf32>, vector<192x192xf32> -> vector<192x192xf32>
    %get3A_27 = arith.constant 0 : index
    %get3A_28 = arith.constant 1 : index
    %get3A_29 = arith.constant 0 : index
    %get3A_30 = vector.load %arg1[%get3A_27, %get3A_28, %get3A_29] : memref<64x8x768xf32, #tpu.memory_space<vmem>>, vector<64x1x768xf32>
    %get3A_31 = vector.shape_cast %get3A_30 : vector<64x1x768xf32> to vector<64x768xf32>
    %get3A_32 = arith.constant 0 : index
    %get3A_33 = arith.constant 1 : index
    %get3A_34 = arith.constant 0 : index
    %get3A_35 = vector.load %arg2[%get3A_32, %get3A_33, %get3A_34] : memref<64x8x768xf32, #tpu.memory_space<vmem>>, vector<64x1x768xf32>
    %get3A_36 = vector.shape_cast %get3A_35 : vector<64x1x768xf32> to vector<64x768xf32>
    %get3A_37 = arith.constant 0 : index
    %get3A_38 = arith.constant 1 : index
    %get3A_39 = arith.constant 0 : index
    %get3A_40 = vector.load %arg3[%get3A_37, %get3A_38, %get3A_39] : memref<64x8x768xf32, #tpu.memory_space<vmem>>, vector<64x1x768xf32>
    %get3A_41 = vector.shape_cast %get3A_40 : vector<64x1x768xf32> to vector<64x768xf32>
    %concatenate3A_42 = tpu.concatenate %get3A_31, %get3A_36, %get3A_41 in 0 : vector<64x768xf32>, vector<64x768xf32>, vector<64x768xf32> -> vector<192x768xf32>
    %dot_general3A_43 = arith.constant dense<0.000000e+00> : vector<192x192xf32>
    %dot_general3A_44 = tpu.matmul %concatenate3A_42, %concatenate3A_42, %dot_general3A_43 {dimension_numbers = #tpu.dot_dimension_numbers<[1], [1], [0], [0], [0, 0, 1, 0], [], []>, transpose_lhs_hint = false} : vector<192x768xf32>, vector<192x768xf32>, vector<192x192xf32> -> vector<192x192xf32>
    %add3A = arith.addf %dot_general3A_26, %dot_general3A_44 : vector<192x192xf32>
    %get3A_45 = arith.constant 0 : index
    %get3A_46 = arith.constant 2 : index
    %get3A_47 = arith.constant 0 : index
    %get3A_48 = vector.load %arg1[%get3A_45, %get3A_46, %get3A_47] : memref<64x8x768xf32, #tpu.memory_space<vmem>>, vector<64x1x768xf32>
    %get3A_49 = vector.shape_cast %get3A_48 : vector<64x1x768xf32> to vector<64x768xf32>
    %get3A_50 = arith.constant 0 : index
    %get3A_51 = arith.constant 2 : index
    %get3A_52 = arith.constant 0 : index
    %get3A_53 = vector.load %arg2[%get3A_50, %get3A_51, %get3A_52] : memref<64x8x768xf32, #tpu.memory_space<vmem>>, vector<64x1x768xf32>
    %get3A_54 = vector.shape_cast %get3A_53 : vector<64x1x768xf32> to vector<64x768xf32>
    %get3A_55 = arith.constant 0 : index
    %get3A_56 = arith.constant 2 : index
    %get3A_57 = arith.constant 0 : index
    %get3A_58 = vector.load %arg3[%get3A_55, %get3A_56, %get3A_57] : memref<64x8x768xf32, #tpu.memory_space<vmem>>, vector<64x1x768xf32>
    %get3A_59 = vector.shape_cast %get3A_58 : vector<64x1x768xf32> to vector<64x768xf32>
    %concatenate3A_60 = tpu.concatenate %get3A_49, %get3A_54, %get3A_59 in 0 : vector<64x768xf32>, vector<64x768xf32>, vector<64x768xf32> -> vector<192x768xf32>
    %dot_general3A_61 = arith.constant dense<0.000000e+00> : vector<192x192xf32>
    %dot_general3A_62 = tpu.matmul %concatenate3A_60, %concatenate3A_60, %dot_general3A_61 {dimension_numbers = #tpu.dot_dimension_numbers<[1], [1], [0], [0], [0, 0, 1, 0], [], []>, transpose_lhs_hint = false} : vector<192x768xf32>, vector<192x768xf32>, vector<192x192xf32> -> vector<192x192xf32>
    %add3A_63 = arith.addf %add3A, %dot_general3A_62 : vector<192x192xf32>
    %get3A_64 = arith.constant 0 : index
    %get3A_65 = arith.constant 3 : index
    %get3A_66 = arith.constant 0 : index
    %get3A_67 = vector.load %arg1[%get3A_64, %get3A_65, %get3A_66] : memref<64x8x768xf32, #tpu.memory_space<vmem>>, vector<64x1x768xf32>
    %get3A_68 = vector.shape_cast %get3A_67 : vector<64x1x768xf32> to vector<64x768xf32>
    %get3A_69 = arith.constant 0 : index
    %get3A_70 = arith.constant 3 : index
    %get3A_71 = arith.constant 0 : index
    %get3A_72 = vector.load %arg2[%get3A_69, %get3A_70, %get3A_71] : memref<64x8x768xf32, #tpu.memory_space<vmem>>, vector<64x1x768xf32>
    %get3A_73 = vector.shape_cast %get3A_72 : vector<64x1x768xf32> to vector<64x768xf32>
    %get3A_74 = arith.constant 0 : index
    %get3A_75 = arith.constant 3 : index
    %get3A_76 = arith.constant 0 : index
    %get3A_77 = vector.load %arg3[%get3A_74, %get3A_75, %get3A_76] : memref<64x8x768xf32, #tpu.memory_space<vmem>>, vector<64x1x768xf32>
    %get3A_78 = vector.shape_cast %get3A_77 : vector<64x1x768xf32> to vector<64x768xf32>
    %concatenate3A_79 = tpu.concatenate %get3A_68, %get3A_73, %get3A_78 in 0 : vector<64x768xf32>, vector<64x768xf32>, vector<64x768xf32> -> vector<192x768xf32>
    %dot_general3A_80 = arith.constant dense<0.000000e+00> : vector<192x192xf32>
    %dot_general3A_81 = tpu.matmul %concatenate3A_79, %concatenate3A_79, %dot_general3A_80 {dimension_numbers = #tpu.dot_dimension_numbers<[1], [1], [0], [0], [0, 0, 1, 0], [], []>, transpose_lhs_hint = false} : vector<192x768xf32>, vector<192x768xf32>, vector<192x192xf32> -> vector<192x192xf32>
    %add3A_82 = arith.addf %add3A_63, %dot_general3A_81 : vector<192x192xf32>
    %get3A_83 = arith.constant 0 : index
    %get3A_84 = arith.constant 4 : index
    %get3A_85 = arith.constant 0 : index
    %get3A_86 = vector.load %arg1[%get3A_83, %get3A_84, %get3A_85] : memref<64x8x768xf32, #tpu.memory_space<vmem>>, vector<64x1x768xf32>
    %get3A_87 = vector.shape_cast %get3A_86 : vector<64x1x768xf32> to vector<64x768xf32>
    %get3A_88 = arith.constant 0 : index
    %get3A_89 = arith.constant 4 : index
    %get3A_90 = arith.constant 0 : index
    %get3A_91 = vector.load %arg2[%get3A_88, %get3A_89, %get3A_90] : memref<64x8x768xf32, #tpu.memory_space<vmem>>, vector<64x1x768xf32>
    %get3A_92 = vector.shape_cast %get3A_91 : vector<64x1x768xf32> to vector<64x768xf32>
    %get3A_93 = arith.constant 0 : index
    %get3A_94 = arith.constant 4 : index
    %get3A_95 = arith.constant 0 : index
    %get3A_96 = vector.load %arg3[%get3A_93, %get3A_94, %get3A_95] : memref<64x8x768xf32, #tpu.memory_space<vmem>>, vector<64x1x768xf32>
    %get3A_97 = vector.shape_cast %get3A_96 : vector<64x1x768xf32> to vector<64x768xf32>
    %concatenate3A_98 = tpu.concatenate %get3A_87, %get3A_92, %get3A_97 in 0 : vector<64x768xf32>, vector<64x768xf32>, vector<64x768xf32> -> vector<192x768xf32>
    %dot_general3A_99 = arith.constant dense<0.000000e+00> : vector<192x192xf32>
    %dot_general3A_100 = tpu.matmul %concatenate3A_98, %concatenate3A_98, %dot_general3A_99 {dimension_numbers = #tpu.dot_dimension_numbers<[1], [1], [0], [0], [0, 0, 1, 0], [], []>, transpose_lhs_hint = false} : vector<192x768xf32>, vector<192x768xf32>, vector<192x192xf32> -> vector<192x192xf32>
    %add3A_101 = arith.addf %add3A_82, %dot_general3A_100 : vector<192x192xf32>
    %get3A_102 = arith.constant 0 : index
    %get3A_103 = arith.constant 5 : index
    %get3A_104 = arith.constant 0 : index
    %get3A_105 = vector.load %arg1[%get3A_102, %get3A_103, %get3A_104] : memref<64x8x768xf32, #tpu.memory_space<vmem>>, vector<64x1x768xf32>
    %get3A_106 = vector.shape_cast %get3A_105 : vector<64x1x768xf32> to vector<64x768xf32>
    %get3A_107 = arith.constant 0 : index
    %get3A_108 = arith.constant 5 : index
    %get3A_109 = arith.constant 0 : index
    %get3A_110 = vector.load %arg2[%get3A_107, %get3A_108, %get3A_109] : memref<64x8x768xf32, #tpu.memory_space<vmem>>, vector<64x1x768xf32>
    %get3A_111 = vector.shape_cast %get3A_110 : vector<64x1x768xf32> to vector<64x768xf32>
    %get3A_112 = arith.constant 0 : index
    %get3A_113 = arith.constant 5 : index
    %get3A_114 = arith.constant 0 : index
    %get3A_115 = vector.load %arg3[%get3A_112, %get3A_113, %get3A_114] : memref<64x8x768xf32, #tpu.memory_space<vmem>>, vector<64x1x768xf32>
    %get3A_116 = vector.shape_cast %get3A_115 : vector<64x1x768xf32> to vector<64x768xf32>
    %concatenate3A_117 = tpu.concatenate %get3A_106, %get3A_111, %get3A_116 in 0 : vector<64x768xf32>, vector<64x768xf32>, vector<64x768xf32> -> vector<192x768xf32>
    %dot_general3A_118 = arith.constant dense<0.000000e+00> : vector<192x192xf32>
    %dot_general3A_119 = tpu.matmul %concatenate3A_117, %concatenate3A_117, %dot_general3A_118 {dimension_numbers = #tpu.dot_dimension_numbers<[1], [1], [0], [0], [0, 0, 1, 0], [], []>, transpose_lhs_hint = false} : vector<192x768xf32>, vector<192x768xf32>, vector<192x192xf32> -> vector<192x192xf32>
    %add3A_120 = arith.addf %add3A_101, %dot_general3A_119 : vector<192x192xf32>
    %get3A_121 = arith.constant 0 : index
    %get3A_122 = arith.constant 6 : index
    %get3A_123 = arith.constant 0 : index
    %get3A_124 = vector.load %arg1[%get3A_121, %get3A_122, %get3A_123] : memref<64x8x768xf32, #tpu.memory_space<vmem>>, vector<64x1x768xf32>
    %get3A_125 = vector.shape_cast %get3A_124 : vector<64x1x768xf32> to vector<64x768xf32>
    %get3A_126 = arith.constant 0 : index
    %get3A_127 = arith.constant 6 : index
    %get3A_128 = arith.constant 0 : index
    %get3A_129 = vector.load %arg2[%get3A_126, %get3A_127, %get3A_128] : memref<64x8x768xf32, #tpu.memory_space<vmem>>, vector<64x1x768xf32>
    %get3A_130 = vector.shape_cast %get3A_129 : vector<64x1x768xf32> to vector<64x768xf32>
    %get3A_131 = arith.constant 0 : index
    %get3A_132 = arith.constant 6 : index
    %get3A_133 = arith.constant 0 : index
    %get3A_134 = vector.load %arg3[%get3A_131, %get3A_132, %get3A_133] : memref<64x8x768xf32, #tpu.memory_space<vmem>>, vector<64x1x768xf32>
    %get3A_135 = vector.shape_cast %get3A_134 : vector<64x1x768xf32> to vector<64x768xf32>
    %concatenate3A_136 = tpu.concatenate %get3A_125, %get3A_130, %get3A_135 in 0 : vector<64x768xf32>, vector<64x768xf32>, vector<64x768xf32> -> vector<192x768xf32>
    %dot_general3A_137 = arith.constant dense<0.000000e+00> : vector<192x192xf32>
    %dot_general3A_138 = tpu.matmul %concatenate3A_136, %concatenate3A_136, %dot_general3A_137 {dimension_numbers = #tpu.dot_dimension_numbers<[1], [1], [0], [0], [0, 0, 1, 0], [], []>, transpose_lhs_hint = false} : vector<192x768xf32>, vector<192x768xf32>, vector<192x192xf32> -> vector<192x192xf32>
    %add3A_139 = arith.addf %add3A_120, %dot_general3A_138 : vector<192x192xf32>
    %get3A_140 = arith.constant 0 : index
    %get3A_141 = arith.constant 7 : index
    %get3A_142 = arith.constant 0 : index
    %get3A_143 = vector.load %arg1[%get3A_140, %get3A_141, %get3A_142] : memref<64x8x768xf32, #tpu.memory_space<vmem>>, vector<64x1x768xf32>
    %get3A_144 = vector.shape_cast %get3A_143 : vector<64x1x768xf32> to vector<64x768xf32>
    %get3A_145 = arith.constant 0 : index
    %get3A_146 = arith.constant 7 : index
    %get3A_147 = arith.constant 0 : index
    %get3A_148 = vector.load %arg2[%get3A_145, %get3A_146, %get3A_147] : memref<64x8x768xf32, #tpu.memory_space<vmem>>, vector<64x1x768xf32>
    %get3A_149 = vector.shape_cast %get3A_148 : vector<64x1x768xf32> to vector<64x768xf32>
    %get3A_150 = arith.constant 0 : index
    %get3A_151 = arith.constant 7 : index
    %get3A_152 = arith.constant 0 : index
    %get3A_153 = vector.load %arg3[%get3A_150, %get3A_151, %get3A_152] : memref<64x8x768xf32, #tpu.memory_space<vmem>>, vector<64x1x768xf32>
    %get3A_154 = vector.shape_cast %get3A_153 : vector<64x1x768xf32> to vector<64x768xf32>
    %concatenate3A_155 = tpu.concatenate %get3A_144, %get3A_149, %get3A_154 in 0 : vector<64x768xf32>, vector<64x768xf32>, vector<64x768xf32> -> vector<192x768xf32>
    %dot_general3A_156 = arith.constant dense<0.000000e+00> : vector<192x192xf32>
    %dot_general3A_157 = tpu.matmul %concatenate3A_155, %concatenate3A_155, %dot_general3A_156 {dimension_numbers = #tpu.dot_dimension_numbers<[1], [1], [0], [0], [0, 0, 1, 0], [], []>, transpose_lhs_hint = false} : vector<192x768xf32>, vector<192x768xf32>, vector<192x192xf32> -> vector<192x192xf32>
    %add3A_158 = arith.addf %add3A_139, %dot_general3A_157 : vector<192x192xf32>
    %eq3A_159 = arith.constant 0 : i32
    %eq3A_160 = arith.cmpi eq, %arg0, %eq3A_159 : i32
    %convert_element_type3A_161 = arith.extui %eq3A_160 : i1 to i32
    %cond3A_162 = arith.constant 0 : i32
    %cond3A_163 = arith.cmpi ne, %convert_element_type3A_161, %cond3A_162 : i32
    scf.if %cond3A_163 {
      %swap3A = arith.constant 0 : index
      %swap3A_169 = arith.constant 0 : index
      %swap3A_170 = vector.load %arg8[%swap3A, %swap3A_169] : memref<192x192xf32, #tpu.memory_space<vmem>>, vector<192x192xf32>
      tpu.vector_store %arg8[%swap3A, %swap3A_169], %add3A_158 {strides = array<i32>} : memref<192x192xf32, #tpu.memory_space<vmem>>, vector<192x192xf32>,
    } else {
    }
    %eq3A_164 = arith.constant 1 : i32
    %eq3A_165 = arith.cmpi eq, %arg0, %eq3A_164 : i32
    %convert_element_type3A_166 = arith.extui %eq3A_165 : i1 to i32
    %cond3A_167 = arith.constant 0 : i32
    %cond3A_168 = arith.cmpi ne, %convert_element_type3A_166, %cond3A_167 : i32
    scf.if %cond3A_168 {
      %get3A_169 = arith.constant 0 : index
      %get3A_170 = arith.constant 0 : index
      %get3A_171 = vector.load %arg8[%get3A_169, %get3A_170] : memref<192x192xf32, #tpu.memory_space<vmem>>, vector<192x192xf32>
      %add3A_172 = arith.addf %get3A_171, %add3A_158 : vector<192x192xf32>
      %iota3A = tpu.iota {dimensions = array<i32: 0>} : vector<192x192xi32>
      %iota3A_173 = tpu.iota {dimensions = array<i32: 1>} : vector<192x192xi32>
      %eq3A_174 = arith.cmpi eq, %iota3A, %iota3A_173 : vector<192x192xi32>
      %jit3A = arith.constant 1.000000e+00 : f32
      %jit3A_175 = arith.constant 0.000000e+00 : f32
      %broadcast_in_dim3A = vector.broadcast %jit3A : f32 to vector<192x192xf32>
      %broadcast_in_dim3A_176 = vector.broadcast %jit3A_175 : f32 to vector<192x192xf32>
      %select_n3A = arith.select %eq3A_174, %broadcast_in_dim3A, %broadcast_in_dim3A_176 : vector<192x192xi1>, vector<192x192xf32>
      %mul3A = arith.mulf %add3A_172, %select_n3A : vector<192x192xf32>
      %reduce_sum3A_177 = arith.constant dense<0.000000e+00> : vector<192xf32>
      %reduce_sum3A_178 = vector.multi_reduction <add>, %mul3A, %reduce_sum3A_177 [1] : vector<192x192xf32> to vector<192xf32>
      %broadcast_in_dim3A_179 = vector.shape_cast %reduce_sum3A_178 : vector<192xf32> to vector<192x1xf32>
      %sqrt3A = math.sqrt %broadcast_in_dim3A_179 : vector<192x1xf32>
      %max3A = arith.constant 9.99999993E-9 : f32
      %max3A_180 = vector.broadcast %max3A : f32 to vector<192x1xf32>
      %max3A_181 = arith.maximumf %sqrt3A, %max3A_180 : vector<192x1xf32>
      %reduce_sum3A_182 = arith.constant dense<0.000000e+00> : vector<192xf32>
      %reduce_sum3A_183 = vector.multi_reduction <add>, %mul3A, %reduce_sum3A_182 [0] : vector<192x192xf32> to vector<192xf32>
      %broadcast_in_dim3A_184 = vector.shape_cast %reduce_sum3A_183 : vector<192xf32> to vector<1x192xf32>
      %sqrt3A_185 = math.sqrt %broadcast_in_dim3A_184 : vector<1x192xf32>
      %max3A_186 = arith.constant 9.99999993E-9 : f32
      %max3A_187 = vector.broadcast %max3A_186 : f32 to vector<1x192xf32>
      %max3A_188 = arith.maximumf %sqrt3A_185, %max3A_187 : vector<1x192xf32>
      %slice3A = vector.extract_strided_slice %add3A_172 {offsets = [0, 0], sizes = [64, 64], strides = [1, 1]} : vector<192x192xf32> to vector<64x64xf32>
      %slice3A_189 = vector.extract_strided_slice %add3A_172 {offsets = [64, 64], sizes = [64, 64], strides = [1, 1]} : vector<192x192xf32> to vector<64x64xf32>
      %slice3A_190 = vector.extract_strided_slice %add3A_172 {offsets = [128, 128], sizes = [64, 64], strides = [1, 1]} : vector<192x192xf32> to vector<64x64xf32>
      %slice3A_191 = vector.extract_strided_slice %add3A_172 {offsets = [64, 0], sizes = [64, 64], strides = [1, 1]} : vector<192x192xf32> to vector<64x64xf32>
      %slice3A_192 = vector.extract_strided_slice %add3A_172 {offsets = [128, 0], sizes = [64, 64], strides = [1, 1]} : vector<192x192xf32> to vector<64x64xf32>
      %slice3A_193 = vector.extract_strided_slice %add3A_172 {offsets = [64, 128], sizes = [64, 64], strides = [1, 1]} : vector<192x192xf32> to vector<64x64xf32>
      %slice3A_194 = vector.extract_strided_slice %max3A_181 {offsets = [64, 0], sizes = [64, 1], strides = [1, 1]} : vector<192x1xf32> to vector<64x1xf32>
      %slice3A_195 = vector.extract_strided_slice %max3A_188 {offsets = [0, 0], sizes = [1, 64], strides = [1, 1]} : vector<1x192xf32> to vector<1x64xf32>
      %mul3A_196 = vector.broadcast %slice3A_194 : vector<64x1xf32> to vector<64x64xf32>
      %mul3A_197 = vector.broadcast %slice3A_195 : vector<1x64xf32> to vector<64x64xf32>
      %mul3A_198 = arith.mulf %mul3A_196, %mul3A_197 : vector<64x64xf32>
      %div3A = arith.divf %slice3A_191, %mul3A_198 : vector<64x64xf32>
      %jit3A_199 = arith.constant 0.000000e+00 : f32
      %jit3A_200 = arith.constant 1.000000e+00 : f32
      %max3A_201 = vector.broadcast %jit3A_199 : f32 to vector<64x64xf32>
      %max3A_202 = arith.maximumf %max3A_201, %div3A : vector<64x64xf32>
      %min3A = vector.broadcast %jit3A_200 : f32 to vector<64x64xf32>
      %min3A_203 = arith.minimumf %min3A, %max3A_202 : vector<64x64xf32>
      %sub3A = arith.constant 1.000000e+00 : f32
      %sub3A_204 = vector.broadcast %sub3A : f32 to vector<64x64xf32>
      %sub3A_205 = arith.subf %sub3A_204, %min3A_203 : vector<64x64xf32>
      %mul3A_206 = arith.constant 5.000000e-01 : f32
      %mul3A_207 = vector.broadcast %mul3A_206 : f32 to vector<64x64xf32>
      %mul3A_208 = arith.mulf %mul3A_207, %sub3A_205 : vector<64x64xf32>
      %max3A_209 = arith.constant 0.000000e+00 : f32
      %max3A_210 = vector.broadcast %max3A_209 : f32 to vector<64x64xf32>
      %max3A_211 = arith.maximumf %mul3A_208, %max3A_210 : vector<64x64xf32>
      %sqrt3A_212 = math.sqrt %max3A_211 : vector<64x64xf32>
      %mul3A_213 = arith.mulf %sqrt3A_212, %sqrt3A_212 : vector<64x64xf32>
      %mul3A_214 = arith.constant 4.216320e-02 : f32
      %mul3A_215 = vector.broadcast %mul3A_214 : f32 to vector<64x64xf32>
      %mul3A_216 = arith.mulf %mul3A_215, %mul3A_213 : vector<64x64xf32>
      %add3A_217 = arith.constant 0.024181312 : f32
      %add3A_218 = vector.broadcast %add3A_217 : f32 to vector<64x64xf32>
      %add3A_219 = arith.addf %mul3A_216, %add3A_218 : vector<64x64xf32>
      %mul3A_220 = arith.mulf %add3A_219, %mul3A_213 : vector<64x64xf32>
      %add3A_221 = arith.constant 0.0454700254 : f32
      %add3A_222 = vector.broadcast %add3A_221 : f32 to vector<64x64xf32>
      %add3A_223 = arith.addf %mul3A_220, %add3A_222 : vector<64x64xf32>
      %mul3A_224 = arith.mulf %add3A_223, %mul3A_213 : vector<64x64xf32>
      %add3A_225 = arith.constant 0.0749530047 : f32
      %add3A_226 = vector.broadcast %add3A_225 : f32 to vector<64x64xf32>
      %add3A_227 = arith.addf %mul3A_224, %add3A_226 : vector<64x64xf32>
      %mul3A_228 = arith.mulf %add3A_227, %mul3A_213 : vector<64x64xf32>
      %add3A_229 = arith.constant 0.166667521 : f32
      %add3A_230 = vector.broadcast %add3A_229 : f32 to vector<64x64xf32>
      %add3A_231 = arith.addf %mul3A_228, %add3A_230 : vector<64x64xf32>
      %mul3A_232 = arith.mulf %sqrt3A_212, %mul3A_213 : vector<64x64xf32>
      %mul3A_233 = arith.mulf %mul3A_232, %add3A_231 : vector<64x64xf32>
      %add3A_234 = arith.addf %sqrt3A_212, %mul3A_233 : vector<64x64xf32>
      %mul3A_235 = arith.constant 2.000000e+00 : f32
      %mul3A_236 = vector.broadcast %mul3A_235 : f32 to vector<64x64xf32>
      %mul3A_237 = arith.mulf %mul3A_236, %add3A_234 : vector<64x64xf32>
      %sub3A_238 = arith.constant 1.57079637 : f32
      %sub3A_239 = vector.broadcast %sub3A_238 : f32 to vector<64x64xf32>
      %sub3A_240 = arith.subf %sub3A_239, %mul3A_237 : vector<64x64xf32>
      %gt3A = arith.constant 5.000000e-01 : f32
      %gt3A_241 = vector.broadcast %gt3A : f32 to vector<64x64xf32>
      %gt3A_242 = arith.cmpf ogt, %min3A_203, %gt3A_241 : vector<64x64xf32>
      %min3A_243 = arith.constant 5.000000e-01 : f32
      %min3A_244 = vector.broadcast %min3A_243 : f32 to vector<64x64xf32>
      %min3A_245 = arith.minimumf %min3A_203, %min3A_244 : vector<64x64xf32>
      %mul3A_246 = arith.mulf %min3A_245, %min3A_245 : vector<64x64xf32>
      %mul3A_247 = arith.constant 4.216320e-02 : f32
      %mul3A_248 = vector.broadcast %mul3A_247 : f32 to vector<64x64xf32>
      %mul3A_249 = arith.mulf %mul3A_248, %mul3A_246 : vector<64x64xf32>
      %add3A_250 = arith.constant 0.024181312 : f32
      %add3A_251 = vector.broadcast %add3A_250 : f32 to vector<64x64xf32>
      %add3A_252 = arith.addf %mul3A_249, %add3A_251 : vector<64x64xf32>
      %mul3A_253 = arith.mulf %add3A_252, %mul3A_246 : vector<64x64xf32>
      %add3A_254 = arith.constant 0.0454700254 : f32
      %add3A_255 = vector.broadcast %add3A_254 : f32 to vector<64x64xf32>
      %add3A_256 = arith.addf %mul3A_253, %add3A_255 : vector<64x64xf32>
      %mul3A_257 = arith.mulf %add3A_256, %mul3A_246 : vector<64x64xf32>
      %add3A_258 = arith.constant 0.0749530047 : f32
      %add3A_259 = vector.broadcast %add3A_258 : f32 to vector<64x64xf32>
      %add3A_260 = arith.addf %mul3A_257, %add3A_259 : vector<64x64xf32>
      %mul3A_261 = arith.mulf %add3A_260, %mul3A_246 : vector<64x64xf32>
      %add3A_262 = arith.constant 0.166667521 : f32
      %add3A_263 = vector.broadcast %add3A_262 : f32 to vector<64x64xf32>
      %add3A_264 = arith.addf %mul3A_261, %add3A_263 : vector<64x64xf32>
      %mul3A_265 = arith.mulf %min3A_245, %mul3A_246 : vector<64x64xf32>
      %mul3A_266 = arith.mulf %mul3A_265, %add3A_264 : vector<64x64xf32>
      %add3A_267 = arith.addf %min3A_245, %mul3A_266 : vector<64x64xf32>
      %select_n3A_268 = arith.select %gt3A_242, %sub3A_240, %add3A_267 : vector<64x64xi1>, vector<64x64xf32>
      %reduce_sum3A_269 = vector.shape_cast %select_n3A_268 : vector<64x64xf32> to vector<1x64x64xf32>
      %reduce_sum3A_270 = arith.constant dense<0.000000e+00> : vector<1xf32>
      %reduce_sum3A_271 = vector.multi_reduction <add>, %reduce_sum3A_269, %reduce_sum3A_270 [1, 2] : vector<1x64x64xf32> to vector<1xf32>
      %reduce_sum3A_272 = vector.shape_cast %reduce_sum3A_271 : vector<1xf32> to vector<1x1x1xf32>
      %reduce_sum3A_273 = vector.extract %reduce_sum3A_272[0, 0, 0] : f32 from vector<1x1x1xf32>
      %broadcast_in_dim3A_274 = vector.broadcast %reduce_sum3A_273 : f32 to vector<1x1xf32>
      %slice3A_275 = vector.extract_strided_slice %max3A_181 {offsets = [128, 0], sizes = [64, 1], strides = [1, 1]} : vector<192x1xf32> to vector<64x1xf32>
      %slice3A_276 = vector.extract_strided_slice %max3A_188 {offsets = [0, 0], sizes = [1, 64], strides = [1, 1]} : vector<1x192xf32> to vector<1x64xf32>
      %mul3A_277 = vector.broadcast %slice3A_275 : vector<64x1xf32> to vector<64x64xf32>
      %mul3A_278 = vector.broadcast %slice3A_276 : vector<1x64xf32> to vector<64x64xf32>
      %mul3A_279 = arith.mulf %mul3A_277, %mul3A_278 : vector<64x64xf32>
      %div3A_280 = arith.divf %slice3A_192, %mul3A_279 : vector<64x64xf32>
      %jit3A_281 = arith.constant 0.000000e+00 : f32
      %jit3A_282 = arith.constant 1.000000e+00 : f32
      %max3A_283 = vector.broadcast %jit3A_281 : f32 to vector<64x64xf32>
      %max3A_284 = arith.maximumf %max3A_283, %div3A_280 : vector<64x64xf32>
      %min3A_285 = vector.broadcast %jit3A_282 : f32 to vector<64x64xf32>
      %min3A_286 = arith.minimumf %min3A_285, %max3A_284 : vector<64x64xf32>
      %sub3A_287 = arith.constant 1.000000e+00 : f32
      %sub3A_288 = vector.broadcast %sub3A_287 : f32 to vector<64x64xf32>
      %sub3A_289 = arith.subf %sub3A_288, %min3A_286 : vector<64x64xf32>
      %mul3A_290 = arith.constant 5.000000e-01 : f32
      %mul3A_291 = vector.broadcast %mul3A_290 : f32 to vector<64x64xf32>
      %mul3A_292 = arith.mulf %mul3A_291, %sub3A_289 : vector<64x64xf32>
      %max3A_293 = arith.constant 0.000000e+00 : f32
      %max3A_294 = vector.broadcast %max3A_293 : f32 to vector<64x64xf32>
      %max3A_295 = arith.maximumf %mul3A_292, %max3A_294 : vector<64x64xf32>
      %sqrt3A_296 = math.sqrt %max3A_295 : vector<64x64xf32>
      %mul3A_297 = arith.mulf %sqrt3A_296, %sqrt3A_296 : vector<64x64xf32>
      %mul3A_298 = arith.constant 4.216320e-02 : f32
      %mul3A_299 = vector.broadcast %mul3A_298 : f32 to vector<64x64xf32>
      %mul3A_300 = arith.mulf %mul3A_299, %mul3A_297 : vector<64x64xf32>
      %add3A_301 = arith.constant 0.024181312 : f32
      %add3A_302 = vector.broadcast %add3A_301 : f32 to vector<64x64xf32>
      %add3A_303 = arith.addf %mul3A_300, %add3A_302 : vector<64x64xf32>
      %mul3A_304 = arith.mulf %add3A_303, %mul3A_297 : vector<64x64xf32>
      %add3A_305 = arith.constant 0.0454700254 : f32
      %add3A_306 = vector.broadcast %add3A_305 : f32 to vector<64x64xf32>
      %add3A_307 = arith.addf %mul3A_304, %add3A_306 : vector<64x64xf32>
      %mul3A_308 = arith.mulf %add3A_307, %mul3A_297 : vector<64x64xf32>
      %add3A_309 = arith.constant 0.0749530047 : f32
      %add3A_310 = vector.broadcast %add3A_309 : f32 to vector<64x64xf32>
      %add3A_311 = arith.addf %mul3A_308, %add3A_310 : vector<64x64xf32>
      %mul3A_312 = arith.mulf %add3A_311, %mul3A_297 : vector<64x64xf32>
      %add3A_313 = arith.constant 0.166667521 : f32
      %add3A_314 = vector.broadcast %add3A_313 : f32 to vector<64x64xf32>
      %add3A_315 = arith.addf %mul3A_312, %add3A_314 : vector<64x64xf32>
      %mul3A_316 = arith.mulf %sqrt3A_296, %mul3A_297 : vector<64x64xf32>
      %mul3A_317 = arith.mulf %mul3A_316, %add3A_315 : vector<64x64xf32>
      %add3A_318 = arith.addf %sqrt3A_296, %mul3A_317 : vector<64x64xf32>
      %mul3A_319 = arith.constant 2.000000e+00 : f32
      %mul3A_320 = vector.broadcast %mul3A_319 : f32 to vector<64x64xf32>
      %mul3A_321 = arith.mulf %mul3A_320, %add3A_318 : vector<64x64xf32>
      %sub3A_322 = arith.constant 1.57079637 : f32
      %sub3A_323 = vector.broadcast %sub3A_322 : f32 to vector<64x64xf32>
      %sub3A_324 = arith.subf %sub3A_323, %mul3A_321 : vector<64x64xf32>
      %gt3A_325 = arith.constant 5.000000e-01 : f32
      %gt3A_326 = vector.broadcast %gt3A_325 : f32 to vector<64x64xf32>
      %gt3A_327 = arith.cmpf ogt, %min3A_286, %gt3A_326 : vector<64x64xf32>
      %min3A_328 = arith.constant 5.000000e-01 : f32
      %min3A_329 = vector.broadcast %min3A_328 : f32 to vector<64x64xf32>
      %min3A_330 = arith.minimumf %min3A_286, %min3A_329 : vector<64x64xf32>
      %mul3A_331 = arith.mulf %min3A_330, %min3A_330 : vector<64x64xf32>
      %mul3A_332 = arith.constant 4.216320e-02 : f32
      %mul3A_333 = vector.broadcast %mul3A_332 : f32 to vector<64x64xf32>
      %mul3A_334 = arith.mulf %mul3A_333, %mul3A_331 : vector<64x64xf32>
      %add3A_335 = arith.constant 0.024181312 : f32
      %add3A_336 = vector.broadcast %add3A_335 : f32 to vector<64x64xf32>
      %add3A_337 = arith.addf %mul3A_334, %add3A_336 : vector<64x64xf32>
      %mul3A_338 = arith.mulf %add3A_337, %mul3A_331 : vector<64x64xf32>
      %add3A_339 = arith.constant 0.0454700254 : f32
      %add3A_340 = vector.broadcast %add3A_339 : f32 to vector<64x64xf32>
      %add3A_341 = arith.addf %mul3A_338, %add3A_340 : vector<64x64xf32>
      %mul3A_342 = arith.mulf %add3A_341, %mul3A_331 : vector<64x64xf32>
      %add3A_343 = arith.constant 0.0749530047 : f32
      %add3A_344 = vector.broadcast %add3A_343 : f32 to vector<64x64xf32>
      %add3A_345 = arith.addf %mul3A_342, %add3A_344 : vector<64x64xf32>
      %mul3A_346 = arith.mulf %add3A_345, %mul3A_331 : vector<64x64xf32>
      %add3A_347 = arith.constant 0.166667521 : f32
      %add3A_348 = vector.broadcast %add3A_347 : f32 to vector<64x64xf32>
      %add3A_349 = arith.addf %mul3A_346, %add3A_348 : vector<64x64xf32>
      %mul3A_350 = arith.mulf %min3A_330, %mul3A_331 : vector<64x64xf32>
      %mul3A_351 = arith.mulf %mul3A_350, %add3A_349 : vector<64x64xf32>
      %add3A_352 = arith.addf %min3A_330, %mul3A_351 : vector<64x64xf32>
      %select_n3A_353 = arith.select %gt3A_327, %sub3A_324, %add3A_352 : vector<64x64xi1>, vector<64x64xf32>
      %reduce_sum3A_354 = vector.shape_cast %select_n3A_353 : vector<64x64xf32> to vector<1x64x64xf32>
      %reduce_sum3A_355 = arith.constant dense<0.000000e+00> : vector<1xf32>
      %reduce_sum3A_356 = vector.multi_reduction <add>, %reduce_sum3A_354, %reduce_sum3A_355 [1, 2] : vector<1x64x64xf32> to vector<1xf32>
      %reduce_sum3A_357 = vector.shape_cast %reduce_sum3A_356 : vector<1xf32> to vector<1x1x1xf32>
      %reduce_sum3A_358 = vector.extract %reduce_sum3A_357[0, 0, 0] : f32 from vector<1x1x1xf32>
      %broadcast_in_dim3A_359 = vector.broadcast %reduce_sum3A_358 : f32 to vector<1x1xf32>
      %add3A_360 = arith.addf %broadcast_in_dim3A_274, %broadcast_in_dim3A_359 : vector<1x1xf32>
      %slice3A_361 = vector.extract_strided_slice %max3A_181 {offsets = [64, 0], sizes = [64, 1], strides = [1, 1]} : vector<192x1xf32> to vector<64x1xf32>
      %slice3A_362 = vector.extract_strided_slice %max3A_188 {offsets = [0, 128], sizes = [1, 64], strides = [1, 1]} : vector<1x192xf32> to vector<1x64xf32>
      %mul3A_363 = vector.broadcast %slice3A_361 : vector<64x1xf32> to vector<64x64xf32>
      %mul3A_364 = vector.broadcast %slice3A_362 : vector<1x64xf32> to vector<64x64xf32>
      %mul3A_365 = arith.mulf %mul3A_363, %mul3A_364 : vector<64x64xf32>
      %div3A_366 = arith.divf %slice3A_193, %mul3A_365 : vector<64x64xf32>
      %jit3A_367 = arith.constant 0.000000e+00 : f32
      %jit3A_368 = arith.constant 1.000000e+00 : f32
      %max3A_369 = vector.broadcast %jit3A_367 : f32 to vector<64x64xf32>
      %max3A_370 = arith.maximumf %max3A_369, %div3A_366 : vector<64x64xf32>
      %min3A_371 = vector.broadcast %jit3A_368 : f32 to vector<64x64xf32>
      %min3A_372 = arith.minimumf %min3A_371, %max3A_370 : vector<64x64xf32>
      %sub3A_373 = arith.constant 1.000000e+00 : f32
      %sub3A_374 = vector.broadcast %sub3A_373 : f32 to vector<64x64xf32>
      %sub3A_375 = arith.subf %sub3A_374, %min3A_372 : vector<64x64xf32>
      %mul3A_376 = arith.constant 5.000000e-01 : f32
      %mul3A_377 = vector.broadcast %mul3A_376 : f32 to vector<64x64xf32>
      %mul3A_378 = arith.mulf %mul3A_377, %sub3A_375 : vector<64x64xf32>
      %max3A_379 = arith.constant 0.000000e+00 : f32
      %max3A_380 = vector.broadcast %max3A_379 : f32 to vector<64x64xf32>
      %max3A_381 = arith.maximumf %mul3A_378, %max3A_380 : vector<64x64xf32>
      %sqrt3A_382 = math.sqrt %max3A_381 : vector<64x64xf32>
      %mul3A_383 = arith.mulf %sqrt3A_382, %sqrt3A_382 : vector<64x64xf32>
      %mul3A_384 = arith.constant 4.216320e-02 : f32
      %mul3A_385 = vector.broadcast %mul3A_384 : f32 to vector<64x64xf32>
      %mul3A_386 = arith.mulf %mul3A_385, %mul3A_383 : vector<64x64xf32>
      %add3A_387 = arith.constant 0.024181312 : f32
      %add3A_388 = vector.broadcast %add3A_387 : f32 to vector<64x64xf32>
      %add3A_389 = arith.addf %mul3A_386, %add3A_388 : vector<64x64xf32>
      %mul3A_390 = arith.mulf %add3A_389, %mul3A_383 : vector<64x64xf32>
      %add3A_391 = arith.constant 0.0454700254 : f32
      %add3A_392 = vector.broadcast %add3A_391 : f32 to vector<64x64xf32>
      %add3A_393 = arith.addf %mul3A_390, %add3A_392 : vector<64x64xf32>
      %mul3A_394 = arith.mulf %add3A_393, %mul3A_383 : vector<64x64xf32>
      %add3A_395 = arith.constant 0.0749530047 : f32
      %add3A_396 = vector.broadcast %add3A_395 : f32 to vector<64x64xf32>
      %add3A_397 = arith.addf %mul3A_394, %add3A_396 : vector<64x64xf32>
      %mul3A_398 = arith.mulf %add3A_397, %mul3A_383 : vector<64x64xf32>
      %add3A_399 = arith.constant 0.166667521 : f32
      %add3A_400 = vector.broadcast %add3A_399 : f32 to vector<64x64xf32>
      %add3A_401 = arith.addf %mul3A_398, %add3A_400 : vector<64x64xf32>
      %mul3A_402 = arith.mulf %sqrt3A_382, %mul3A_383 : vector<64x64xf32>
      %mul3A_403 = arith.mulf %mul3A_402, %add3A_401 : vector<64x64xf32>
      %add3A_404 = arith.addf %sqrt3A_382, %mul3A_403 : vector<64x64xf32>
      %mul3A_405 = arith.constant 2.000000e+00 : f32
      %mul3A_406 = vector.broadcast %mul3A_405 : f32 to vector<64x64xf32>
      %mul3A_407 = arith.mulf %mul3A_406, %add3A_404 : vector<64x64xf32>
      %sub3A_408 = arith.constant 1.57079637 : f32
      %sub3A_409 = vector.broadcast %sub3A_408 : f32 to vector<64x64xf32>
      %sub3A_410 = arith.subf %sub3A_409, %mul3A_407 : vector<64x64xf32>
      %gt3A_411 = arith.constant 5.000000e-01 : f32
      %gt3A_412 = vector.broadcast %gt3A_411 : f32 to vector<64x64xf32>
      %gt3A_413 = arith.cmpf ogt, %min3A_372, %gt3A_412 : vector<64x64xf32>
      %min3A_414 = arith.constant 5.000000e-01 : f32
      %min3A_415 = vector.broadcast %min3A_414 : f32 to vector<64x64xf32>
      %min3A_416 = arith.minimumf %min3A_372, %min3A_415 : vector<64x64xf32>
      %mul3A_417 = arith.mulf %min3A_416, %min3A_416 : vector<64x64xf32>
      %mul3A_418 = arith.constant 4.216320e-02 : f32
      %mul3A_419 = vector.broadcast %mul3A_418 : f32 to vector<64x64xf32>
      %mul3A_420 = arith.mulf %mul3A_419, %mul3A_417 : vector<64x64xf32>
      %add3A_421 = arith.constant 0.024181312 : f32
      %add3A_422 = vector.broadcast %add3A_421 : f32 to vector<64x64xf32>
      %add3A_423 = arith.addf %mul3A_420, %add3A_422 : vector<64x64xf32>
      %mul3A_424 = arith.mulf %add3A_423, %mul3A_417 : vector<64x64xf32>
      %add3A_425 = arith.constant 0.0454700254 : f32
      %add3A_426 = vector.broadcast %add3A_425 : f32 to vector<64x64xf32>
      %add3A_427 = arith.addf %mul3A_424, %add3A_426 : vector<64x64xf32>
      %mul3A_428 = arith.mulf %add3A_427, %mul3A_417 : vector<64x64xf32>
      %add3A_429 = arith.constant 0.0749530047 : f32
      %add3A_430 = vector.broadcast %add3A_429 : f32 to vector<64x64xf32>
      %add3A_431 = arith.addf %mul3A_428, %add3A_430 : vector<64x64xf32>
      %mul3A_432 = arith.mulf %add3A_431, %mul3A_417 : vector<64x64xf32>
      %add3A_433 = arith.constant 0.166667521 : f32
      %add3A_434 = vector.broadcast %add3A_433 : f32 to vector<64x64xf32>
      %add3A_435 = arith.addf %mul3A_432, %add3A_434 : vector<64x64xf32>
      %mul3A_436 = arith.mulf %min3A_416, %mul3A_417 : vector<64x64xf32>
      %mul3A_437 = arith.mulf %mul3A_436, %add3A_435 : vector<64x64xf32>
      %add3A_438 = arith.addf %min3A_416, %mul3A_437 : vector<64x64xf32>
      %select_n3A_439 = arith.select %gt3A_413, %sub3A_410, %add3A_438 : vector<64x64xi1>, vector<64x64xf32>
      %reduce_sum3A_440 = vector.shape_cast %select_n3A_439 : vector<64x64xf32> to vector<1x64x64xf32>
      %reduce_sum3A_441 = arith.constant dense<0.000000e+00> : vector<1xf32>
      %reduce_sum3A_442 = vector.multi_reduction <add>, %reduce_sum3A_440, %reduce_sum3A_441 [1, 2] : vector<1x64x64xf32> to vector<1xf32>
      %reduce_sum3A_443 = vector.shape_cast %reduce_sum3A_442 : vector<1xf32> to vector<1x1x1xf32>
      %reduce_sum3A_444 = vector.extract %reduce_sum3A_443[0, 0, 0] : f32 from vector<1x1x1xf32>
      %broadcast_in_dim3A_445 = vector.broadcast %reduce_sum3A_444 : f32 to vector<1x1xf32>
      %add3A_446 = arith.addf %add3A_360, %broadcast_in_dim3A_445 : vector<1x1xf32>
      %mul3A_447 = arith.constant 4.8828125E-4 : f32
      %mul3A_448 = vector.broadcast %mul3A_447 : f32 to vector<1x1xf32>
      %mul3A_449 = arith.mulf %add3A_446, %mul3A_448 : vector<1x1xf32>
      %swap3A = arith.constant 0 : index
      %swap3A_450 = arith.constant 0 : index
      %swap3A_451 = vector.load %arg5[%swap3A, %swap3A_450] : memref<1x1xf32, #tpu.memory_space<vmem>>, vector<1x1xf32>
      tpu.vector_store %arg5[%swap3A, %swap3A_450], %mul3A_449 {strides = array<i32>} : memref<1x1xf32, #tpu.memory_space<vmem>>, vector<1x1xf32>,
      %slice3A_452 = vector.extract_strided_slice %select_n3A {offsets = [0, 0], sizes = [64, 64], strides = [1, 1]} : vector<192x192xf32> to vector<64x64xf32>
      %sub3A_453 = arith.subf %slice3A, %slice3A_452 : vector<64x64xf32>
      %integer_pow3A = arith.mulf %sub3A_453, %sub3A_453 : vector<64x64xf32>
      %reduce_sum3A_454 = vector.shape_cast %integer_pow3A : vector<64x64xf32> to vector<1x64x64xf32>
      %reduce_sum3A_455 = arith.constant dense<0.000000e+00> : vector<1xf32>
      %reduce_sum3A_456 = vector.multi_reduction <add>, %reduce_sum3A_454, %reduce_sum3A_455 [1, 2] : vector<1x64x64xf32> to vector<1xf32>
      %reduce_sum3A_457 = vector.shape_cast %reduce_sum3A_456 : vector<1xf32> to vector<1x1x1xf32>
      %reduce_sum3A_458 = vector.extract %reduce_sum3A_457[0, 0, 0] : f32 from vector<1x1x1xf32>
      %broadcast_in_dim3A_459 = vector.broadcast %reduce_sum3A_458 : f32 to vector<1x1xf32>
      %sub3A_460 = arith.subf %slice3A_189, %slice3A_452 : vector<64x64xf32>
      %integer_pow3A_461 = arith.mulf %sub3A_460, %sub3A_460 : vector<64x64xf32>
      %reduce_sum3A_462 = vector.shape_cast %integer_pow3A_461 : vector<64x64xf32> to vector<1x64x64xf32>
      %reduce_sum3A_463 = arith.constant dense<0.000000e+00> : vector<1xf32>
      %reduce_sum3A_464 = vector.multi_reduction <add>, %reduce_sum3A_462, %reduce_sum3A_463 [1, 2] : vector<1x64x64xf32> to vector<1xf32>
      %reduce_sum3A_465 = vector.shape_cast %reduce_sum3A_464 : vector<1xf32> to vector<1x1x1xf32>
      %reduce_sum3A_466 = vector.extract %reduce_sum3A_465[0, 0, 0] : f32 from vector<1x1x1xf32>
      %broadcast_in_dim3A_467 = vector.broadcast %reduce_sum3A_466 : f32 to vector<1x1xf32>
      %add3A_468 = arith.addf %broadcast_in_dim3A_459, %broadcast_in_dim3A_467 : vector<1x1xf32>
      %sub3A_469 = arith.subf %slice3A_190, %slice3A_452 : vector<64x64xf32>
      %integer_pow3A_470 = arith.mulf %sub3A_469, %sub3A_469 : vector<64x64xf32>
      %reduce_sum3A_471 = vector.shape_cast %integer_pow3A_470 : vector<64x64xf32> to vector<1x64x64xf32>
      %reduce_sum3A_472 = arith.constant dense<0.000000e+00> : vector<1xf32>
      %reduce_sum3A_473 = vector.multi_reduction <add>, %reduce_sum3A_471, %reduce_sum3A_472 [1, 2] : vector<1x64x64xf32> to vector<1xf32>
      %reduce_sum3A_474 = vector.shape_cast %reduce_sum3A_473 : vector<1xf32> to vector<1x1x1xf32>
      %reduce_sum3A_475 = vector.extract %reduce_sum3A_474[0, 0, 0] : f32 from vector<1x1x1xf32>
      %broadcast_in_dim3A_476 = vector.broadcast %reduce_sum3A_475 : f32 to vector<1x1xf32>
      %add3A_477 = arith.addf %add3A_468, %broadcast_in_dim3A_476 : vector<1x1xf32>
      %mul3A_478 = arith.constant 2.44140625E-4 : f32
      %mul3A_479 = vector.broadcast %mul3A_478 : f32 to vector<1x1xf32>
      %mul3A_480 = arith.mulf %add3A_477, %mul3A_479 : vector<1x1xf32>
      %swap3A_481 = arith.constant 0 : index
      %swap3A_482 = arith.constant 0 : index
      %swap3A_483 = vector.load %arg6[%swap3A_481, %swap3A_482] : memref<1x1xf32, #tpu.memory_space<vmem>>, vector<1x1xf32>
      tpu.vector_store %arg6[%swap3A_481, %swap3A_482], %mul3A_480 {strides = array<i32>} : memref<1x1xf32, #tpu.memory_space<vmem>>, vector<1x1xf32>,
    } else {
    }
    return
  }
  func.func @transform_0(%arg0: i32) -> (i32, i32, i32) {
    %c0_i32 = arith.constant 0 : i32
    %c0_i32_0 = arith.constant 0 : i32
    %c0_i32_1 = arith.constant 0 : i32
    return %c0_i32, %arg0, %c0_i32_0 : i32, i32, i32
  }
  func.func @transform_1(%arg0: i32) -> (i32, i32, i32) {
    %c0_i32 = arith.constant 0 : i32
    %c0_i32_0 = arith.constant 0 : i32
    %c0_i32_1 = arith.constant 0 : i32
    return %c0_i32, %arg0, %c0_i32_0 : i32, i32, i32
  }
  func.func @transform_2(%arg0: i32) -> (i32, i32, i32) {
    %c0_i32 = arith.constant 0 : i32
    %c0_i32_0 = arith.constant 0 : i32
    %c0_i32_1 = arith.constant 0 : i32
    return %c0_i32, %arg0, %c0_i32_0 : i32, i32, i32
  }
  func.func @transform_3(%arg0: i32) -> (i32, i32, i32) {
    %add3A = arith.constant 0 : i32
    %add3A_0 = arith.addi %add3A, %arg0 : i32
    %c0_i32 = arith.constant 0 : i32
    %c0_i32_1 = arith.constant 0 : i32
    %c0_i32_2 = arith.constant 0 : i32
    return %c0_i32, %add3A_0, %c0_i32_1 : i32, i32, i32
  }
  func.func @transform_4(%arg0: i32) -> (i32, i32) {
    %c0_i32 = arith.constant 0 : i32
    %c0_i32_0 = arith.constant 0 : i32
    %c0_i32_1 = arith.constant 0 : i32
    return %c0_i32, %c0_i32_0 : i32, i32
  }
  func.func @transform_5(%arg0: i32) -> (i32, i32) {
    %c0_i32 = arith.constant 0 : i32
    %c0_i32_0 = arith.constant 0 : i32
    %c0_i32_1 = arith.constant 0 : i32
    return %c0_i32, %c0_i32_0 : i32, i32
  }
  func.func @transform_6(%arg0: i32) -> (i32, i32) {
    %c0_i32 = arith.constant 0 : i32
    %c0_i32_0 = arith.constant 0 : i32
    %c0_i32_1 = arith.constant 0 : i32
    return %c0_i32, %c0_i32_0 : i32, i32
  }
}

module attributes {stable_mosaic.version = 14 : i64} {
  func.func @_fin_body(%arg0: i32, %arg1: memref<32x768xf32, #tpu.memory_space<vmem>>, %arg2: memref<4x768xf32, #tpu.memory_space<vmem>>, %arg3: memref<64x8x768xf32, #tpu.memory_space<vmem>>, %arg4: memref<64x8x768xf32, #tpu.memory_space<vmem>>, %arg5: memref<64x768xf32, #tpu.memory_space<vmem>>, %arg6: memref<64x768xf32, #tpu.memory_space<vmem>>, %arg7: memref<4x64xf32, #tpu.memory_space<vmem>>, %arg8: memref<4x64xf32, #tpu.memory_space<vmem>>, %arg9: memref<4x8x768xf32, #tpu.memory_space<vmem>>, %arg10: memref<4x8x768xf32, #tpu.memory_space<vmem>>, %arg11: memref<4x64xf32, #tpu.memory_space<vmem>>, %arg12: memref<4x64xf32, #tpu.memory_space<vmem>>) attributes {dimension_semantics = [#tpu.dimension_semantics<arbitrary>], iteration_bounds = array<i64: 2>, scalar_prefetch = 0 : i64, scratch_operands = 2 : i64, tpu.core_type = #tpu.core_type<tc>, window_params = [{pipeline_mode = #tpu.pipeline_mode<synchronous>, transform_indices = @transform_0, window_bounds = array<i64: 32, 768>}, {pipeline_mode = #tpu.pipeline_mode<synchronous>, transform_indices = @transform_1, window_bounds = array<i64: 4, 768>}, {transform_indices = @transform_2, window_bounds = array<i64: 64, 8, 768>}, {transform_indices = @transform_3, window_bounds = array<i64: 64, 8, 768>}, {pipeline_mode = #tpu.pipeline_mode<synchronous>, transform_indices = @transform_4, window_bounds = array<i64: 64, 768>}, {pipeline_mode = #tpu.pipeline_mode<synchronous>, transform_indices = @transform_5, window_bounds = array<i64: 64, 768>}, {pipeline_mode = #tpu.pipeline_mode<synchronous>, transform_indices = @transform_6, window_bounds = array<i64: 4, 64>}, {pipeline_mode = #tpu.pipeline_mode<synchronous>, transform_indices = @transform_7, window_bounds = array<i64: 4, 64>}, {transform_indices = @transform_8, window_bounds = array<i64: 4, 8, 768>}, {transform_indices = @transform_9, window_bounds = array<i64: 4, 8, 768>}]} {
    %eq3A = arith.constant 0 : i32
    %eq3A_0 = arith.cmpi eq, %arg0, %eq3A : i32
    %convert_element_type3A = arith.extui %eq3A_0 : i1 to i32
    %cond3A = arith.constant 0 : i32
    %cond3A_1 = arith.cmpi ne, %convert_element_type3A, %cond3A : i32
    scf.if %cond3A_1 {
      %iota3A = tpu.iota {dimensions = array<i32: 0>} : vector<4x32xi32>
      %iota3A_394 = tpu.iota {dimensions = array<i32: 1>} : vector<4x32xi32>
      %jit3A = arith.constant 8 : i32
      %div3A = vector.broadcast %jit3A : i32 to vector<4x32xi32>
      %div3A_395 = arith.divsi %iota3A_394, %div3A : vector<4x32xi32>
      %sign3A = arith.constant 0 : i32
      %sign3A_396 = vector.broadcast %sign3A : i32 to vector<4x32xi32>
      %sign3A_397 = arith.cmpi sgt, %iota3A_394, %sign3A_396 : vector<4x32xi32>
      %sign3A_398 = arith.extui %sign3A_397 : vector<4x32xi1> to vector<4x32xi32>
      %sign3A_399 = arith.constant 0 : i32
      %sign3A_400 = vector.broadcast %sign3A_399 : i32 to vector<4x32xi32>
      %sign3A_401 = arith.cmpi slt, %iota3A_394, %sign3A_400 : vector<4x32xi32>
      %sign3A_402 = arith.extui %sign3A_401 : vector<4x32xi1> to vector<4x32xi32>
      %sign3A_403 = arith.subi %sign3A_398, %sign3A_402 : vector<4x32xi32>
      %sign3A_404 = arith.constant 0 : i32
      %sign3A_405 = arith.cmpi sgt, %jit3A, %sign3A_404 : i32
      %sign3A_406 = arith.extui %sign3A_405 : i1 to i32
      %sign3A_407 = arith.constant 0 : i32
      %sign3A_408 = arith.cmpi slt, %jit3A, %sign3A_407 : i32
      %sign3A_409 = arith.extui %sign3A_408 : i1 to i32
      %sign3A_410 = arith.subi %sign3A_406, %sign3A_409 : i32
      %ne3A = vector.broadcast %sign3A_410 : i32 to vector<4x32xi32>
      %ne3A_411 = arith.cmpi ne, %sign3A_403, %ne3A : vector<4x32xi32>
      %rem3A = vector.broadcast %jit3A : i32 to vector<4x32xi32>
      %rem3A_412 = arith.remsi %iota3A_394, %rem3A : vector<4x32xi32>
      %ne3A_413 = arith.constant 0 : i32
      %ne3A_414 = vector.broadcast %ne3A_413 : i32 to vector<4x32xi32>
      %ne3A_415 = arith.cmpi ne, %rem3A_412, %ne3A_414 : vector<4x32xi32>
      %and3A = arith.andi %ne3A_411, %ne3A_415 : vector<4x32xi1>
      %sub3A = arith.constant 1 : i32
      %sub3A_416 = vector.broadcast %sub3A : i32 to vector<4x32xi32>
      %sub3A_417 = arith.subi %div3A_395, %sub3A_416 : vector<4x32xi32>
      %select_n3A = arith.select %and3A, %sub3A_417, %div3A_395 : vector<4x32xi1>, vector<4x32xi32>
      %eq3A_418 = arith.cmpi eq, %select_n3A, %iota3A : vector<4x32xi32>
      %jit3A_419 = arith.constant 1.000000e+00 : f32
      %jit3A_420 = arith.constant 0.000000e+00 : f32
      %broadcast_in_dim3A_421 = vector.broadcast %jit3A_419 : f32 to vector<4x32xf32>
      %broadcast_in_dim3A_422 = vector.broadcast %jit3A_420 : f32 to vector<4x32xf32>
      %select_n3A_423 = arith.select %eq3A_418, %broadcast_in_dim3A_421, %broadcast_in_dim3A_422 : vector<4x32xi1>, vector<4x32xf32>
      %get3A_424 = arith.constant 0 : index
      %get3A_425 = arith.constant 0 : index
      %get3A_426 = vector.load %arg1[%get3A_424, %get3A_425] : memref<32x768xf32, #tpu.memory_space<vmem>>, vector<32x768xf32>
      %dot_general3A_427 = arith.constant dense<0.000000e+00> : vector<4x768xf32>
      %dot_general3A_428 = tpu.matmul %select_n3A_423, %get3A_426, %dot_general3A_427 {dimension_numbers = #tpu.dot_dimension_numbers<[1], [0], [0], [1], [0, 0, 1, 1], [], []>, transpose_lhs_hint = false} : vector<4x32xf32>, vector<32x768xf32>, vector<4x768xf32> -> vector<4x768xf32>
      %get3A_429 = arith.constant 0 : index
      %get3A_430 = arith.constant 0 : index
      %get3A_431 = vector.load %arg2[%get3A_429, %get3A_430] : memref<4x768xf32, #tpu.memory_space<vmem>>, vector<4x768xf32>
      %add3A = arith.addf %dot_general3A_428, %get3A_431 : vector<4x768xf32>
      %mul3A_432 = arith.constant 4.8828125E-4 : f32
      %mul3A_433 = vector.broadcast %mul3A_432 : f32 to vector<4x768xf32>
      %mul3A_434 = arith.mulf %add3A, %mul3A_433 : vector<4x768xf32>
      %mul3A_435 = arith.mulf %mul3A_434, %mul3A_434 : vector<4x768xf32>
      %reduce_sum3A = arith.constant dense<0.000000e+00> : vector<4xf32>
      %reduce_sum3A_436 = vector.multi_reduction <add>, %mul3A_435, %reduce_sum3A [1] : vector<4x768xf32> to vector<4xf32>
      %broadcast_in_dim3A_437 = vector.shape_cast %reduce_sum3A_436 : vector<4xf32> to vector<4x1xf32>
      %max3A_438 = arith.constant 9.99999996E-13 : f32
      %max3A_439 = vector.broadcast %max3A_438 : f32 to vector<4x1xf32>
      %max3A_440 = arith.maximumf %broadcast_in_dim3A_437, %max3A_439 : vector<4x1xf32>
      %rsqrt3A = math.rsqrt %max3A_440 : vector<4x1xf32>
      %mul3A_441 = vector.broadcast %rsqrt3A : vector<4x1xf32> to vector<4x768xf32>
      %mul3A_442 = arith.mulf %mul3A_434, %mul3A_441 : vector<4x768xf32>
      %get3A_443 = arith.constant 0 : index
      %get3A_444 = arith.constant 0 : index
      %get3A_445 = vector.load %arg5[%get3A_443, %get3A_444] : memref<64x768xf32, #tpu.memory_space<vmem>>, vector<64x768xf32>
      %mul3A_446 = arith.mulf %get3A_445, %get3A_445 : vector<64x768xf32>
      %reduce_sum3A_447 = arith.constant dense<0.000000e+00> : vector<64xf32>
      %reduce_sum3A_448 = vector.multi_reduction <add>, %mul3A_446, %reduce_sum3A_447 [1] : vector<64x768xf32> to vector<64xf32>
      %broadcast_in_dim3A_449 = vector.shape_cast %reduce_sum3A_448 : vector<64xf32> to vector<64x1xf32>
      %max3A_450 = arith.constant 9.99999996E-13 : f32
      %max3A_451 = vector.broadcast %max3A_450 : f32 to vector<64x1xf32>
      %max3A_452 = arith.maximumf %broadcast_in_dim3A_449, %max3A_451 : vector<64x1xf32>
      %rsqrt3A_453 = math.rsqrt %max3A_452 : vector<64x1xf32>
      %mul3A_454 = vector.broadcast %rsqrt3A_453 : vector<64x1xf32> to vector<64x768xf32>
      %mul3A_455 = arith.mulf %get3A_445, %mul3A_454 : vector<64x768xf32>
      %get3A_456 = arith.constant 0 : index
      %get3A_457 = arith.constant 0 : index
      %get3A_458 = vector.load %arg6[%get3A_456, %get3A_457] : memref<64x768xf32, #tpu.memory_space<vmem>>, vector<64x768xf32>
      %mul3A_459 = arith.mulf %get3A_458, %get3A_458 : vector<64x768xf32>
      %reduce_sum3A_460 = arith.constant dense<0.000000e+00> : vector<64xf32>
      %reduce_sum3A_461 = vector.multi_reduction <add>, %mul3A_459, %reduce_sum3A_460 [1] : vector<64x768xf32> to vector<64xf32>
      %broadcast_in_dim3A_462 = vector.shape_cast %reduce_sum3A_461 : vector<64xf32> to vector<64x1xf32>
      %max3A_463 = arith.constant 9.99999996E-13 : f32
      %max3A_464 = vector.broadcast %max3A_463 : f32 to vector<64x1xf32>
      %max3A_465 = arith.maximumf %broadcast_in_dim3A_462, %max3A_464 : vector<64x1xf32>
      %rsqrt3A_466 = math.rsqrt %max3A_465 : vector<64x1xf32>
      %mul3A_467 = vector.broadcast %rsqrt3A_466 : vector<64x1xf32> to vector<64x768xf32>
      %mul3A_468 = arith.mulf %get3A_458, %mul3A_467 : vector<64x768xf32>
      %dot_general3A_469 = arith.constant dense<0.000000e+00> : vector<4x64xf32>
      %dot_general3A_470 = tpu.matmul %mul3A_442, %mul3A_455, %dot_general3A_469 {dimension_numbers = #tpu.dot_dimension_numbers<[1], [1], [0], [0], [0, 0, 1, 0], [], []>, transpose_lhs_hint = false} : vector<4x768xf32>, vector<64x768xf32>, vector<4x64xf32> -> vector<4x64xf32>
      %dot_general3A_471 = arith.constant dense<0.000000e+00> : vector<4x64xf32>
      %dot_general3A_472 = tpu.matmul %mul3A_442, %mul3A_468, %dot_general3A_471 {dimension_numbers = #tpu.dot_dimension_numbers<[1], [1], [0], [0], [0, 0, 1, 0], [], []>, transpose_lhs_hint = false} : vector<4x768xf32>, vector<64x768xf32>, vector<4x64xf32> -> vector<4x64xf32>
      %swap3A_473 = arith.constant 0 : index
      %swap3A_474 = arith.constant 0 : index
      %swap3A_475 = vector.load %arg7[%swap3A_473, %swap3A_474] : memref<4x64xf32, #tpu.memory_space<vmem>>, vector<4x64xf32>
      tpu.vector_store %arg7[%swap3A_473, %swap3A_474], %dot_general3A_470 {strides = array<i32>} : memref<4x64xf32, #tpu.memory_space<vmem>>, vector<4x64xf32>,
      %swap3A_476 = arith.constant 0 : index
      %swap3A_477 = arith.constant 0 : index
      %swap3A_478 = vector.load %arg8[%swap3A_476, %swap3A_477] : memref<4x64xf32, #tpu.memory_space<vmem>>, vector<4x64xf32>
      tpu.vector_store %arg8[%swap3A_476, %swap3A_477], %dot_general3A_472 {strides = array<i32>} : memref<4x64xf32, #tpu.memory_space<vmem>>, vector<4x64xf32>,
      %broadcast_in_dim3A_479 = vector.shape_cast %dot_general3A_470 : vector<4x64xf32> to vector<4x64x1xf32>
      %broadcast_in_dim3A_480 = vector.shape_cast %dot_general3A_470 : vector<4x64xf32> to vector<4x1x64xf32>
      %iota3A_481 = tpu.iota {dimensions = array<i32: 1>} : vector<4x64x64xi32>
      %iota3A_482 = tpu.iota {dimensions = array<i32: 2>} : vector<4x64x64xi32>
      %gt3A = vector.broadcast %broadcast_in_dim3A_479 : vector<4x64x1xf32> to vector<4x64x64xf32>
      %gt3A_483 = vector.broadcast %broadcast_in_dim3A_480 : vector<4x1x64xf32> to vector<4x64x64xf32>
      %gt3A_484 = arith.cmpf ogt, %gt3A, %gt3A_483 : vector<4x64x64xf32>
      %eq3A_485 = vector.broadcast %broadcast_in_dim3A_479 : vector<4x64x1xf32> to vector<4x64x64xf32>
      %eq3A_486 = vector.broadcast %broadcast_in_dim3A_480 : vector<4x1x64xf32> to vector<4x64x64xf32>
      %eq3A_487 = arith.cmpf oeq, %eq3A_485, %eq3A_486 : vector<4x64x64xf32>
      %lt3A = arith.cmpi slt, %iota3A_481, %iota3A_482 : vector<4x64x64xi32>
      %and3A_488 = arith.andi %eq3A_487, %lt3A : vector<4x64x64xi1>
      %or3A = arith.ori %gt3A_484, %and3A_488 : vector<4x64x64xi1>
      %jit3A_489 = arith.constant 1.000000e+00 : f32
      %jit3A_490 = arith.constant 0.000000e+00 : f32
      %broadcast_in_dim3A_491 = vector.broadcast %jit3A_489 : f32 to vector<4x64x64xf32>
      %broadcast_in_dim3A_492 = vector.broadcast %jit3A_490 : f32 to vector<4x64x64xf32>
      %select_n3A_493 = arith.select %or3A, %broadcast_in_dim3A_491, %broadcast_in_dim3A_492 : vector<4x64x64xi1>, vector<4x64x64xf32>
      %reduce_sum3A_494 = arith.constant dense<0.000000e+00> : vector<4x64xf32>
      %reduce_sum3A_495 = vector.multi_reduction <add>, %select_n3A_493, %reduce_sum3A_494 [1] : vector<4x64x64xf32> to vector<4x64xf32>
      %lt3A_496 = arith.constant 8.000000e+00 : f32
      %lt3A_497 = vector.broadcast %lt3A_496 : f32 to vector<4x64xf32>
      %lt3A_498 = arith.cmpf olt, %reduce_sum3A_495, %lt3A_497 : vector<4x64xf32>
      %jit3A_499 = arith.constant 1.250000e-01 : f32
      %jit3A_500 = arith.constant 0.000000e+00 : f32
      %broadcast_in_dim3A_501 = vector.broadcast %jit3A_499 : f32 to vector<4x64xf32>
      %broadcast_in_dim3A_502 = vector.broadcast %jit3A_500 : f32 to vector<4x64xf32>
      %select_n3A_503 = arith.select %lt3A_498, %broadcast_in_dim3A_501, %broadcast_in_dim3A_502 : vector<4x64xi1>, vector<4x64xf32>
      %swap3A_504 = arith.constant 0 : index
      %swap3A_505 = arith.constant 0 : index
      %swap3A_506 = vector.load %arg11[%swap3A_504, %swap3A_505] : memref<4x64xf32, #tpu.memory_space<vmem>>, vector<4x64xf32>
      tpu.vector_store %arg11[%swap3A_504, %swap3A_505], %select_n3A_503 {strides = array<i32>} : memref<4x64xf32, #tpu.memory_space<vmem>>, vector<4x64xf32>,
      %broadcast_in_dim3A_507 = vector.shape_cast %dot_general3A_472 : vector<4x64xf32> to vector<4x64x1xf32>
      %broadcast_in_dim3A_508 = vector.shape_cast %dot_general3A_472 : vector<4x64xf32> to vector<4x1x64xf32>
      %iota3A_509 = tpu.iota {dimensions = array<i32: 1>} : vector<4x64x64xi32>
      %iota3A_510 = tpu.iota {dimensions = array<i32: 2>} : vector<4x64x64xi32>
      %gt3A_511 = vector.broadcast %broadcast_in_dim3A_507 : vector<4x64x1xf32> to vector<4x64x64xf32>
      %gt3A_512 = vector.broadcast %broadcast_in_dim3A_508 : vector<4x1x64xf32> to vector<4x64x64xf32>
      %gt3A_513 = arith.cmpf ogt, %gt3A_511, %gt3A_512 : vector<4x64x64xf32>
      %eq3A_514 = vector.broadcast %broadcast_in_dim3A_507 : vector<4x64x1xf32> to vector<4x64x64xf32>
      %eq3A_515 = vector.broadcast %broadcast_in_dim3A_508 : vector<4x1x64xf32> to vector<4x64x64xf32>
      %eq3A_516 = arith.cmpf oeq, %eq3A_514, %eq3A_515 : vector<4x64x64xf32>
      %lt3A_517 = arith.cmpi slt, %iota3A_509, %iota3A_510 : vector<4x64x64xi32>
      %and3A_518 = arith.andi %eq3A_516, %lt3A_517 : vector<4x64x64xi1>
      %or3A_519 = arith.ori %gt3A_513, %and3A_518 : vector<4x64x64xi1>
      %jit3A_520 = arith.constant 1.000000e+00 : f32
      %jit3A_521 = arith.constant 0.000000e+00 : f32
      %broadcast_in_dim3A_522 = vector.broadcast %jit3A_520 : f32 to vector<4x64x64xf32>
      %broadcast_in_dim3A_523 = vector.broadcast %jit3A_521 : f32 to vector<4x64x64xf32>
      %select_n3A_524 = arith.select %or3A_519, %broadcast_in_dim3A_522, %broadcast_in_dim3A_523 : vector<4x64x64xi1>, vector<4x64x64xf32>
      %reduce_sum3A_525 = arith.constant dense<0.000000e+00> : vector<4x64xf32>
      %reduce_sum3A_526 = vector.multi_reduction <add>, %select_n3A_524, %reduce_sum3A_525 [1] : vector<4x64x64xf32> to vector<4x64xf32>
      %lt3A_527 = arith.constant 8.000000e+00 : f32
      %lt3A_528 = vector.broadcast %lt3A_527 : f32 to vector<4x64xf32>
      %lt3A_529 = arith.cmpf olt, %reduce_sum3A_526, %lt3A_528 : vector<4x64xf32>
      %jit3A_530 = arith.constant 1.250000e-01 : f32
      %jit3A_531 = arith.constant 0.000000e+00 : f32
      %broadcast_in_dim3A_532 = vector.broadcast %jit3A_530 : f32 to vector<4x64xf32>
      %broadcast_in_dim3A_533 = vector.broadcast %jit3A_531 : f32 to vector<4x64xf32>
      %select_n3A_534 = arith.select %lt3A_529, %broadcast_in_dim3A_532, %broadcast_in_dim3A_533 : vector<4x64xi1>, vector<4x64xf32>
      %swap3A_535 = arith.constant 0 : index
      %swap3A_536 = arith.constant 0 : index
      %swap3A_537 = vector.load %arg12[%swap3A_535, %swap3A_536] : memref<4x64xf32, #tpu.memory_space<vmem>>, vector<4x64xf32>
      tpu.vector_store %arg12[%swap3A_535, %swap3A_536], %select_n3A_534 {strides = array<i32>} : memref<4x64xf32, #tpu.memory_space<vmem>>, vector<4x64xf32>,
    } else {
    }
    %get3A = arith.constant 0 : index
    %get3A_2 = arith.constant 0 : index
    %get3A_3 = vector.load %arg11[%get3A, %get3A_2] : memref<4x64xf32, #tpu.memory_space<vmem>>, vector<4x64xf32>
    %get3A_4 = arith.constant 0 : index
    %get3A_5 = arith.constant 0 : index
    %get3A_6 = arith.constant 0 : index
    %get3A_7 = vector.load %arg3[%get3A_4, %get3A_5, %get3A_6] : memref<64x8x768xf32, #tpu.memory_space<vmem>>, vector<64x1x768xf32>
    %get3A_8 = vector.shape_cast %get3A_7 : vector<64x1x768xf32> to vector<64x768xf32>
    %max3A = arith.constant 9.99999997E-7 : f32
    %max3A_9 = vector.broadcast %max3A : f32 to vector<64x768xf32>
    %max3A_10 = arith.maximumf %get3A_8, %max3A_9 : vector<64x768xf32>
    %mul3A = arith.mulf %max3A_10, %max3A_10 : vector<64x768xf32>
    %mul3A_11 = arith.mulf %mul3A, %max3A_10 : vector<64x768xf32>
    %dot_general3A = arith.constant dense<0.000000e+00> : vector<4x768xf32>
    %dot_general3A_12 = tpu.matmul %get3A_3, %mul3A_11, %dot_general3A {dimension_numbers = #tpu.dot_dimension_numbers<[1], [0], [0], [1], [0, 0, 1, 1], [], []>, transpose_lhs_hint = false} : vector<4x64xf32>, vector<64x768xf32>, vector<4x768xf32> -> vector<4x768xf32>
    %get3A_13 = arith.constant 0 : index
    %get3A_14 = arith.constant 0 : index
    %get3A_15 = vector.load %arg12[%get3A_13, %get3A_14] : memref<4x64xf32, #tpu.memory_space<vmem>>, vector<4x64xf32>
    %get3A_16 = arith.constant 0 : index
    %get3A_17 = arith.constant 0 : index
    %get3A_18 = arith.constant 0 : index
    %get3A_19 = vector.load %arg4[%get3A_16, %get3A_17, %get3A_18] : memref<64x8x768xf32, #tpu.memory_space<vmem>>, vector<64x1x768xf32>
    %get3A_20 = vector.shape_cast %get3A_19 : vector<64x1x768xf32> to vector<64x768xf32>
    %max3A_21 = arith.constant 9.99999997E-7 : f32
    %max3A_22 = vector.broadcast %max3A_21 : f32 to vector<64x768xf32>
    %max3A_23 = arith.maximumf %get3A_20, %max3A_22 : vector<64x768xf32>
    %mul3A_24 = arith.mulf %max3A_23, %max3A_23 : vector<64x768xf32>
    %mul3A_25 = arith.mulf %mul3A_24, %max3A_23 : vector<64x768xf32>
    %dot_general3A_26 = arith.constant dense<0.000000e+00> : vector<4x768xf32>
    %dot_general3A_27 = tpu.matmul %get3A_15, %mul3A_25, %dot_general3A_26 {dimension_numbers = #tpu.dot_dimension_numbers<[1], [0], [0], [1], [0, 0, 1, 1], [], []>, transpose_lhs_hint = false} : vector<4x64xf32>, vector<64x768xf32>, vector<4x768xf32> -> vector<4x768xf32>
    %log3A = math.log %dot_general3A_12 : vector<4x768xf32>
    %mul3A_28 = arith.constant 0.333333343 : f32
    %mul3A_29 = vector.broadcast %mul3A_28 : f32 to vector<4x768xf32>
    %mul3A_30 = arith.mulf %log3A, %mul3A_29 : vector<4x768xf32>
    %exp3A = math.exp %mul3A_30 : vector<4x768xf32>
    %broadcast_in_dim3A = vector.shape_cast %exp3A : vector<4x768xf32> to vector<4x1x768xf32>
    %swap3A = arith.constant 0 : index
    %swap3A_31 = arith.constant 0 : index
    %swap3A_32 = arith.constant 0 : index
    %swap3A_33 = vector.load %arg9[%swap3A, %swap3A_31, %swap3A_32] : memref<4x8x768xf32, #tpu.memory_space<vmem>>, vector<4x1x768xf32>
    tpu.vector_store %arg9[%swap3A, %swap3A_31, %swap3A_32], %broadcast_in_dim3A {strides = array<i32>} : memref<4x8x768xf32, #tpu.memory_space<vmem>>, vector<4x1x768xf32>,
    %log3A_34 = math.log %dot_general3A_27 : vector<4x768xf32>
    %mul3A_35 = arith.constant 0.333333343 : f32
    %mul3A_36 = vector.broadcast %mul3A_35 : f32 to vector<4x768xf32>
    %mul3A_37 = arith.mulf %log3A_34, %mul3A_36 : vector<4x768xf32>
    %exp3A_38 = math.exp %mul3A_37 : vector<4x768xf32>
    %broadcast_in_dim3A_39 = vector.shape_cast %exp3A_38 : vector<4x768xf32> to vector<4x1x768xf32>
    %swap3A_40 = arith.constant 0 : index
    %swap3A_41 = arith.constant 0 : index
    %swap3A_42 = arith.constant 0 : index
    %swap3A_43 = vector.load %arg10[%swap3A_40, %swap3A_41, %swap3A_42] : memref<4x8x768xf32, #tpu.memory_space<vmem>>, vector<4x1x768xf32>
    tpu.vector_store %arg10[%swap3A_40, %swap3A_41, %swap3A_42], %broadcast_in_dim3A_39 {strides = array<i32>} : memref<4x8x768xf32, #tpu.memory_space<vmem>>, vector<4x1x768xf32>,
    %get3A_44 = arith.constant 0 : index
    %get3A_45 = arith.constant 0 : index
    %get3A_46 = vector.load %arg11[%get3A_44, %get3A_45] : memref<4x64xf32, #tpu.memory_space<vmem>>, vector<4x64xf32>
    %get3A_47 = arith.constant 0 : index
    %get3A_48 = arith.constant 1 : index
    %get3A_49 = arith.constant 0 : index
    %get3A_50 = vector.load %arg3[%get3A_47, %get3A_48, %get3A_49] : memref<64x8x768xf32, #tpu.memory_space<vmem>>, vector<64x1x768xf32>
    %get3A_51 = vector.shape_cast %get3A_50 : vector<64x1x768xf32> to vector<64x768xf32>
    %max3A_52 = arith.constant 9.99999997E-7 : f32
    %max3A_53 = vector.broadcast %max3A_52 : f32 to vector<64x768xf32>
    %max3A_54 = arith.maximumf %get3A_51, %max3A_53 : vector<64x768xf32>
    %mul3A_55 = arith.mulf %max3A_54, %max3A_54 : vector<64x768xf32>
    %mul3A_56 = arith.mulf %mul3A_55, %max3A_54 : vector<64x768xf32>
    %dot_general3A_57 = arith.constant dense<0.000000e+00> : vector<4x768xf32>
    %dot_general3A_58 = tpu.matmul %get3A_46, %mul3A_56, %dot_general3A_57 {dimension_numbers = #tpu.dot_dimension_numbers<[1], [0], [0], [1], [0, 0, 1, 1], [], []>, transpose_lhs_hint = false} : vector<4x64xf32>, vector<64x768xf32>, vector<4x768xf32> -> vector<4x768xf32>
    %get3A_59 = arith.constant 0 : index
    %get3A_60 = arith.constant 0 : index
    %get3A_61 = vector.load %arg12[%get3A_59, %get3A_60] : memref<4x64xf32, #tpu.memory_space<vmem>>, vector<4x64xf32>
    %get3A_62 = arith.constant 0 : index
    %get3A_63 = arith.constant 1 : index
    %get3A_64 = arith.constant 0 : index
    %get3A_65 = vector.load %arg4[%get3A_62, %get3A_63, %get3A_64] : memref<64x8x768xf32, #tpu.memory_space<vmem>>, vector<64x1x768xf32>
    %get3A_66 = vector.shape_cast %get3A_65 : vector<64x1x768xf32> to vector<64x768xf32>
    %max3A_67 = arith.constant 9.99999997E-7 : f32
    %max3A_68 = vector.broadcast %max3A_67 : f32 to vector<64x768xf32>
    %max3A_69 = arith.maximumf %get3A_66, %max3A_68 : vector<64x768xf32>
    %mul3A_70 = arith.mulf %max3A_69, %max3A_69 : vector<64x768xf32>
    %mul3A_71 = arith.mulf %mul3A_70, %max3A_69 : vector<64x768xf32>
    %dot_general3A_72 = arith.constant dense<0.000000e+00> : vector<4x768xf32>
    %dot_general3A_73 = tpu.matmul %get3A_61, %mul3A_71, %dot_general3A_72 {dimension_numbers = #tpu.dot_dimension_numbers<[1], [0], [0], [1], [0, 0, 1, 1], [], []>, transpose_lhs_hint = false} : vector<4x64xf32>, vector<64x768xf32>, vector<4x768xf32> -> vector<4x768xf32>
    %log3A_74 = math.log %dot_general3A_58 : vector<4x768xf32>
    %mul3A_75 = arith.constant 0.333333343 : f32
    %mul3A_76 = vector.broadcast %mul3A_75 : f32 to vector<4x768xf32>
    %mul3A_77 = arith.mulf %log3A_74, %mul3A_76 : vector<4x768xf32>
    %exp3A_78 = math.exp %mul3A_77 : vector<4x768xf32>
    %broadcast_in_dim3A_79 = vector.shape_cast %exp3A_78 : vector<4x768xf32> to vector<4x1x768xf32>
    %swap3A_80 = arith.constant 0 : index
    %swap3A_81 = arith.constant 1 : index
    %swap3A_82 = arith.constant 0 : index
    %swap3A_83 = vector.load %arg9[%swap3A_80, %swap3A_81, %swap3A_82] : memref<4x8x768xf32, #tpu.memory_space<vmem>>, vector<4x1x768xf32>
    tpu.vector_store %arg9[%swap3A_80, %swap3A_81, %swap3A_82], %broadcast_in_dim3A_79 {strides = array<i32>} : memref<4x8x768xf32, #tpu.memory_space<vmem>>, vector<4x1x768xf32>,
    %log3A_84 = math.log %dot_general3A_73 : vector<4x768xf32>
    %mul3A_85 = arith.constant 0.333333343 : f32
    %mul3A_86 = vector.broadcast %mul3A_85 : f32 to vector<4x768xf32>
    %mul3A_87 = arith.mulf %log3A_84, %mul3A_86 : vector<4x768xf32>
    %exp3A_88 = math.exp %mul3A_87 : vector<4x768xf32>
    %broadcast_in_dim3A_89 = vector.shape_cast %exp3A_88 : vector<4x768xf32> to vector<4x1x768xf32>
    %swap3A_90 = arith.constant 0 : index
    %swap3A_91 = arith.constant 1 : index
    %swap3A_92 = arith.constant 0 : index
    %swap3A_93 = vector.load %arg10[%swap3A_90, %swap3A_91, %swap3A_92] : memref<4x8x768xf32, #tpu.memory_space<vmem>>, vector<4x1x768xf32>
    tpu.vector_store %arg10[%swap3A_90, %swap3A_91, %swap3A_92], %broadcast_in_dim3A_89 {strides = array<i32>} : memref<4x8x768xf32, #tpu.memory_space<vmem>>, vector<4x1x768xf32>,
    %get3A_94 = arith.constant 0 : index
    %get3A_95 = arith.constant 0 : index
    %get3A_96 = vector.load %arg11[%get3A_94, %get3A_95] : memref<4x64xf32, #tpu.memory_space<vmem>>, vector<4x64xf32>
    %get3A_97 = arith.constant 0 : index
    %get3A_98 = arith.constant 2 : index
    %get3A_99 = arith.constant 0 : index
    %get3A_100 = vector.load %arg3[%get3A_97, %get3A_98, %get3A_99] : memref<64x8x768xf32, #tpu.memory_space<vmem>>, vector<64x1x768xf32>
    %get3A_101 = vector.shape_cast %get3A_100 : vector<64x1x768xf32> to vector<64x768xf32>
    %max3A_102 = arith.constant 9.99999997E-7 : f32
    %max3A_103 = vector.broadcast %max3A_102 : f32 to vector<64x768xf32>
    %max3A_104 = arith.maximumf %get3A_101, %max3A_103 : vector<64x768xf32>
    %mul3A_105 = arith.mulf %max3A_104, %max3A_104 : vector<64x768xf32>
    %mul3A_106 = arith.mulf %mul3A_105, %max3A_104 : vector<64x768xf32>
    %dot_general3A_107 = arith.constant dense<0.000000e+00> : vector<4x768xf32>
    %dot_general3A_108 = tpu.matmul %get3A_96, %mul3A_106, %dot_general3A_107 {dimension_numbers = #tpu.dot_dimension_numbers<[1], [0], [0], [1], [0, 0, 1, 1], [], []>, transpose_lhs_hint = false} : vector<4x64xf32>, vector<64x768xf32>, vector<4x768xf32> -> vector<4x768xf32>
    %get3A_109 = arith.constant 0 : index
    %get3A_110 = arith.constant 0 : index
    %get3A_111 = vector.load %arg12[%get3A_109, %get3A_110] : memref<4x64xf32, #tpu.memory_space<vmem>>, vector<4x64xf32>
    %get3A_112 = arith.constant 0 : index
    %get3A_113 = arith.constant 2 : index
    %get3A_114 = arith.constant 0 : index
    %get3A_115 = vector.load %arg4[%get3A_112, %get3A_113, %get3A_114] : memref<64x8x768xf32, #tpu.memory_space<vmem>>, vector<64x1x768xf32>
    %get3A_116 = vector.shape_cast %get3A_115 : vector<64x1x768xf32> to vector<64x768xf32>
    %max3A_117 = arith.constant 9.99999997E-7 : f32
    %max3A_118 = vector.broadcast %max3A_117 : f32 to vector<64x768xf32>
    %max3A_119 = arith.maximumf %get3A_116, %max3A_118 : vector<64x768xf32>
    %mul3A_120 = arith.mulf %max3A_119, %max3A_119 : vector<64x768xf32>
    %mul3A_121 = arith.mulf %mul3A_120, %max3A_119 : vector<64x768xf32>
    %dot_general3A_122 = arith.constant dense<0.000000e+00> : vector<4x768xf32>
    %dot_general3A_123 = tpu.matmul %get3A_111, %mul3A_121, %dot_general3A_122 {dimension_numbers = #tpu.dot_dimension_numbers<[1], [0], [0], [1], [0, 0, 1, 1], [], []>, transpose_lhs_hint = false} : vector<4x64xf32>, vector<64x768xf32>, vector<4x768xf32> -> vector<4x768xf32>
    %log3A_124 = math.log %dot_general3A_108 : vector<4x768xf32>
    %mul3A_125 = arith.constant 0.333333343 : f32
    %mul3A_126 = vector.broadcast %mul3A_125 : f32 to vector<4x768xf32>
    %mul3A_127 = arith.mulf %log3A_124, %mul3A_126 : vector<4x768xf32>
    %exp3A_128 = math.exp %mul3A_127 : vector<4x768xf32>
    %broadcast_in_dim3A_129 = vector.shape_cast %exp3A_128 : vector<4x768xf32> to vector<4x1x768xf32>
    %swap3A_130 = arith.constant 0 : index
    %swap3A_131 = arith.constant 2 : index
    %swap3A_132 = arith.constant 0 : index
    %swap3A_133 = vector.load %arg9[%swap3A_130, %swap3A_131, %swap3A_132] : memref<4x8x768xf32, #tpu.memory_space<vmem>>, vector<4x1x768xf32>
    tpu.vector_store %arg9[%swap3A_130, %swap3A_131, %swap3A_132], %broadcast_in_dim3A_129 {strides = array<i32>} : memref<4x8x768xf32, #tpu.memory_space<vmem>>, vector<4x1x768xf32>,
    %log3A_134 = math.log %dot_general3A_123 : vector<4x768xf32>
    %mul3A_135 = arith.constant 0.333333343 : f32
    %mul3A_136 = vector.broadcast %mul3A_135 : f32 to vector<4x768xf32>
    %mul3A_137 = arith.mulf %log3A_134, %mul3A_136 : vector<4x768xf32>
    %exp3A_138 = math.exp %mul3A_137 : vector<4x768xf32>
    %broadcast_in_dim3A_139 = vector.shape_cast %exp3A_138 : vector<4x768xf32> to vector<4x1x768xf32>
    %swap3A_140 = arith.constant 0 : index
    %swap3A_141 = arith.constant 2 : index
    %swap3A_142 = arith.constant 0 : index
    %swap3A_143 = vector.load %arg10[%swap3A_140, %swap3A_141, %swap3A_142] : memref<4x8x768xf32, #tpu.memory_space<vmem>>, vector<4x1x768xf32>
    tpu.vector_store %arg10[%swap3A_140, %swap3A_141, %swap3A_142], %broadcast_in_dim3A_139 {strides = array<i32>} : memref<4x8x768xf32, #tpu.memory_space<vmem>>, vector<4x1x768xf32>,
    %get3A_144 = arith.constant 0 : index
    %get3A_145 = arith.constant 0 : index
    %get3A_146 = vector.load %arg11[%get3A_144, %get3A_145] : memref<4x64xf32, #tpu.memory_space<vmem>>, vector<4x64xf32>
    %get3A_147 = arith.constant 0 : index
    %get3A_148 = arith.constant 3 : index
    %get3A_149 = arith.constant 0 : index
    %get3A_150 = vector.load %arg3[%get3A_147, %get3A_148, %get3A_149] : memref<64x8x768xf32, #tpu.memory_space<vmem>>, vector<64x1x768xf32>
    %get3A_151 = vector.shape_cast %get3A_150 : vector<64x1x768xf32> to vector<64x768xf32>
    %max3A_152 = arith.constant 9.99999997E-7 : f32
    %max3A_153 = vector.broadcast %max3A_152 : f32 to vector<64x768xf32>
    %max3A_154 = arith.maximumf %get3A_151, %max3A_153 : vector<64x768xf32>
    %mul3A_155 = arith.mulf %max3A_154, %max3A_154 : vector<64x768xf32>
    %mul3A_156 = arith.mulf %mul3A_155, %max3A_154 : vector<64x768xf32>
    %dot_general3A_157 = arith.constant dense<0.000000e+00> : vector<4x768xf32>
    %dot_general3A_158 = tpu.matmul %get3A_146, %mul3A_156, %dot_general3A_157 {dimension_numbers = #tpu.dot_dimension_numbers<[1], [0], [0], [1], [0, 0, 1, 1], [], []>, transpose_lhs_hint = false} : vector<4x64xf32>, vector<64x768xf32>, vector<4x768xf32> -> vector<4x768xf32>
    %get3A_159 = arith.constant 0 : index
    %get3A_160 = arith.constant 0 : index
    %get3A_161 = vector.load %arg12[%get3A_159, %get3A_160] : memref<4x64xf32, #tpu.memory_space<vmem>>, vector<4x64xf32>
    %get3A_162 = arith.constant 0 : index
    %get3A_163 = arith.constant 3 : index
    %get3A_164 = arith.constant 0 : index
    %get3A_165 = vector.load %arg4[%get3A_162, %get3A_163, %get3A_164] : memref<64x8x768xf32, #tpu.memory_space<vmem>>, vector<64x1x768xf32>
    %get3A_166 = vector.shape_cast %get3A_165 : vector<64x1x768xf32> to vector<64x768xf32>
    %max3A_167 = arith.constant 9.99999997E-7 : f32
    %max3A_168 = vector.broadcast %max3A_167 : f32 to vector<64x768xf32>
    %max3A_169 = arith.maximumf %get3A_166, %max3A_168 : vector<64x768xf32>
    %mul3A_170 = arith.mulf %max3A_169, %max3A_169 : vector<64x768xf32>
    %mul3A_171 = arith.mulf %mul3A_170, %max3A_169 : vector<64x768xf32>
    %dot_general3A_172 = arith.constant dense<0.000000e+00> : vector<4x768xf32>
    %dot_general3A_173 = tpu.matmul %get3A_161, %mul3A_171, %dot_general3A_172 {dimension_numbers = #tpu.dot_dimension_numbers<[1], [0], [0], [1], [0, 0, 1, 1], [], []>, transpose_lhs_hint = false} : vector<4x64xf32>, vector<64x768xf32>, vector<4x768xf32> -> vector<4x768xf32>
    %log3A_174 = math.log %dot_general3A_158 : vector<4x768xf32>
    %mul3A_175 = arith.constant 0.333333343 : f32
    %mul3A_176 = vector.broadcast %mul3A_175 : f32 to vector<4x768xf32>
    %mul3A_177 = arith.mulf %log3A_174, %mul3A_176 : vector<4x768xf32>
    %exp3A_178 = math.exp %mul3A_177 : vector<4x768xf32>
    %broadcast_in_dim3A_179 = vector.shape_cast %exp3A_178 : vector<4x768xf32> to vector<4x1x768xf32>
    %swap3A_180 = arith.constant 0 : index
    %swap3A_181 = arith.constant 3 : index
    %swap3A_182 = arith.constant 0 : index
    %swap3A_183 = vector.load %arg9[%swap3A_180, %swap3A_181, %swap3A_182] : memref<4x8x768xf32, #tpu.memory_space<vmem>>, vector<4x1x768xf32>
    tpu.vector_store %arg9[%swap3A_180, %swap3A_181, %swap3A_182], %broadcast_in_dim3A_179 {strides = array<i32>} : memref<4x8x768xf32, #tpu.memory_space<vmem>>, vector<4x1x768xf32>,
    %log3A_184 = math.log %dot_general3A_173 : vector<4x768xf32>
    %mul3A_185 = arith.constant 0.333333343 : f32
    %mul3A_186 = vector.broadcast %mul3A_185 : f32 to vector<4x768xf32>
    %mul3A_187 = arith.mulf %log3A_184, %mul3A_186 : vector<4x768xf32>
    %exp3A_188 = math.exp %mul3A_187 : vector<4x768xf32>
    %broadcast_in_dim3A_189 = vector.shape_cast %exp3A_188 : vector<4x768xf32> to vector<4x1x768xf32>
    %swap3A_190 = arith.constant 0 : index
    %swap3A_191 = arith.constant 3 : index
    %swap3A_192 = arith.constant 0 : index
    %swap3A_193 = vector.load %arg10[%swap3A_190, %swap3A_191, %swap3A_192] : memref<4x8x768xf32, #tpu.memory_space<vmem>>, vector<4x1x768xf32>
    tpu.vector_store %arg10[%swap3A_190, %swap3A_191, %swap3A_192], %broadcast_in_dim3A_189 {strides = array<i32>} : memref<4x8x768xf32, #tpu.memory_space<vmem>>, vector<4x1x768xf32>,
    %get3A_194 = arith.constant 0 : index
    %get3A_195 = arith.constant 0 : index
    %get3A_196 = vector.load %arg11[%get3A_194, %get3A_195] : memref<4x64xf32, #tpu.memory_space<vmem>>, vector<4x64xf32>
    %get3A_197 = arith.constant 0 : index
    %get3A_198 = arith.constant 4 : index
    %get3A_199 = arith.constant 0 : index
    %get3A_200 = vector.load %arg3[%get3A_197, %get3A_198, %get3A_199] : memref<64x8x768xf32, #tpu.memory_space<vmem>>, vector<64x1x768xf32>
    %get3A_201 = vector.shape_cast %get3A_200 : vector<64x1x768xf32> to vector<64x768xf32>
    %max3A_202 = arith.constant 9.99999997E-7 : f32
    %max3A_203 = vector.broadcast %max3A_202 : f32 to vector<64x768xf32>
    %max3A_204 = arith.maximumf %get3A_201, %max3A_203 : vector<64x768xf32>
    %mul3A_205 = arith.mulf %max3A_204, %max3A_204 : vector<64x768xf32>
    %mul3A_206 = arith.mulf %mul3A_205, %max3A_204 : vector<64x768xf32>
    %dot_general3A_207 = arith.constant dense<0.000000e+00> : vector<4x768xf32>
    %dot_general3A_208 = tpu.matmul %get3A_196, %mul3A_206, %dot_general3A_207 {dimension_numbers = #tpu.dot_dimension_numbers<[1], [0], [0], [1], [0, 0, 1, 1], [], []>, transpose_lhs_hint = false} : vector<4x64xf32>, vector<64x768xf32>, vector<4x768xf32> -> vector<4x768xf32>
    %get3A_209 = arith.constant 0 : index
    %get3A_210 = arith.constant 0 : index
    %get3A_211 = vector.load %arg12[%get3A_209, %get3A_210] : memref<4x64xf32, #tpu.memory_space<vmem>>, vector<4x64xf32>
    %get3A_212 = arith.constant 0 : index
    %get3A_213 = arith.constant 4 : index
    %get3A_214 = arith.constant 0 : index
    %get3A_215 = vector.load %arg4[%get3A_212, %get3A_213, %get3A_214] : memref<64x8x768xf32, #tpu.memory_space<vmem>>, vector<64x1x768xf32>
    %get3A_216 = vector.shape_cast %get3A_215 : vector<64x1x768xf32> to vector<64x768xf32>
    %max3A_217 = arith.constant 9.99999997E-7 : f32
    %max3A_218 = vector.broadcast %max3A_217 : f32 to vector<64x768xf32>
    %max3A_219 = arith.maximumf %get3A_216, %max3A_218 : vector<64x768xf32>
    %mul3A_220 = arith.mulf %max3A_219, %max3A_219 : vector<64x768xf32>
    %mul3A_221 = arith.mulf %mul3A_220, %max3A_219 : vector<64x768xf32>
    %dot_general3A_222 = arith.constant dense<0.000000e+00> : vector<4x768xf32>
    %dot_general3A_223 = tpu.matmul %get3A_211, %mul3A_221, %dot_general3A_222 {dimension_numbers = #tpu.dot_dimension_numbers<[1], [0], [0], [1], [0, 0, 1, 1], [], []>, transpose_lhs_hint = false} : vector<4x64xf32>, vector<64x768xf32>, vector<4x768xf32> -> vector<4x768xf32>
    %log3A_224 = math.log %dot_general3A_208 : vector<4x768xf32>
    %mul3A_225 = arith.constant 0.333333343 : f32
    %mul3A_226 = vector.broadcast %mul3A_225 : f32 to vector<4x768xf32>
    %mul3A_227 = arith.mulf %log3A_224, %mul3A_226 : vector<4x768xf32>
    %exp3A_228 = math.exp %mul3A_227 : vector<4x768xf32>
    %broadcast_in_dim3A_229 = vector.shape_cast %exp3A_228 : vector<4x768xf32> to vector<4x1x768xf32>
    %swap3A_230 = arith.constant 0 : index
    %swap3A_231 = arith.constant 4 : index
    %swap3A_232 = arith.constant 0 : index
    %swap3A_233 = vector.load %arg9[%swap3A_230, %swap3A_231, %swap3A_232] : memref<4x8x768xf32, #tpu.memory_space<vmem>>, vector<4x1x768xf32>
    tpu.vector_store %arg9[%swap3A_230, %swap3A_231, %swap3A_232], %broadcast_in_dim3A_229 {strides = array<i32>} : memref<4x8x768xf32, #tpu.memory_space<vmem>>, vector<4x1x768xf32>,
    %log3A_234 = math.log %dot_general3A_223 : vector<4x768xf32>
    %mul3A_235 = arith.constant 0.333333343 : f32
    %mul3A_236 = vector.broadcast %mul3A_235 : f32 to vector<4x768xf32>
    %mul3A_237 = arith.mulf %log3A_234, %mul3A_236 : vector<4x768xf32>
    %exp3A_238 = math.exp %mul3A_237 : vector<4x768xf32>
    %broadcast_in_dim3A_239 = vector.shape_cast %exp3A_238 : vector<4x768xf32> to vector<4x1x768xf32>
    %swap3A_240 = arith.constant 0 : index
    %swap3A_241 = arith.constant 4 : index
    %swap3A_242 = arith.constant 0 : index
    %swap3A_243 = vector.load %arg10[%swap3A_240, %swap3A_241, %swap3A_242] : memref<4x8x768xf32, #tpu.memory_space<vmem>>, vector<4x1x768xf32>
    tpu.vector_store %arg10[%swap3A_240, %swap3A_241, %swap3A_242], %broadcast_in_dim3A_239 {strides = array<i32>} : memref<4x8x768xf32, #tpu.memory_space<vmem>>, vector<4x1x768xf32>,
    %get3A_244 = arith.constant 0 : index
    %get3A_245 = arith.constant 0 : index
    %get3A_246 = vector.load %arg11[%get3A_244, %get3A_245] : memref<4x64xf32, #tpu.memory_space<vmem>>, vector<4x64xf32>
    %get3A_247 = arith.constant 0 : index
    %get3A_248 = arith.constant 5 : index
    %get3A_249 = arith.constant 0 : index
    %get3A_250 = vector.load %arg3[%get3A_247, %get3A_248, %get3A_249] : memref<64x8x768xf32, #tpu.memory_space<vmem>>, vector<64x1x768xf32>
    %get3A_251 = vector.shape_cast %get3A_250 : vector<64x1x768xf32> to vector<64x768xf32>
    %max3A_252 = arith.constant 9.99999997E-7 : f32
    %max3A_253 = vector.broadcast %max3A_252 : f32 to vector<64x768xf32>
    %max3A_254 = arith.maximumf %get3A_251, %max3A_253 : vector<64x768xf32>
    %mul3A_255 = arith.mulf %max3A_254, %max3A_254 : vector<64x768xf32>
    %mul3A_256 = arith.mulf %mul3A_255, %max3A_254 : vector<64x768xf32>
    %dot_general3A_257 = arith.constant dense<0.000000e+00> : vector<4x768xf32>
    %dot_general3A_258 = tpu.matmul %get3A_246, %mul3A_256, %dot_general3A_257 {dimension_numbers = #tpu.dot_dimension_numbers<[1], [0], [0], [1], [0, 0, 1, 1], [], []>, transpose_lhs_hint = false} : vector<4x64xf32>, vector<64x768xf32>, vector<4x768xf32> -> vector<4x768xf32>
    %get3A_259 = arith.constant 0 : index
    %get3A_260 = arith.constant 0 : index
    %get3A_261 = vector.load %arg12[%get3A_259, %get3A_260] : memref<4x64xf32, #tpu.memory_space<vmem>>, vector<4x64xf32>
    %get3A_262 = arith.constant 0 : index
    %get3A_263 = arith.constant 5 : index
    %get3A_264 = arith.constant 0 : index
    %get3A_265 = vector.load %arg4[%get3A_262, %get3A_263, %get3A_264] : memref<64x8x768xf32, #tpu.memory_space<vmem>>, vector<64x1x768xf32>
    %get3A_266 = vector.shape_cast %get3A_265 : vector<64x1x768xf32> to vector<64x768xf32>
    %max3A_267 = arith.constant 9.99999997E-7 : f32
    %max3A_268 = vector.broadcast %max3A_267 : f32 to vector<64x768xf32>
    %max3A_269 = arith.maximumf %get3A_266, %max3A_268 : vector<64x768xf32>
    %mul3A_270 = arith.mulf %max3A_269, %max3A_269 : vector<64x768xf32>
    %mul3A_271 = arith.mulf %mul3A_270, %max3A_269 : vector<64x768xf32>
    %dot_general3A_272 = arith.constant dense<0.000000e+00> : vector<4x768xf32>
    %dot_general3A_273 = tpu.matmul %get3A_261, %mul3A_271, %dot_general3A_272 {dimension_numbers = #tpu.dot_dimension_numbers<[1], [0], [0], [1], [0, 0, 1, 1], [], []>, transpose_lhs_hint = false} : vector<4x64xf32>, vector<64x768xf32>, vector<4x768xf32> -> vector<4x768xf32>
    %log3A_274 = math.log %dot_general3A_258 : vector<4x768xf32>
    %mul3A_275 = arith.constant 0.333333343 : f32
    %mul3A_276 = vector.broadcast %mul3A_275 : f32 to vector<4x768xf32>
    %mul3A_277 = arith.mulf %log3A_274, %mul3A_276 : vector<4x768xf32>
    %exp3A_278 = math.exp %mul3A_277 : vector<4x768xf32>
    %broadcast_in_dim3A_279 = vector.shape_cast %exp3A_278 : vector<4x768xf32> to vector<4x1x768xf32>
    %swap3A_280 = arith.constant 0 : index
    %swap3A_281 = arith.constant 5 : index
    %swap3A_282 = arith.constant 0 : index
    %swap3A_283 = vector.load %arg9[%swap3A_280, %swap3A_281, %swap3A_282] : memref<4x8x768xf32, #tpu.memory_space<vmem>>, vector<4x1x768xf32>
    tpu.vector_store %arg9[%swap3A_280, %swap3A_281, %swap3A_282], %broadcast_in_dim3A_279 {strides = array<i32>} : memref<4x8x768xf32, #tpu.memory_space<vmem>>, vector<4x1x768xf32>,
    %log3A_284 = math.log %dot_general3A_273 : vector<4x768xf32>
    %mul3A_285 = arith.constant 0.333333343 : f32
    %mul3A_286 = vector.broadcast %mul3A_285 : f32 to vector<4x768xf32>
    %mul3A_287 = arith.mulf %log3A_284, %mul3A_286 : vector<4x768xf32>
    %exp3A_288 = math.exp %mul3A_287 : vector<4x768xf32>
    %broadcast_in_dim3A_289 = vector.shape_cast %exp3A_288 : vector<4x768xf32> to vector<4x1x768xf32>
    %swap3A_290 = arith.constant 0 : index
    %swap3A_291 = arith.constant 5 : index
    %swap3A_292 = arith.constant 0 : index
    %swap3A_293 = vector.load %arg10[%swap3A_290, %swap3A_291, %swap3A_292] : memref<4x8x768xf32, #tpu.memory_space<vmem>>, vector<4x1x768xf32>
    tpu.vector_store %arg10[%swap3A_290, %swap3A_291, %swap3A_292], %broadcast_in_dim3A_289 {strides = array<i32>} : memref<4x8x768xf32, #tpu.memory_space<vmem>>, vector<4x1x768xf32>,
    %get3A_294 = arith.constant 0 : index
    %get3A_295 = arith.constant 0 : index
    %get3A_296 = vector.load %arg11[%get3A_294, %get3A_295] : memref<4x64xf32, #tpu.memory_space<vmem>>, vector<4x64xf32>
    %get3A_297 = arith.constant 0 : index
    %get3A_298 = arith.constant 6 : index
    %get3A_299 = arith.constant 0 : index
    %get3A_300 = vector.load %arg3[%get3A_297, %get3A_298, %get3A_299] : memref<64x8x768xf32, #tpu.memory_space<vmem>>, vector<64x1x768xf32>
    %get3A_301 = vector.shape_cast %get3A_300 : vector<64x1x768xf32> to vector<64x768xf32>
    %max3A_302 = arith.constant 9.99999997E-7 : f32
    %max3A_303 = vector.broadcast %max3A_302 : f32 to vector<64x768xf32>
    %max3A_304 = arith.maximumf %get3A_301, %max3A_303 : vector<64x768xf32>
    %mul3A_305 = arith.mulf %max3A_304, %max3A_304 : vector<64x768xf32>
    %mul3A_306 = arith.mulf %mul3A_305, %max3A_304 : vector<64x768xf32>
    %dot_general3A_307 = arith.constant dense<0.000000e+00> : vector<4x768xf32>
    %dot_general3A_308 = tpu.matmul %get3A_296, %mul3A_306, %dot_general3A_307 {dimension_numbers = #tpu.dot_dimension_numbers<[1], [0], [0], [1], [0, 0, 1, 1], [], []>, transpose_lhs_hint = false} : vector<4x64xf32>, vector<64x768xf32>, vector<4x768xf32> -> vector<4x768xf32>
    %get3A_309 = arith.constant 0 : index
    %get3A_310 = arith.constant 0 : index
    %get3A_311 = vector.load %arg12[%get3A_309, %get3A_310] : memref<4x64xf32, #tpu.memory_space<vmem>>, vector<4x64xf32>
    %get3A_312 = arith.constant 0 : index
    %get3A_313 = arith.constant 6 : index
    %get3A_314 = arith.constant 0 : index
    %get3A_315 = vector.load %arg4[%get3A_312, %get3A_313, %get3A_314] : memref<64x8x768xf32, #tpu.memory_space<vmem>>, vector<64x1x768xf32>
    %get3A_316 = vector.shape_cast %get3A_315 : vector<64x1x768xf32> to vector<64x768xf32>
    %max3A_317 = arith.constant 9.99999997E-7 : f32
    %max3A_318 = vector.broadcast %max3A_317 : f32 to vector<64x768xf32>
    %max3A_319 = arith.maximumf %get3A_316, %max3A_318 : vector<64x768xf32>
    %mul3A_320 = arith.mulf %max3A_319, %max3A_319 : vector<64x768xf32>
    %mul3A_321 = arith.mulf %mul3A_320, %max3A_319 : vector<64x768xf32>
    %dot_general3A_322 = arith.constant dense<0.000000e+00> : vector<4x768xf32>
    %dot_general3A_323 = tpu.matmul %get3A_311, %mul3A_321, %dot_general3A_322 {dimension_numbers = #tpu.dot_dimension_numbers<[1], [0], [0], [1], [0, 0, 1, 1], [], []>, transpose_lhs_hint = false} : vector<4x64xf32>, vector<64x768xf32>, vector<4x768xf32> -> vector<4x768xf32>
    %log3A_324 = math.log %dot_general3A_308 : vector<4x768xf32>
    %mul3A_325 = arith.constant 0.333333343 : f32
    %mul3A_326 = vector.broadcast %mul3A_325 : f32 to vector<4x768xf32>
    %mul3A_327 = arith.mulf %log3A_324, %mul3A_326 : vector<4x768xf32>
    %exp3A_328 = math.exp %mul3A_327 : vector<4x768xf32>
    %broadcast_in_dim3A_329 = vector.shape_cast %exp3A_328 : vector<4x768xf32> to vector<4x1x768xf32>
    %swap3A_330 = arith.constant 0 : index
    %swap3A_331 = arith.constant 6 : index
    %swap3A_332 = arith.constant 0 : index
    %swap3A_333 = vector.load %arg9[%swap3A_330, %swap3A_331, %swap3A_332] : memref<4x8x768xf32, #tpu.memory_space<vmem>>, vector<4x1x768xf32>
    tpu.vector_store %arg9[%swap3A_330, %swap3A_331, %swap3A_332], %broadcast_in_dim3A_329 {strides = array<i32>} : memref<4x8x768xf32, #tpu.memory_space<vmem>>, vector<4x1x768xf32>,
    %log3A_334 = math.log %dot_general3A_323 : vector<4x768xf32>
    %mul3A_335 = arith.constant 0.333333343 : f32
    %mul3A_336 = vector.broadcast %mul3A_335 : f32 to vector<4x768xf32>
    %mul3A_337 = arith.mulf %log3A_334, %mul3A_336 : vector<4x768xf32>
    %exp3A_338 = math.exp %mul3A_337 : vector<4x768xf32>
    %broadcast_in_dim3A_339 = vector.shape_cast %exp3A_338 : vector<4x768xf32> to vector<4x1x768xf32>
    %swap3A_340 = arith.constant 0 : index
    %swap3A_341 = arith.constant 6 : index
    %swap3A_342 = arith.constant 0 : index
    %swap3A_343 = vector.load %arg10[%swap3A_340, %swap3A_341, %swap3A_342] : memref<4x8x768xf32, #tpu.memory_space<vmem>>, vector<4x1x768xf32>
    tpu.vector_store %arg10[%swap3A_340, %swap3A_341, %swap3A_342], %broadcast_in_dim3A_339 {strides = array<i32>} : memref<4x8x768xf32, #tpu.memory_space<vmem>>, vector<4x1x768xf32>,
    %get3A_344 = arith.constant 0 : index
    %get3A_345 = arith.constant 0 : index
    %get3A_346 = vector.load %arg11[%get3A_344, %get3A_345] : memref<4x64xf32, #tpu.memory_space<vmem>>, vector<4x64xf32>
    %get3A_347 = arith.constant 0 : index
    %get3A_348 = arith.constant 7 : index
    %get3A_349 = arith.constant 0 : index
    %get3A_350 = vector.load %arg3[%get3A_347, %get3A_348, %get3A_349] : memref<64x8x768xf32, #tpu.memory_space<vmem>>, vector<64x1x768xf32>
    %get3A_351 = vector.shape_cast %get3A_350 : vector<64x1x768xf32> to vector<64x768xf32>
    %max3A_352 = arith.constant 9.99999997E-7 : f32
    %max3A_353 = vector.broadcast %max3A_352 : f32 to vector<64x768xf32>
    %max3A_354 = arith.maximumf %get3A_351, %max3A_353 : vector<64x768xf32>
    %mul3A_355 = arith.mulf %max3A_354, %max3A_354 : vector<64x768xf32>
    %mul3A_356 = arith.mulf %mul3A_355, %max3A_354 : vector<64x768xf32>
    %dot_general3A_357 = arith.constant dense<0.000000e+00> : vector<4x768xf32>
    %dot_general3A_358 = tpu.matmul %get3A_346, %mul3A_356, %dot_general3A_357 {dimension_numbers = #tpu.dot_dimension_numbers<[1], [0], [0], [1], [0, 0, 1, 1], [], []>, transpose_lhs_hint = false} : vector<4x64xf32>, vector<64x768xf32>, vector<4x768xf32> -> vector<4x768xf32>
    %get3A_359 = arith.constant 0 : index
    %get3A_360 = arith.constant 0 : index
    %get3A_361 = vector.load %arg12[%get3A_359, %get3A_360] : memref<4x64xf32, #tpu.memory_space<vmem>>, vector<4x64xf32>
    %get3A_362 = arith.constant 0 : index
    %get3A_363 = arith.constant 7 : index
    %get3A_364 = arith.constant 0 : index
    %get3A_365 = vector.load %arg4[%get3A_362, %get3A_363, %get3A_364] : memref<64x8x768xf32, #tpu.memory_space<vmem>>, vector<64x1x768xf32>
    %get3A_366 = vector.shape_cast %get3A_365 : vector<64x1x768xf32> to vector<64x768xf32>
    %max3A_367 = arith.constant 9.99999997E-7 : f32
    %max3A_368 = vector.broadcast %max3A_367 : f32 to vector<64x768xf32>
    %max3A_369 = arith.maximumf %get3A_366, %max3A_368 : vector<64x768xf32>
    %mul3A_370 = arith.mulf %max3A_369, %max3A_369 : vector<64x768xf32>
    %mul3A_371 = arith.mulf %mul3A_370, %max3A_369 : vector<64x768xf32>
    %dot_general3A_372 = arith.constant dense<0.000000e+00> : vector<4x768xf32>
    %dot_general3A_373 = tpu.matmul %get3A_361, %mul3A_371, %dot_general3A_372 {dimension_numbers = #tpu.dot_dimension_numbers<[1], [0], [0], [1], [0, 0, 1, 1], [], []>, transpose_lhs_hint = false} : vector<4x64xf32>, vector<64x768xf32>, vector<4x768xf32> -> vector<4x768xf32>
    %log3A_374 = math.log %dot_general3A_358 : vector<4x768xf32>
    %mul3A_375 = arith.constant 0.333333343 : f32
    %mul3A_376 = vector.broadcast %mul3A_375 : f32 to vector<4x768xf32>
    %mul3A_377 = arith.mulf %log3A_374, %mul3A_376 : vector<4x768xf32>
    %exp3A_378 = math.exp %mul3A_377 : vector<4x768xf32>
    %broadcast_in_dim3A_379 = vector.shape_cast %exp3A_378 : vector<4x768xf32> to vector<4x1x768xf32>
    %swap3A_380 = arith.constant 0 : index
    %swap3A_381 = arith.constant 7 : index
    %swap3A_382 = arith.constant 0 : index
    %swap3A_383 = vector.load %arg9[%swap3A_380, %swap3A_381, %swap3A_382] : memref<4x8x768xf32, #tpu.memory_space<vmem>>, vector<4x1x768xf32>
    tpu.vector_store %arg9[%swap3A_380, %swap3A_381, %swap3A_382], %broadcast_in_dim3A_379 {strides = array<i32>} : memref<4x8x768xf32, #tpu.memory_space<vmem>>, vector<4x1x768xf32>,
    %log3A_384 = math.log %dot_general3A_373 : vector<4x768xf32>
    %mul3A_385 = arith.constant 0.333333343 : f32
    %mul3A_386 = vector.broadcast %mul3A_385 : f32 to vector<4x768xf32>
    %mul3A_387 = arith.mulf %log3A_384, %mul3A_386 : vector<4x768xf32>
    %exp3A_388 = math.exp %mul3A_387 : vector<4x768xf32>
    %broadcast_in_dim3A_389 = vector.shape_cast %exp3A_388 : vector<4x768xf32> to vector<4x1x768xf32>
    %swap3A_390 = arith.constant 0 : index
    %swap3A_391 = arith.constant 7 : index
    %swap3A_392 = arith.constant 0 : index
    %swap3A_393 = vector.load %arg10[%swap3A_390, %swap3A_391, %swap3A_392] : memref<4x8x768xf32, #tpu.memory_space<vmem>>, vector<4x1x768xf32>
    tpu.vector_store %arg10[%swap3A_390, %swap3A_391, %swap3A_392], %broadcast_in_dim3A_389 {strides = array<i32>} : memref<4x8x768xf32, #tpu.memory_space<vmem>>, vector<4x1x768xf32>,
    return
  }
  func.func @transform_0(%arg0: i32) -> (i32, i32) {
    %c0_i32 = arith.constant 0 : i32
    %c0_i32_0 = arith.constant 0 : i32
    %c0_i32_1 = arith.constant 0 : i32
    return %c0_i32, %c0_i32_0 : i32, i32
  }
  func.func @transform_1(%arg0: i32) -> (i32, i32) {
    %c0_i32 = arith.constant 0 : i32
    %c0_i32_0 = arith.constant 0 : i32
    %c0_i32_1 = arith.constant 0 : i32
    return %c0_i32, %c0_i32_0 : i32, i32
  }
  func.func @transform_2(%arg0: i32) -> (i32, i32, i32) {
    %c0_i32 = arith.constant 0 : i32
    %c0_i32_0 = arith.constant 0 : i32
    %c0_i32_1 = arith.constant 0 : i32
    return %c0_i32, %arg0, %c0_i32_0 : i32, i32, i32
  }
  func.func @transform_3(%arg0: i32) -> (i32, i32, i32) {
    %c0_i32 = arith.constant 0 : i32
    %c0_i32_0 = arith.constant 0 : i32
    %c0_i32_1 = arith.constant 0 : i32
    return %c0_i32, %arg0, %c0_i32_0 : i32, i32, i32
  }
  func.func @transform_4(%arg0: i32) -> (i32, i32) {
    %c0_i32 = arith.constant 0 : i32
    %c0_i32_0 = arith.constant 0 : i32
    %c0_i32_1 = arith.constant 0 : i32
    return %c0_i32, %c0_i32_0 : i32, i32
  }
  func.func @transform_5(%arg0: i32) -> (i32, i32) {
    %c0_i32 = arith.constant 0 : i32
    %c0_i32_0 = arith.constant 0 : i32
    %c0_i32_1 = arith.constant 0 : i32
    return %c0_i32, %c0_i32_0 : i32, i32
  }
  func.func @transform_6(%arg0: i32) -> (i32, i32) {
    %c0_i32 = arith.constant 0 : i32
    %c0_i32_0 = arith.constant 0 : i32
    %c0_i32_1 = arith.constant 0 : i32
    return %c0_i32, %c0_i32_0 : i32, i32
  }
  func.func @transform_7(%arg0: i32) -> (i32, i32) {
    %c0_i32 = arith.constant 0 : i32
    %c0_i32_0 = arith.constant 0 : i32
    %c0_i32_1 = arith.constant 0 : i32
    return %c0_i32, %c0_i32_0 : i32, i32
  }
  func.func @transform_8(%arg0: i32) -> (i32, i32, i32) {
    %c0_i32 = arith.constant 0 : i32
    %c0_i32_0 = arith.constant 0 : i32
    %c0_i32_1 = arith.constant 0 : i32
    return %c0_i32, %arg0, %c0_i32_0 : i32, i32, i32
  }
  func.func @transform_9(%arg0: i32) -> (i32, i32, i32) {
    %c0_i32 = arith.constant 0 : i32
    %c0_i32_0 = arith.constant 0 : i32
    %c0_i32_1 = arith.constant 0 : i32
    return %c0_i32, %arg0, %c0_i32_0 : i32, i32, i32
  }
}

</mosaic_0001>

<sc_bundles>
// kernel: kernel.5.cloned.1.call-start
scs
__scs_entry_jumppad:
0x0: {  	(pc) =	sbr.rel $0x88, $3  }
0x1: {  	(tag) =	ssettag $0x0;
	lr =	simm.s32 $0x1  }
0x2: {  	[smem:$0x3F9B] =	sst lr;
	_ =	strace $0xD0000000  }
0x3: {  	_ = 	snop  }
0x4: {  	_ = 	snop  }
0x5: {  	_ = 	snop  }
0x6: {  	_ = 	snop  }
0x7: {  	_ = 	snop  }
__scs_overlays_trampoline_lowered:
0x8: {  	[smem:$0x3FAA] =	sst s0  }
0x9: {  	[smem:$0x3FAB] =	sst s1  }
0xa: {  	[smem:$0x3FAC] =	sst s2  }
0xb: {  	[smem:$0x3FAD] =	sst s3  }
0xc: {  	[smem:$0x3FAE] =	sst s4  }
0xd: {  	[smem:$0x3FAF] =	sst s5  }
0xe: {  	[smem:$0x3FB0] =	sst s6  }
0xf: {  	[smem:$0x3FB1] =	sst s7  }
0x10: {  	[smem:$0x3FB2] =	sst s8  }
0x11: {  	[smem:$0x3FB3] =	sst s9;
	s0 =	simm.s32 @!p0 $0x0  }
0x12: {  	s1 =	sld [smem:$0x3F99];
	s0 =	simm.s32 @p0 $0x1  }
0x13: {  	[smem:$0x3FB4] =	sst s0;
	s0 =	simm.s32 @!p1 $0x0  }
0x14: {  	s2 =	sld [smem:$0x3F98];
	s0 =	simm.s32 @p1 $0x1  }
0x15: {  	[smem:$0x3FB5] =	sst s0;
	s0 =	simm.s32 @!p2 $0x0  }
0x16: {  	s3 =	sld [smem:$0x3FDB];
	s0 =	simm.s32 @p2 $0x1  }
0x17: {  	s4 =	simm.s32 $0x1BF5;
	[smem:$0x3FB7] =	sst s0  }
0x18: {  	s0 =	sld [smem:$0x3F9A];
	_ =	swait.ge [sflag:s4], $0x0  }
0x19: {  	s7 =	sld [smem:$0x3F9B]  }
0x1a: {  	s8 =	sadd.s32 $0xFFFFE003, lr  }
0x1b: {  	s9 =	sadd.s32 $0xFFFFFEF7, lr;
	s5 =	simm.s32 $0xFFFFFFFF;
	p2 =	slt.u32 s8, $0xFFFFF086  }
0x1c: {  	p1 =	slt.u32 s9, $0xF7A;
	s5 =	simm.s32 @!p2 $0x0  }
0x1d: {  	s5 =	simm.s32 @p1 $0x1;
	p0 =	seq.s32 s7, s2  }
0x1e: {  	s7 =	smul.u32 @!p0 $0xF7A, s2;
	p2 =	seq.s32 @!p0 s5, $0x0  }
0x1f: {  	s9 =	smul.u32 $0xF7A, s1;
	s8 =	simm.s32 @!p0 $0x1BF5;
	p2 =	por !p2, p0  }
0x20: {  	[sflag:s8] =	ssyncset.s32 @!p0 $0xFFFFF086;
	s6 =	sadd.s32 @!p0 s3, s7;
	s7 =	simm.s32 @!p0 $0x108  }
0x21: {  	s3 =	sadd.s32 s3, s9;
	s6 =	sadd.s32 @!p0 $0x88, s6;
	s7 =	simm.s32 @p2 $0x1082  }
0x22: {  	[simem:s7], [sflag:s8] =	dma.local @!p0 [hbm:s6], $0xF7A  }
0x23: {  	s9 =	sor.u32 $0xD0000000, s2;
	s6 =	simm.s32 $0x108;
	_ =	swait.ge @!p0 [sflag:s8], $0x0  }
0x24: {  	s3 =	sadd.s32 $0x88, s3;
	s6 =	simm.s32 @!p1 $0x1082;
	[sflag:s4] =	ssyncset.s32 $0xFFFFF086  }
0x25: {  	[simem:s6], [sflag:s4] =	dma.local [hbm:s3], $0xF7A  }
0x26: {  	[smem:$0x3F9B] =	sst s1;
	(tag) =	ssettag s2;
	_ =	strace s9  }
0x27: {  	s1 =	sld [smem:$0x3FAB]  }
0x28: {  	s2 =	sld [smem:$0x3FAC]  }
0x29: {  	s4 =	sld [smem:$0x3FAE]  }
0x2a: {  	p0 =	seq.s32 s5, $0x0;
	s5 =	sld [smem:$0x3FAF]  }
0x2b: {  	s6 =	sld [smem:$0x3FB0]  }
0x2c: {  	s7 =	sld [smem:$0x3FB1]  }
0x2d: {  	s3 =	simm.s32 $0x108;
	s8 =	sld [smem:$0x3FB2]  }
0x2e: {  	s3 =	simm.s32 @!p0 $0x1082;
	s9 =	sld [smem:$0x3FB3]  }
0x2f: {  	lr =	sadd.s32 s0, s3;
	s0 =	sld [smem:$0x3FAA]  }
0x30: {  	s3 =	sld [smem:$0x3FAD]  }
0x31: {  	[smem:$0x3FB6] =	sst s10  }
0x32: {  	s10 =	sld [smem:$0x3FB4];
	_ =	sdelay $0x3  }
0x33: {  	p0 =	seq.s32 s10, $0x1;
	s10 =	sld [smem:$0x3FB6];
	_ =	sdelay $0x3  }
0x34: {  	[smem:$0x3FB6] =	sst s10  }
0x35: {  	s10 =	sld [smem:$0x3FB5];
	_ =	sdelay $0x3  }
0x36: {  	p1 =	seq.s32 s10, $0x1;
	s10 =	sld [smem:$0x3FB6];
	_ =	sdelay $0x3  }
0x37: {  	[smem:$0x3FB6] =	sst s10  }
0x38: {  	s10 =	sld [smem:$0x3FB7]  }
0x39: {  	_ = 	snop;
	(pc) =	sbr.ind lr, $3  }
0x3a: {  	_ = 	snop  }
0x3b: {  	_ = 	snop  }
0x3c: {  	p2 =	seq.s32 s10, $0x1;
	s10 =	sld [smem:$0x3FB6]  }
0x3d: {  	_ =	shalt  }
0x3e: {  	_ =	shalt  }
0x3f: {  	_ =	shalt  }
0x40: {  	_ =	shalt  }
0x41: {  	_ =	shalt  }
0x42: {  	_ =	shalt  }
0x43: {  	_ =	shalt  }
0x44: {  	_ =	shalt  }
0x45: {  	_ =	shalt  }
0x46: {  	_ =	shalt  }
0x47: {  	_ =	shalt  }
0x48: {  	_ =	shalt  }
0x49: {  	_ =	shalt  }
0x4a: {  	_ =	shalt  }
0x4b: {  	_ =	shalt  }
0x4c: {  	_ =	shalt  }
0x4d: {  	_ =	shalt  }
0x4e: {  	_ =	shalt  }
0x4f: {  	_ =	shalt  }
0x50: {  	_ =	shalt  }
0x51: {  	_ =	shalt  }
0x52: {  	_ =	shalt  }
0x53: {  	_ =	shalt  }
0x54: {  	_ =	shalt  }
0x55: {  	_ =	shalt  }
0x56: {  	_ =	shalt  }
0x57: {  	_ =	shalt  }
0x58: {  	_ =	shalt  }
0x59: {  	_ =	shalt  }
0x5a: {  	_ =	shalt  }
0x5b: {  	_ =	shalt  }
0x5c: {  	_ =	shalt  }
0x5d: {  	_ =	shalt  }
0x5e: {  	_ =	shalt  }
0x5f: {  	_ =	shalt  }
0x60: {  	_ =	shalt  }
0x61: {  	_ =	shalt  }
0x62: {  	_ =	shalt  }
0x63: {  	_ =	shalt  }
0x64: {  	_ =	shalt  }
0x65: {  	_ =	shalt  }
0x66: {  	_ =	shalt  }
0x67: {  	_ =	shalt  }
0x68: {  	_ =	shalt  }
0x69: {  	_ =	shalt  }
0x6a: {  	_ =	shalt  }
0x6b: {  	_ =	shalt  }
0x6c: {  	_ =	shalt  }
0x6d: {  	_ =	shalt  }
0x6e: {  	_ =	shalt  }
0x6f: {  	_ =	shalt  }
0x70: {  	_ =	shalt  }
0x71: {  	_ =	shalt  }
0x72: {  	_ =	shalt  }
0x73: {  	_ =	shalt  }
0x74: {  	_ =	shalt  }
0x75: {  	_ =	shalt  }
0x76: {  	_ =	shalt  }
0x77: {  	_ =	shalt  }
0x78: {  	_ =	shalt  }
0x79: {  	_ =	shalt  }
0x7a: {  	_ =	shalt  }
0x7b: {  	_ =	shalt  }
0x7c: {  	_ =	shalt  }
0x7d: {  	_ =	shalt  }
0x7e: {  	_ =	shalt  }
0x7f: {  	_ =	shalt  }
0x80: {  	_ =	shalt  }
0x81: {  	_ =	shalt  }
0x82: {  	_ =	shalt  }
0x83: {  	_ =	shalt  }
0x84: {  	_ =	shalt  }
0x85: {  	_ =	shalt  }
0x86: {  	_ =	shalt  }
0x87: {  	_ =	shalt  }
.Lfunc_end0:
.L_simem_size_0:
called_computation_lowered:
.L_overlay_start_0:
0x88: {  	s2 =	sld [smem:$0x3FD9]  }
0x89: {  	s3 =	sld [smem:$0x3FFE];
	_ =	sdelay $0x1  }
0x8a: {  	s1 =	srdreg.scid  }
0x8b: {  	s0 =	sand.u32 $0x1, s1  }
0x8c: {  	s15 =	sshll.u32 s0, $0xA;
	s2 =	sadd.s32 s3, s2  }
0x8d: {  	s2 =	sadd.s32 s2, s15  }
0x8e: {  	[smem:$0x3FC2] =	sst s2  }
0x8f: {  	_ = 	snop  }
0x90: {  	s2 =	sld [smem:$0x3FD0];
	_ =	sdelay $0x2  }
0x91: {  	s4 =	simm.s32 $0xA;
	s5 =	simm.s32 $0x10;
	s16 =	sld [smem:$0x3FC9]  }
0x92: {  	[smem:s5], [sflag:s4] =	dma.local [hbm:s2], $0x1  }
0x93: {  	_ =	swait.eq [sflag:s4], $0x1  }
0x94: {  	[sflag:s4] =	ssyncset.done $0x0  }
0x95: {  	[sflag:s4] =	ssyncadd.s32 $0xFFFFFFFF  }
0x96: {  	s17 =	sld [smem:$0x15];
	(tm) =	ssettm $0x1  }
0x97: {  	s18 =	sld [smem:$0x3FFB];
	_ =	sdelay $0x3  }
0x98: {  	_ =	strace s18  }
0x99: {  	s4 =	sld [smem:$0x3FFC];
	_ =	sdelay $0x3  }
0x9a: {  	_ =	strace s4  }
0x9b: {  	s4 =	sld [smem:$0x3FFD];
	_ =	sdelay $0x3  }
0x9c: {  	_ =	strace s4  }
0x9d: {  	_ =	strace $0x8FFFFFFF  }
0x9e: {  	s19 =	sld [smem:$0x3FDB];
	_ =	sdelay $0x1  }
0x9f: {  	s20 =	simm.s32 $_scs_section_size  }
0xa0: {  	s6 =	simm.s32 $_size__tile_overlayer_lowered;
	s7 =	simm.s32 $_tile_overlayer_lowered  }
0xa1: {  	s23 =	simm.s32 $0x1BFF;
	s22 =	sshll.u32 s7, $0x1;
	s4 =	sadd.s32 s20, s19  }
0xa2: {  	s8 =	simm.s32 $0x0;
	s21 =	sshll.u32 s6, $0x1;
	s6 =	sadd.s32 s22, s4  }
0xa3: {  	[timem:s8], [sflag:s23] =	dma.local [hbm:s6], s21  }
0xa4: {  	_ =	swait.ge [sflag:s23], s21  }
0xa5: {  	s5 =	ssub.s32 $0x0, s21;
	[sflag:s23] =	ssyncset.done $0x0  }
0xa6: {  	[sflag:s23] =	ssyncadd.s32 s5;
	_ =	sdelay $0x1  }
0xa7: {  	s24 =	simm.s32 $0x1B8B  }
0xa8: {  	_ =	swait.ge [sflag:s24], $0x1  }
0xa9: {  	[sflag:s24] =	ssyncset.done $0x0  }
0xaa: {  	s25 =	simm.s32 $0x1B8E;
	[sflag:s24] =	ssyncadd.s32 $0xFFFFFFFF  }
0xab: {  	s26 =	simm.s32 $execute0_lowered;
	[smem:$0x3FD2] =	sst s25  }
0xac: {  	s5 =	sshll.u32 s26, $0x1;
	_ =	strace $0x80000046;
	[dreg:$0x1] =	wrdreg $0xFFFFFFFF  }
0xad: {  	s28 =	simm.s32 $_size_execute0_lowered;
	s4 =	sadd.s32 s4, s5;
	[dreg:$0x0] =	wrdreg $0x0  }
0xae: {  	s5 =	sshll.u32 s28, $0x1;
	[dreg:$0x2] =	wrdreg s4  }
0xaf: {  	[dreg:$0x3] =	wrdreg s5  }
0xb0: {  	[dreg:$0x4] =	wrdreg $0xC0  }
0xb1: {  	_ =	task [dreg:s8], $0x5FFFF  }
0xb2: {  	[dreg:$0x1] =	wrdreg $0xFFFFFFFF  }
0xb3: {  	[dreg:$0x0] =	wrdreg $0x60  }
0xb4: {  	[dreg:$0x2] =	wrdreg s16  }
0xb5: {  	[dreg:$0x3] =	wrdreg s17  }
0xb6: {  	[dreg:$0x4] =	wrdreg $0x9  }
0xb7: {  	_ =	task.clear_ibuf [dreg:s8], $0x5FFFF;
	_ =	strace $0x90000046  }
0xb8: {  	s29 =	simm.s32 $0x9;
	_ =	strace $0x80000048  }
0xb9: {  	_ =	swait.ge [sflag:s29], $0x1  }
0xba: {  	[sflag:s29] =	ssyncadd.s32 $0xFFFFFFFF  }
0xbb: {  	_ =	strace $0x90000048  }
0xbc: {  	_ =	sfence  }
0xbd: {  	s30 =	sld [smem:$0x0];
	_ =	sdelay $0x2  }
0xbe: {  	s31 =	sshll.u32 s1, $0xD;
	s1 =	sshrl.u32 s1, $0x2  }
0xbf: {  	s3 =	sand.u32 $0x4000, s31;
	s1 =	sadd.s32 s1, s30  }
0xc0: {  	s0 =	sor.u32 s3, s0;
	s1 =	sshll.u32 s1, $0x11  }
0xc1: {  	s0 =	sor.u32 s1, s0  }
0xc2: {  	s0 =	sadd.s32 $0x8F2B, s0  }
0xc3: {  	[sflag:s0] =	ssyncadd.remote.s32 $0x1  }
0xc4: {  	_ =	sfence.sel $0xFFFF  }
0xc5: {  	[dreg:$0x0] =	wrdreg $0xFFFFFFFF;
	(pc) =	sbr.abs _section_cstart, $3  }
0xc6: {  	[dreg:$0x1] =	wrdreg $0xFFFFFFFF  }
0xc7: {  	_ =	task.clear_ibuf [dreg:s8], $0x2FFFF;
	_ =	strace $0x9FFFFFFF  }
0xc8: {  	(tm) =	ssettm $0x7FFFFFFF  }
0xc9: {  	_ =	shalt  }
tec
execute0_lowered:
.L_overlay_start_1:
0x0: {  	(tag) =	ssettag $0x1  }
0x1: {  	s3 =	rddreg [dreg:$0x0]  }
0x2: {  	s4 =	rddreg [dreg:$0x1]  }
0x3: {  	s0 =	rddreg [dreg:$0x2];
	s5 =	srdreg.scid  }
0x4: {  	s1 =	stileid.u32;
	s2 =	simm.s32 $0x0;
	s10 =	simm.s32 $0x2  }
0x5: {  	s11 =	simm.s32 $0x0;
	s5 =	sand.u32 $0x1, s5;
	s6 =	sshll.u32 s1, $0x1  }
0x6: {  	[smem:$0x7FF] =	sst s2;
	s7 =	sshll.u32 s1, $0x6;
	s9 =	sshrl.u32 s1, $0x2  }
0x7: {  	s6 =	sor.u32 s5, s6;
	s30 =	smul.u32 $0x1800, s9;
	s5 =	ssub.s32 $0x2, s5  }
0x8: {  	_ =	strace $0x80000047;
	s8 =	sshll.u32 s6, $0x3;
	s6 =	sshll.u32 s6, $0x7  }
0x9: {  	s9 =	simm.s32 $0x18000;
	s7 =	sor.u32 s7, s8;
	s6 =	sand.u32 $0x380, s6  }
0xa: {  	s31 =	sshrl.u32 s5, $0x1;
	s7 =	sand.u32 $0x338, s7;
	s6 =	sor.u32 s30, s6  }
0xb: {  	s5 =	ssub.s32 s5, s31;
	s7 =	smul.u32 $0x300, s7;
	s6 =	sshrl.u32 s6, $0x3  }
0xc: {  	s8 =	simm.s32 $0x400;
	s5 =	smax.u32 s5, $0x1;
	s4 =	sadd.s32 s4, s6  }
0xd: {  	s6 =	simm.s32 $0x1;
	s3 =	sadd.s32 s3, s7;
	s7 =	simm.s32 $0x80  }
.LBB2_1:
0xe: {  	[tilespmem:s2], [sflag:$0x1] =	stream.linear.gather [hbm4b:s3+s2], $0xC000, $0x38;
	[tilespmem:$0x18300] =	vst v63  }
0xf: {  	s12 =	simm.s32 $0x0  }
0x10: {  	s12 =	smul.u32 $0x6000, s12  }
0x11: {  	_ =	swait.ge [sflag:s6], $0xC000  }
0x12: {  	s13 =	sand.u32 $0x380, s2;
	[sflag:s6] =	ssyncset.done $0x0;
	s12 =	sshra.s32 s12, $0x2  }
0x13: {  	[sflag:s6] =	ssyncadd.s32 $0xFFFF4000;
	s12 =	sor.u32 s13, s12  }
0x14: {  	v0 =	vld [tilespmem:s12+$0x1470]  }
0x15: {  	v2 =	vld [tilespmem:s12+$0x0]  }
0x16: {  	v3 =	vld [tilespmem:s12+$0x10]  }
0x17: {  	v4 =	vld [tilespmem:s12+$0x20]  }
0x18: {  	v5 =	vld [tilespmem:s12+$0x30]  }
0x19: {  	v6 =	vld [tilespmem:s12+$0x40]  }
0x1a: {  	v7 =	vld [tilespmem:s12+$0x50]  }
0x1b: {  	v8 =	vld [tilespmem:s12+$0x60]  }
0x1c: {  	v9 =	vld [tilespmem:s12+$0x70]  }
0x1d: {  	v10 =	vld [tilespmem:s12+$0x400]  }
0x1e: {  	v11 =	vld [tilespmem:s12+$0x410]  }
0x1f: {  	v12 =	vld [tilespmem:s12+$0x420]  }
0x20: {  	v13 =	vld [tilespmem:s12+$0x430]  }
0x21: {  	v14 =	vld [tilespmem:s12+$0x440]  }
0x22: {  	v15 =	vld [tilespmem:s12+$0x450]  }
0x23: {  	v16 =	vld [tilespmem:s12+$0x460]  }
0x24: {  	v17 =	vld [tilespmem:s12+$0x470]  }
0x25: {  	v18 =	vld [tilespmem:s12+$0x800]  }
0x26: {  	v19 =	vld [tilespmem:s12+$0x810]  }
0x27: {  	v20 =	vld [tilespmem:s12+$0x820]  }
0x28: {  	v21 =	vld [tilespmem:s12+$0x830]  }
0x29: {  	v22 =	vld [tilespmem:s12+$0x840]  }
0x2a: {  	v1 =	vimm.f32 $0.0e+00;
	v23 =	vld [tilespmem:s12+$0x850]  }
0x2b: {  	v24 =	vld [tilespmem:s12+$0x860];
	v0 =	vadd.f32 v0, v1  }
0x2c: {  	v46 =	vadd.f32 v2, v1;
	v2 =	vld [tilespmem:s12+$0x870];
	v47 =	vadd.f32 v3, v1  }
0x2d: {  	v44 =	vadd.f32 v4, v1;
	v3 =	vld [tilespmem:s12+$0xC00];
	v45 =	vadd.f32 v5, v1  }
0x2e: {  	v42 =	vadd.f32 v6, v1;
	v4 =	vld [tilespmem:s12+$0xC10];
	v43 =	vadd.f32 v7, v1  }
0x2f: {  	v40 =	vadd.f32 v8, v1;
	v5 =	vld [tilespmem:s12+$0xC20];
	v41 =	vadd.f32 v9, v1  }
0x30: {  	v38 =	vadd.f32 v10, v1;
	v6 =	vld [tilespmem:s12+$0xC30];
	v39 =	vadd.f32 v11, v1  }
0x31: {  	v36 =	vadd.f32 v12, v1;
	v7 =	vld [tilespmem:s12+$0xC40];
	v37 =	vadd.f32 v13, v1  }
0x32: {  	v34 =	vadd.f32 v14, v1;
	v8 =	vld [tilespmem:s12+$0xC50];
	v35 =	vadd.f32 v15, v1  }
0x33: {  	v32 =	vadd.f32 v16, v1;
	v9 =	vld [tilespmem:s12+$0xC60];
	v33 =	vadd.f32 v17, v1  }
0x34: {  	v30 =	vadd.f32 v18, v1;
	v10 =	vld [tilespmem:s12+$0xC70];
	v31 =	vadd.f32 v19, v1  }
0x35: {  	v28 =	vadd.f32 v20, v1;
	v11 =	vld [tilespmem:s12+$0x1000];
	v29 =	vadd.f32 v21, v1  }
0x36: {  	v26 =	vadd.f32 v22, v1;
	v12 =	vld [tilespmem:s12+$0x1010];
	v27 =	vadd.f32 v23, v1  }
0x37: {  	v24 =	vadd.f32 v24, v1;
	v13 =	vld [tilespmem:s12+$0x1020];
	v25 =	vadd.f32 v2, v1  }
0x38: {  	v22 =	vadd.f32 v3, v1;
	v2 =	vld [tilespmem:s12+$0x1030];
	v23 =	vadd.f32 v4, v1  }
0x39: {  	v20 =	vadd.f32 v5, v1;
	v3 =	vld [tilespmem:s12+$0x1040];
	v21 =	vadd.f32 v6, v1  }
0x3a: {  	v18 =	vadd.f32 v7, v1;
	v4 =	vld [tilespmem:s12+$0x1050];
	v19 =	vadd.f32 v8, v1  }
0x3b: {  	v17 =	vadd.f32 v9, v1;
	v16 =	vadd.f32 v10, v1  }
0x3c: {  	v51 =	vld [tilespmem:s12+$0x1060];
	v15 =	vadd.f32 v11, v1;
	v12 =	vadd.f32 v12, v1  }
0x3d: {  	v50 =	vld [tilespmem:s12+$0x1070];
	v13 =	vadd.f32 v13, v1;
	v11 =	vimm.f32 $0.0e+00;
	v8 =	vimm.f32 $0.0e+00  }
0x3e: {  	v48 =	vld [tilespmem:s12+$0x1400];
	v7 =	vimm.f32 $0.0e+00;
	v5 =	vimm.f32 $0.0e+00;
	v14 =	vadd.f32 v2, v1  }
0x3f: {  	v49 =	vld [tilespmem:s12+$0x1410];
	v6 =	vimm.f32 $0.0e+00;
	v10 =	vadd.f32 v3, v1;
	v9 =	vadd.f32 v4, v1  }
0x40: {  	s15 =	simm.s32 $0x0;
	s14 =	simm.s32 $0x2;
	s13 =	simm.s32 $0x0;
	v52 =	vld [tilespmem:s12+$0x1420];
	v3 =	vimm.f32 $0.0e+00;
	v4 =	vimm.f32 $0.0e+00;
	v2 =	vimm.f32 $0.0e+00  }
.LBB2_2:
0x41: {  	p0 =	sne.s32 s14, $0x3F;
	s15 =	smul.u32 $0x6000, s15;
	v1 =	vadd.f32 v51, v1;
	v51 =	vld [tilespmem:s12+$0x1430]  }
0x42: {  	s13 =	sadd.s32 $0x80, s13;
	v11 =	vadd.f32 v50, v11;
	v50 =	vld [tilespmem:s12+$0x1440]  }
0x43: {  	s16 =	sand.u32 $0x380, s13;
	s15 =	sshra.s32 s15, $0x2;
	v8 =	vadd.f32 v48, v8;
	v48 =	vld [tilespmem:s12+$0x1450]  }
0x44: {  	v7 =	vadd.f32 v49, v7;
	v49 =	vld [tilespmem:s12+$0x1460];
	s12 =	sor.u32 s16, s15  }
0x45: {  	v53 =	vld [tilespmem:s12+$0x1470];
	v5 =	vadd.f32 v52, v5  }
0x46: {  	v52 =	vld [tilespmem:s12+$0x0];
	v3 =	vadd.f32 v51, v3  }
0x47: {  	v51 =	vld [tilespmem:s12+$0x10];
	v6 =	vadd.f32 v50, v6  }
0x48: {  	v50 =	vld [tilespmem:s12+$0x20];
	v4 =	vadd.f32 v48, v4  }
0x49: {  	v48 =	vld [tilespmem:s12+$0x30];
	v2 =	vadd.f32 v49, v2  }
0x4a: {  	v49 =	vld [tilespmem:s12+$0x40];
	v0 =	vadd.f32 v53, v0  }
0x4b: {  	v46 =	vadd.f32 v52, v46;
	v52 =	vld [tilespmem:s12+$0x50]  }
0x4c: {  	v47 =	vadd.f32 v51, v47;
	v51 =	vld [tilespmem:s12+$0x60]  }
0x4d: {  	v44 =	vadd.f32 v50, v44;
	v50 =	vld [tilespmem:s12+$0x70]  }
0x4e: {  	v45 =	vadd.f32 v48, v45;
	v48 =	vld [tilespmem:s12+$0x400]  }
0x4f: {  	v42 =	vadd.f32 v49, v42;
	v49 =	vld [tilespmem:s12+$0x410]  }
0x50: {  	v43 =	vadd.f32 v52, v43;
	v52 =	vld [tilespmem:s12+$0x420]  }
0x51: {  	v40 =	vadd.f32 v51, v40;
	v51 =	vld [tilespmem:s12+$0x430]  }
0x52: {  	v41 =	vadd.f32 v50, v41;
	v50 =	vld [tilespmem:s12+$0x440]  }
0x53: {  	v38 =	vadd.f32 v48, v38;
	v48 =	vld [tilespmem:s12+$0x450]  }
0x54: {  	v39 =	vadd.f32 v49, v39;
	v49 =	vld [tilespmem:s12+$0x460]  }
0x55: {  	v36 =	vadd.f32 v52, v36;
	v52 =	vld [tilespmem:s12+$0x470]  }
0x56: {  	v37 =	vadd.f32 v51, v37;
	v51 =	vld [tilespmem:s12+$0x800]  }
0x57: {  	v34 =	vadd.f32 v50, v34;
	v50 =	vld [tilespmem:s12+$0x810]  }
0x58: {  	v35 =	vadd.f32 v48, v35;
	v48 =	vld [tilespmem:s12+$0x820]  }
0x59: {  	v32 =	vadd.f32 v49, v32;
	v49 =	vld [tilespmem:s12+$0x830]  }
0x5a: {  	v33 =	vadd.f32 v52, v33;
	v52 =	vld [tilespmem:s12+$0x840]  }
0x5b: {  	v30 =	vadd.f32 v51, v30;
	v51 =	vld [tilespmem:s12+$0x850]  }
0x5c: {  	v31 =	vadd.f32 v50, v31;
	v50 =	vld [tilespmem:s12+$0x860]  }
0x5d: {  	v28 =	vadd.f32 v48, v28;
	v48 =	vld [tilespmem:s12+$0x870]  }
0x5e: {  	v29 =	vadd.f32 v49, v29;
	v49 =	vld [tilespmem:s12+$0xC00]  }
0x5f: {  	v26 =	vadd.f32 v52, v26;
	v52 =	vld [tilespmem:s12+$0xC10]  }
0x60: {  	v27 =	vadd.f32 v51, v27;
	v51 =	vld [tilespmem:s12+$0xC20]  }
0x61: {  	v24 =	vadd.f32 v50, v24;
	v50 =	vld [tilespmem:s12+$0xC30]  }
0x62: {  	v25 =	vadd.f32 v48, v25;
	v48 =	vld [tilespmem:s12+$0xC40]  }
0x63: {  	v22 =	vadd.f32 v49, v22;
	v49 =	vld [tilespmem:s12+$0xC50]  }
0x64: {  	v23 =	vadd.f32 v52, v23;
	v52 =	vld [tilespmem:s12+$0xC60]  }
0x65: {  	v20 =	vadd.f32 v51, v20;
	v51 =	vld [tilespmem:s12+$0xC70]  }
0x66: {  	v21 =	vadd.f32 v50, v21;
	v50 =	vld [tilespmem:s12+$0x1000]  }
0x67: {  	v18 =	vadd.f32 v48, v18;
	v48 =	vld [tilespmem:s12+$0x1010]  }
0x68: {  	v19 =	vadd.f32 v49, v19;
	v49 =	vld [tilespmem:s12+$0x1020]  }
0x69: {  	v17 =	vadd.f32 v52, v17;
	v52 =	vld [tilespmem:s12+$0x1030]  }
0x6a: {  	v16 =	vadd.f32 v51, v16;
	v53 =	vld [tilespmem:s12+$0x1040]  }
0x6b: {  	v15 =	vadd.f32 v50, v15;
	v54 =	vld [tilespmem:s12+$0x1050]  }
.Ltmp0:
0x6c: {  	v12 =	vadd.f32 v48, v12;
	v51 =	vld [tilespmem:s12+$0x1060];
	(pc) =	sbr.rel @p0 .LBB2_2-.Ltmp0, $4  }
0x6d: {  	v13 =	vadd.f32 v49, v13;
	v50 =	vld [tilespmem:s12+$0x1070]  }
0x6e: {  	v14 =	vadd.f32 v52, v14;
	v48 =	vld [tilespmem:s12+$0x1400]  }
0x6f: {  	v10 =	vadd.f32 v53, v10;
	v49 =	vld [tilespmem:s12+$0x1410]  }
0x70: {  	s15 =	sshrl.u32 s14, $0x3;
	s14 =	sadd.s32 $0x1, s14;
	v9 =	vadd.f32 v54, v9;
	v52 =	vld [tilespmem:s12+$0x1420]  }
0x71: {  	s14 =	smul.u32 $0x6000, s15  }
0x72: {  	s13 =	sadd.s32 $0x80, s13  }
0x73: {  	s13 =	sand.u32 $0x380, s13;
	s14 =	sshra.s32 s14, $0x2  }
0x74: {  	s13 =	sor.u32 s13, s14  }
0x75: {  	v57 =	vld [tilespmem:s13+$0x420];
	_ =	sdelay $0x4  }
0x76: {  	[tilespmem:$0x1FD80] =	vst v57;
	v57 =	vld [tilespmem:s13+$0x430];
	_ =	sdelay $0x4  }
0x77: {  	[tilespmem:$0x1FD90] =	vst v57;
	v57 =	vld [tilespmem:s13+$0x440];
	_ =	sdelay $0x4  }
0x78: {  	[tilespmem:$0x1FDA0] =	vst v57;
	v57 =	vld [tilespmem:s13+$0x450];
	_ =	sdelay $0x4  }
0x79: {  	[tilespmem:$0x1FDB0] =	vst v57;
	v57 =	vld [tilespmem:s13+$0x460];
	_ =	sdelay $0x4  }
0x7a: {  	[tilespmem:$0x1FDC0] =	vst v57;
	v57 =	vld [tilespmem:s13+$0x470];
	_ =	sdelay $0x4  }
0x7b: {  	[tilespmem:$0x1FDD0] =	vst v57;
	v57 =	vld [tilespmem:s13+$0x800];
	_ =	sdelay $0x4  }
0x7c: {  	[tilespmem:$0x1FDE0] =	vst v57;
	v57 =	vld [tilespmem:s13+$0x810];
	_ =	sdelay $0x4  }
0x7d: {  	[tilespmem:$0x1FDF0] =	vst v57;
	v57 =	vld [tilespmem:s13+$0x820];
	_ =	sdelay $0x4  }
0x7e: {  	[tilespmem:$0x1FE00] =	vst v57;
	v57 =	vld [tilespmem:s13+$0x830];
	_ =	sdelay $0x4  }
0x7f: {  	[tilespmem:$0x1FE10] =	vst v57;
	v57 =	vld [tilespmem:s13+$0x840];
	_ =	sdelay $0x4  }
0x80: {  	[tilespmem:$0x1FE20] =	vst v57;
	v57 =	vld [tilespmem:s13+$0x850];
	_ =	sdelay $0x4  }
0x81: {  	[tilespmem:$0x1FE30] =	vst v57;
	v57 =	vld [tilespmem:s13+$0x860];
	_ =	sdelay $0x4  }
0x82: {  	[tilespmem:$0x1FE40] =	vst v57;
	v57 =	vld [tilespmem:s13+$0x870];
	_ =	sdelay $0x4  }
0x83: {  	[tilespmem:$0x1FE50] =	vst v57;
	v57 =	vld [tilespmem:s13+$0xC00];
	_ =	sdelay $0x4  }
0x84: {  	[tilespmem:$0x1FE60] =	vst v57;
	v57 =	vld [tilespmem:s13+$0xC10];
	_ =	sdelay $0x4  }
0x85: {  	[tilespmem:$0x1FE70] =	vst v57;
	v57 =	vld [tilespmem:s13+$0xC20];
	_ =	sdelay $0x4  }
0x86: {  	[tilespmem:$0x1FE80] =	vst v57;
	v57 =	vld [tilespmem:s13+$0xC30];
	_ =	sdelay $0x4  }
0x87: {  	[tilespmem:$0x1FE90] =	vst v57;
	v57 =	vld [tilespmem:s13+$0xC40];
	_ =	sdelay $0x4  }
0x88: {  	[tilespmem:$0x1FEA0] =	vst v57;
	v57 =	vld [tilespmem:s13+$0xC50];
	_ =	sdelay $0x4  }
0x89: {  	[tilespmem:$0x1FEB0] =	vst v57;
	v57 =	vld [tilespmem:s13+$0xC60];
	_ =	sdelay $0x4  }
0x8a: {  	[tilespmem:$0x1FEC0] =	vst v57;
	v57 =	vld [tilespmem:s13+$0xC70];
	_ =	sdelay $0x4  }
0x8b: {  	[tilespmem:$0x1FED0] =	vst v57;
	v57 =	vld [tilespmem:s13+$0x1000];
	_ =	sdelay $0x4  }
0x8c: {  	[tilespmem:$0x1FEE0] =	vst v57;
	v57 =	vld [tilespmem:s13+$0x1010];
	_ =	sdelay $0x4  }
0x8d: {  	[tilespmem:$0x1FEF0] =	vst v57;
	v57 =	vld [tilespmem:s13+$0x1020];
	_ =	sdelay $0x4  }
0x8e: {  	[tilespmem:$0x1FF00] =	vst v57;
	v57 =	vld [tilespmem:s13+$0x1030];
	_ =	sdelay $0x4  }
0x8f: {  	[tilespmem:$0x1FF10] =	vst v57;
	v57 =	vld [tilespmem:s13+$0x1040];
	_ =	sdelay $0x4  }
0x90: {  	[tilespmem:$0x1FF20] =	vst v57;
	v57 =	vld [tilespmem:s13+$0x1050];
	_ =	sdelay $0x4  }
0x91: {  	[tilespmem:$0x1FF30] =	vst v57;
	v57 =	vld [tilespmem:s13+$0x1060];
	_ =	sdelay $0x4  }
0x92: {  	[tilespmem:$0x1FF40] =	vst v57;
	v57 =	vld [tilespmem:s13+$0x1070];
	_ =	sdelay $0x4  }
0x93: {  	[tilespmem:$0x1FF50] =	vst v57;
	v57 =	vld [tilespmem:s13+$0x1400]  }
0x94: {  	v53 =	vld [tilespmem:s12+$0x1430]  }
0x95: {  	v60 =	vld [tilespmem:s12+$0x1440]  }
0x96: {  	v61 =	vld [tilespmem:s12+$0x1450]  }
0x97: {  	v62 =	vld [tilespmem:s12+$0x1460]  }
0x98: {  	[tilespmem:$0x1FF60] =	vst v57;
	v57 =	vld [tilespmem:s13+$0x1410]  }
0x99: {  	v63 =	vld [tilespmem:s13+$0x1470]  }
0x9a: {  	v58 =	vld [tilespmem:s13+$0x0]  }
0x9b: {  	v59 =	vld [tilespmem:s13+$0x10]  }
0x9c: {  	v54 =	vld [tilespmem:s13+$0x70]  }
0x9d: {  	[tilespmem:$0x1FF80] =	vst v57;
	v57 =	vld [tilespmem:s13+$0x1420]  }
0x9e: {  	v55 =	vld [tilespmem:s13+$0x400]  }
0x9f: {  	v56 =	vld [tilespmem:s13+$0x410]  }
0xa0: {  	[tilespmem:$0x1FF90] =	vst v60;
	v60 =	vld [tilespmem:s13+$0x20]  }
0xa1: {  	[tilespmem:$0x1FFB0] =	vst v61;
	v61 =	vld [tilespmem:s13+$0x30]  }
0xa2: {  	[tilespmem:$0x1FFA0] =	vst v57;
	v57 =	vld [tilespmem:s13+$0x1430]  }
0xa3: {  	[tilespmem:$0x1FFD0] =	vst v62;
	v62 =	vld [tilespmem:s13+$0x40]  }
0xa4: {  	[tilespmem:$0x1FF70] =	vst v53;
	v53 =	vld [tilespmem:s13+$0x60]  }
0xa5: {  	[tilespmem:$0x1FFF0] =	vst v63;
	v63 =	vld [tilespmem:s13+$0x50]  }
0xa6: {  	v46 =	vadd.f32 v58, v46;
	v58 =	vld [tilespmem:s13+$0x1450]  }
0xa7: {  	v47 =	vadd.f32 v59, v47;
	v59 =	vld [tilespmem:s13+$0x1460];
	[tilespmem:$0x1FFC0] =	vst v57  }
0xa8: {  	v44 =	vadd.f32 v60, v44;
	v57 =	vld [tilespmem:s13+$0x1440];
	[tilespmem:$0x18000] =	vst v46  }
0xa9: {  	v39 =	vadd.f32 v56, v39;
	v45 =	vadd.f32 v61, v45;
	v56 =	vld [tilespmem:$0x1FDE0];
	[tilespmem:$0x18010] =	vst v47  }
0xaa: {  	v42 =	vadd.f32 v62, v42;
	v40 =	vadd.f32 v53, v40;
	v53 =	vld [tilespmem:$0x1FDB0];
	[tilespmem:$0x18020] =	vst v44  }
0xab: {  	v43 =	vadd.f32 v63, v43;
	v60 =	vld [tilespmem:$0x1FE00];
	[tilespmem:$0x18030] =	vst v45  }
0xac: {  	v41 =	vadd.f32 v54, v41;
	v54 =	vld [tilespmem:$0x1FDC0];
	[tilespmem:$0x18040] =	vst v42  }
0xad: {  	v38 =	vadd.f32 v55, v38;
	v55 =	vld [tilespmem:$0x1FDD0];
	[tilespmem:$0x18050] =	vst v43  }
0xae: {  	v30 =	vadd.f32 v56, v30;
	v56 =	vld [tilespmem:$0x1FFB0];
	[tilespmem:$0x18060] =	vst v40  }
0xaf: {  	v61 =	vld [tilespmem:$0x1FE10];
	[tilespmem:$0x18070] =	vst v41  }
0xb0: {  	v35 =	vadd.f32 v53, v35;
	v28 =	vadd.f32 v60, v28;
	v60 =	vld [tilespmem:$0x1FFD0];
	[tilespmem:$0x18080] =	vst v38  }
0xb1: {  	v32 =	vadd.f32 v54, v32;
	v62 =	vld [tilespmem:$0x1FE20];
	[tilespmem:$0x18090] =	vst v39  }
0xb2: {  	v33 =	vadd.f32 v55, v33;
	v63 =	vld [tilespmem:$0x1FE30];
	[tilespmem:$0x180D0] =	vst v35  }
0xb3: {  	v8 =	vadd.f32 v48, v8;
	v48 =	vld [tilespmem:$0x1FF40];
	[tilespmem:$0x180E0] =	vst v32  }
0xb4: {  	v1 =	vadd.f32 v51, v1;
	v51 =	vld [tilespmem:$0x1FF60];
	[tilespmem:$0x180F0] =	vst v33  }
0xb5: {  	v29 =	vadd.f32 v61, v29;
	[tilespmem:$0x18100] =	vst v30  }
0xb6: {  	v5 =	vadd.f32 v52, v5;
	v52 =	vld [tilespmem:$0x1FF70];
	v26 =	vadd.f32 v62, v26;
	[tilespmem:$0x18120] =	vst v28  }
0xb7: {  	v27 =	vadd.f32 v63, v27;
	v63 =	vld [tilespmem:$0x1FFF0];
	[tilespmem:$0x18130] =	vst v29  }
0xb8: {  	v4 =	vadd.f32 v56, v4;
	v1 =	vadd.f32 v48, v1;
	v53 =	vld [tilespmem:$0x1FF80];
	[tilespmem:$0x18140] =	vst v26  }
0xb9: {  	v2 =	vadd.f32 v60, v2;
	v8 =	vadd.f32 v51, v8;
	v55 =	vld [tilespmem:$0x1FFA0];
	[tilespmem:$0x18150] =	vst v27  }
0xba: {  	v54 =	vld [tilespmem:$0x1FF90];
	v4 =	vadd.f32 v58, v4;
	[tilespmem:$0x18260] =	vst v1  }
0xbb: {  	v7 =	vadd.f32 v49, v7;
	v62 =	vadd.f32 v59, v2;
	v45 =	vld [tilespmem:$0x1FD80];
	[tilespmem:$0x18280] =	vst v8  }
0xbc: {  	v0 =	vadd.f32 v63, v0;
	v46 =	vld [tilespmem:$0x1FD90];
	[tilespmem:$0x182D0] =	vst v4  }
0xbd: {  	v47 =	vld [tilespmem:$0x1FDA0];
	v1 =	vadd.f32 v52, v3;
	v3 =	vadd.f32 v53, v7;
	[tilespmem:$0x182E0] =	vst v62  }
0xbe: {  	v32 =	vld [tilespmem:$0x1FE40];
	[tilespmem:$0x182F0] =	vst v0;
	v5 =	vadd.f32 v55, v5  }
0xbf: {  	v33 =	vld [tilespmem:$0x1FE50];
	[tilespmem:$0x18290] =	vst v3  }
0xc0: {  	v35 =	vld [tilespmem:$0x1FE70];
	[tilespmem:$0x182A0] =	vst v5;
	v36 =	vadd.f32 v45, v36  }
0xc1: {  	v38 =	vld [tilespmem:$0x1FEA0];
	[tilespmem:$0x1FFE0] =	vst v57;
	v37 =	vadd.f32 v46, v37  }
0xc2: {  	v39 =	vld [tilespmem:$0x1FEB0];
	v34 =	vadd.f32 v47, v34;
	[tilespmem:$0x180A0] =	vst v36  }
0xc3: {  	v40 =	vld [tilespmem:$0x1FEC0];
	v24 =	vadd.f32 v32, v24;
	[tilespmem:$0x180B0] =	vst v37  }
0xc4: {  	v41 =	vld [tilespmem:$0x1FED0];
	v25 =	vadd.f32 v33, v25;
	[tilespmem:$0x180C0] =	vst v34  }
0xc5: {  	v42 =	vld [tilespmem:$0x1FEE0];
	v23 =	vadd.f32 v35, v23;
	[tilespmem:$0x18160] =	vst v24  }
0xc6: {  	v43 =	vld [tilespmem:$0x1FEF0];
	v18 =	vadd.f32 v38, v18;
	[tilespmem:$0x18170] =	vst v25  }
0xc7: {  	v44 =	vld [tilespmem:$0x1FF00];
	v19 =	vadd.f32 v39, v19;
	[tilespmem:$0x18190] =	vst v23  }
0xc8: {  	v57 =	vld [tilespmem:$0x1FDF0];
	v17 =	vadd.f32 v40, v17;
	[tilespmem:$0x181C0] =	vst v18  }
0xc9: {  	v16 =	vadd.f32 v41, v16;
	v45 =	vld [tilespmem:$0x1FF10];
	[tilespmem:$0x181D0] =	vst v19  }
0xca: {  	v15 =	vadd.f32 v42, v15;
	v46 =	vld [tilespmem:$0x1FF20];
	[tilespmem:$0x181E0] =	vst v17  }
0xcb: {  	v12 =	vadd.f32 v43, v12;
	v47 =	vld [tilespmem:$0x1FF30];
	[tilespmem:$0x181F0] =	vst v16  }
0xcc: {  	v13 =	vadd.f32 v44, v13;
	v61 =	vld [tilespmem:$0x1FFE0];
	[tilespmem:$0x18200] =	vst v15  }
0xcd: {  	v34 =	vld [tilespmem:$0x1FE60];
	[tilespmem:$0x18210] =	vst v12;
	v31 =	vadd.f32 v57, v31  }
0xce: {  	v36 =	vld [tilespmem:$0x1FE80];
	[tilespmem:$0x18220] =	vst v13;
	v14 =	vadd.f32 v45, v14  }
0xcf: {  	v6 =	vadd.f32 v54, v6;
	v37 =	vld [tilespmem:$0x1FE90];
	v10 =	vadd.f32 v46, v10;
	[tilespmem:$0x18110] =	vst v31  }
0xd0: {  	v11 =	vadd.f32 v50, v11;
	v50 =	vld [tilespmem:$0x1FF50];
	v9 =	vadd.f32 v47, v9;
	[tilespmem:$0x18230] =	vst v14  }
0xd1: {  	v57 =	vld [tilespmem:$0x1FFC0];
	v3 =	vadd.f32 v61, v6;
	[tilespmem:$0x18240] =	vst v10  }
0xd2: {  	v22 =	vadd.f32 v34, v22;
	[tilespmem:$0x18250] =	vst v9  }
0xd3: {  	v20 =	vadd.f32 v36, v20;
	[tilespmem:$0x182C0] =	vst v3  }
0xd4: {  	v21 =	vadd.f32 v37, v21;
	[tilespmem:$0x18180] =	vst v22  }
0xd5: {  	v10 =	vadd.f32 v50, v11;
	[tilespmem:$0x181A0] =	vst v20  }
0xd6: {  	s11 =	sadd.s32 $0x1, s11;
	[tilespmem:$0x181B0] =	vst v21;
	v1 =	vadd.f32 v57, v1  }
0xd7: {  	p0 =	sne.s32 s11, s5;
	[tilespmem:$0x18270] =	vst v10  }
.Ltmp1:
0xd8: {  	[tilespmem:$0x182B0] =	vst v1;
	(pc) =	sbr.rel @p0 .LBB2_1-.Ltmp1, $4  }
0xd9: {  	[hbm4b:s4+s7] =	stream.strided.scatter [tilespmem:s9], [sflag:$0x2], $0x300, s8, s7, $0x38;
	[tilespmem:$0x18300] =	vst v63  }
0xda: {  	_ =	swait.ge [sflag:s10], $0x300  }
0xdb: {  	[sflag:s10] =	ssyncset.done $0x0  }
0xdc: {  	[sflag:s10] =	ssyncadd.s32 $0xFFFFFD00  }
0xdd: {  	_ =	sfence.sel $0x180000  }
0xde: {  	[bflag:$0x0] =	sbarrier.arrive $0xFFFF  }
0xdf: {  	p0 =	sne.s32 s1, $0x0;
	_ =	strace $0x90000047  }
0xe0: {  	s0 =	sadd.s32 @!p0 $0x100000, s0;
	[bflag:$0x2] =	sbarrier.arrive $0xFFFF  }
0xe1: {  	[sflag:s0] =	ssyncadd.tile.s32 @!p0 $0x1;
	_ =	shalt  }
.Lfunc_end2:
_tile_overlayer_lowered:
.L_overlay_start_2:
0xe2: {  	(tag) =	ssettag $0x2  }
0xe3: {  	s0 =	rddreg [dreg:$0x0];
	s2 =	stileid.u32  }
0xe4: {  	s1 =	rddreg [dreg:$0x1];
	p0 =	sne.s32 s2, $0x0  }
0xe5: {  	s3 =	rddreg [dreg:$0x2];
	[bflag:$0x3] =	sbarrier.arrive $0xFFFF;
	s2 =	simm.s32 @!p0 $0x1C02  }
0xe6: {  	[timem:s3], [sflag:s2] =	dma.local @!p0 [hbm:s0], s1  }
0xe7: {  	s0 =	simm.s32 @!p0 $0x2  }
0xe8: {  	_ =	swait.ge @!p0 [sflag:s0], s1  }
0xe9: {  	s1 =	ssub.s32 @!p0 $0x0, s1;
	[sflag:s0] =	ssyncset.done @!p0 $0x0  }
0xea: {  	[sflag:s0] =	ssyncadd.s32 @!p0 s1  }
0xeb: {  	[bflag:$0x3] =	sbarrier.arrive $0xFFFF  }
0xec: {  	_ =	shalt  }

</sc_bundles>
